<compile_context>
chip_gen: v7x
topology: tpu7x:2x2x1
jax: 0.10.2.dev20260603
libtpu: 0.0.44.dev20260713+nightly
codegen_flags: <defaults>
</compile_context>

<pallas_src>
import functools

import jax
import jax.numpy as jnp
from jax import lax
from jax.experimental import pallas as pl
from jax.experimental.pallas import tpu as pltpu
from jax.experimental.pallas import tpu_sc as plsc

_NC = 2
_NS = 16
_NW = _NC * _NS
_L = 16
_BT = 128
_DT = 8


def _body(seq, dim, table_hbm, idx_hbm, out_hbm, idx_v, g_v, t_v, gsem, osem):
    wid = lax.axis_index("s") * _NC + lax.axis_index("c")
    n_dt = dim // _DT
    pltpu.sync_copy(idx_hbm.at[:, wid], idx_v)

    def gather_desc(s, p):
        return pltpu.make_async_copy(
            table_hbm.at[idx_v.at[s // _DT, lax.rem(s, _DT)]],
            g_v.at[p],
            gsem.at[p],
        )

    def write_desc(s, p):
        return pltpu.make_async_copy(
            t_v.at[p, :, :, pl.ds(0, _BT)],
            out_hbm.at[s, :, wid],
            osem.at[p],
        )

    dsplit = []
    for d0 in range(0, dim, _L):
        dvec = lax.iota(jnp.int32, _L) + d0
        dsplit.append((dvec // _DT, lax.rem(dvec, _DT)))

    gather_desc(0, 0).start()
    gather_desc(1, 1).start()
    gather_desc(2, 2).start()

    @pl.loop(0, seq, step=4)
    def _(s0):
        for h in (0, 1, 2, 3):
            s = s0 + h
            p = h
            w = h

            gather_desc(s, p).wait()

            @pl.when(s + 3 < seq)
            def _():
                gather_desc(s + 3, (h + 3) % 4).start()

            @pl.when(s >= 4)
            def _():
                write_desc(s - 4, w).wait()

            @plsc.parallel_loop(0, _BT, unroll=8)
            def _(c):
                cv = jnp.full((_L,), c, jnp.int32)
                for k, (iv, rv) in enumerate(dsplit):
                    v = g_v[p, c, pl.ds(k * _L, _L)]
                    plsc.store_scatter(t_v.at[w], [iv, rv, cv], v)

            write_desc(s, w).start()

    for e in range(4):
        write_desc(seq - 4 + e, e).wait()


@functools.partial(jax.jit, static_argnames=("batch", "seq", "dim"))
def _gather(table, idx4, *, batch, seq, dim):
    mesh = plsc.VectorSubcoreMesh(core_axis_name="c", subcore_axis_name="s")
    run = pl.kernel(
        functools.partial(_body, seq, dim),
        out_type=jax.ShapeDtypeStruct(
            (seq, dim // _DT, batch // _BT, _DT, _BT), jnp.float32
        ),
        mesh=mesh,
        scratch_types=[
            pltpu.VMEM((seq // _DT, _DT, _BT), jnp.int32),
            pltpu.VMEM((4, _BT, dim), jnp.float32),
            pltpu.VMEM((4, dim // _DT, _DT, _BT + 1), jnp.float32),
            pltpu.SemaphoreType.DMA((4,)),
            pltpu.SemaphoreType.DMA((4,)),
        ],
        compiler_params=pltpu.CompilerParams(
            use_tc_tiling_on_sc=False, needs_layout_passes=False
        ),
    )
    return run(table, idx4)


def kernel(gene_ids, table):
    batch, seq = gene_ids.shape
    dim = table.shape[1]
    assert batch == _NW * _BT
    assert seq % _DT == 0 and seq % 4 == 0 and dim % _DT == 0
    idx4 = 2 * jnp.transpose(
        gene_ids.T.reshape(seq // _DT, _DT, batch // _BT, _BT), (0, 2, 1, 3)
    )
    vpad = -table.shape[0] % _DT
    tab2 = jnp.pad(table, ((0, vpad), (0, dim))).reshape(-1, dim)
    x = _gather(tab2, idx4, batch=batch, seq=seq, dim=dim)
    return jnp.transpose(x, (2, 4, 0, 1, 3)).reshape(batch, seq, dim)

# --- scband reference (transcript-rebuilt; emitter-appended) ---
"""Pipeline reference for scband-gene-embedding-5531917877940 (READ-ONLY COPY).

The authoritative reference and input builder live on the scoring server;
editing this copy changes nothing except your own understanding.
"""

import jax, jax.numpy as jnp
import numpy as np

NUM_GENES = 100000
EMBED_DIM = 64
BATCH = 4096
SEQ = 200


def setup_inputs(seed: int = 0) -> dict:
    key = jax.random.key(seed)
    k_idx, k_tab = jax.random.split(key)
    gene_ids = jax.random.randint(k_idx, (BATCH, SEQ), 0, NUM_GENES + 2, dtype=jnp.int32)
    table = jax.random.normal(k_tab, (NUM_GENES + 2, EMBED_DIM), dtype=jnp.float32)
    # padding_idx=0 row is initialized to zeros in nn.Embedding
    table = table.at[0].set(0.0)
    return {"gene_ids": gene_ids, "table": table}


def reference(gene_ids, table):
    # nn.Embedding forward: pure row gather from the embedding table
    return jnp.take(table, gene_ids, axis=0)

if __name__ == "__main__":
    import jax
    _d = setup_inputs()
    print(jax.jit(kernel)(*tuple(_d.values())))

</pallas_src>

<mosaic_0001>
#map = affine_map<(d0, d1) -> (0, 0)>
#map1 = affine_map<(d0, d1) -> (0, 0, 0, 0)>
#map2 = affine_map<(d0, d1) -> (0, 0, 0, 0, 0)>
module attributes {stable_mosaic.version = 14 : i64} {
  func.func @_body(%arg0: i32, %arg1: i32, %arg2: memref<200016x64xf32, #tpu.memory_space<hbm>>, %arg3: memref<25x32x8x128xi32, #tpu.memory_space<hbm>>, %arg4: memref<200x8x32x8x128xf32, #tpu.memory_space<hbm>>, %arg5: memref<25x8x128xi32, #tpu.memory_space<vmem>>, %arg6: memref<4x128x64xf32, #tpu.memory_space<vmem>>, %arg7: memref<4x8x8x129xf32, #tpu.memory_space<vmem>>, %arg8: memref<4x!tpu.dma_semaphore, #tpu.memory_space<semaphore_mem>>, %arg9: memref<4x!tpu.dma_semaphore, #tpu.memory_space<semaphore_mem>>) attributes {dimension_semantics = [#tpu.dimension_semantics<core_parallel>, #tpu.dimension_semantics<subcore_parallel>], iteration_bounds = array<i64: 2, 16>, scalar_prefetch = 0 : i64, scratch_operands = 5 : i64, tpu.core_type = #tpu.core_type<sc_vector_subcore>, window_params = [{transform_indices = #map}, {transform_indices = #map1}, {transform_indices = #map2}]} {
    %mul3A = arith.constant 2 : i32
    %mul3A_0 = arith.muli %arg1, %mul3A : i32
    %add3A = arith.addi %mul3A_0, %arg0 : i32
    "tpu.region"() ({
      %run_scoped3A = tpu.sem_alloc : memref<!tpu.dma_semaphore, #tpu.memory_space<semaphore_mem>>
      %dma_start3A_300 = arith.constant 0 : i32
      %dma_start3A_301 = arith.constant 0 : i32
      %dma_start3A_302 = arith.constant 0 : i32
      %dma_start3A_303 = tpu.memref_slice %arg3[%dma_start3A_300, %add3A, %dma_start3A_301, %dma_start3A_302] : memref<25x32x8x128xi32, #tpu.memory_space<hbm>> -> memref<25x1x8x128xi32, #tpu.memory_space<hbm>>
      %dma_start3A_304 = tpu.memref_squeeze %dma_start3A_303 : memref<25x1x8x128xi32, #tpu.memory_space<hbm>> -> memref<25x8x128xi32, #tpu.memory_space<hbm>>
      %dma_start3A_305 = arith.constant 0 : i32
      %dma_start3A_306 = arith.constant 0 : i32
      %dma_start3A_307 = arith.constant 0 : i32
      %dma_start3A_308 = tpu.memref_slice %arg3[%dma_start3A_305, %add3A, %dma_start3A_306, %dma_start3A_307] : memref<25x32x8x128xi32, #tpu.memory_space<hbm>> -> memref<25x1x8x128xi32, #tpu.memory_space<hbm>>
      %dma_start3A_309 = tpu.memref_squeeze %dma_start3A_308 : memref<25x1x8x128xi32, #tpu.memory_space<hbm>> -> memref<25x8x128xi32, #tpu.memory_space<hbm>>
      tpu.enqueue_dma source(%dma_start3A_309 : memref<25x8x128xi32, #tpu.memory_space<hbm>>) target(%arg5 : memref<25x8x128xi32, #tpu.memory_space<vmem>>) target_semaphore(%run_scoped3A : memref<!tpu.dma_semaphore, #tpu.memory_space<semaphore_mem>>)
      %dma_wait3A_310 = arith.constant 0 : i32
      %dma_wait3A_311 = arith.constant 0 : i32
      %dma_wait3A_312 = arith.constant 0 : i32
      %dma_wait3A_313 = tpu.memref_slice %arg3[%dma_wait3A_310, %add3A, %dma_wait3A_311, %dma_wait3A_312] : memref<25x32x8x128xi32, #tpu.memory_space<hbm>> -> memref<25x1x8x128xi32, #tpu.memory_space<hbm>>
      %dma_wait3A_314 = tpu.memref_squeeze %dma_wait3A_313 : memref<25x1x8x128xi32, #tpu.memory_space<hbm>> -> memref<25x8x128xi32, #tpu.memory_space<hbm>>
      %dma_wait3A_315 = arith.constant 0 : i32
      %dma_wait3A_316 = arith.constant 0 : i32
      %dma_wait3A_317 = arith.constant 0 : i32
      %dma_wait3A_318 = tpu.memref_slice %arg3[%dma_wait3A_315, %add3A, %dma_wait3A_316, %dma_wait3A_317] : memref<25x32x8x128xi32, #tpu.memory_space<hbm>> -> memref<25x1x8x128xi32, #tpu.memory_space<hbm>>
      %dma_wait3A_319 = tpu.memref_squeeze %dma_wait3A_318 : memref<25x1x8x128xi32, #tpu.memory_space<hbm>> -> memref<25x8x128xi32, #tpu.memory_space<hbm>>
      tpu.wait_dma2 semaphore(%run_scoped3A : memref<!tpu.dma_semaphore, #tpu.memory_space<semaphore_mem>>) src(%dma_wait3A_319 : memref<25x8x128xi32, #tpu.memory_space<hbm>>) dst(%arg5 : memref<25x8x128xi32, #tpu.memory_space<vmem>>)
      tpu.yield
    }) : () -> ()
    %iota3A = tpu.iota {dimensions = array<i32: 0>} : vector<16xi32>
    %add3A_1 = arith.constant 0 : i32
    %add3A_2 = vector.broadcast %add3A_1 : i32 to vector<16xi32>
    %add3A_3 = arith.addi %iota3A, %add3A_2 : vector<16xi32>
    %jit3A = arith.constant 8 : i32
    %div3A = vector.broadcast %jit3A : i32 to vector<16xi32>
    %div3A_4 = arith.divsi %add3A_3, %div3A : vector<16xi32>
    %sign3A = arith.constant 0 : i32
    %sign3A_5 = vector.broadcast %sign3A : i32 to vector<16xi32>
    %sign3A_6 = arith.cmpi sgt, %add3A_3, %sign3A_5 : vector<16xi32>
    %sign3A_7 = arith.extui %sign3A_6 : vector<16xi1> to vector<16xi32>
    %sign3A_8 = arith.constant 0 : i32
    %sign3A_9 = vector.broadcast %sign3A_8 : i32 to vector<16xi32>
    %sign3A_10 = arith.cmpi slt, %add3A_3, %sign3A_9 : vector<16xi32>
    %sign3A_11 = arith.extui %sign3A_10 : vector<16xi1> to vector<16xi32>
    %sign3A_12 = arith.subi %sign3A_7, %sign3A_11 : vector<16xi32>
    %sign3A_13 = arith.constant 0 : i32
    %sign3A_14 = arith.cmpi sgt, %jit3A, %sign3A_13 : i32
    %sign3A_15 = arith.extui %sign3A_14 : i1 to i32
    %sign3A_16 = arith.constant 0 : i32
    %sign3A_17 = arith.cmpi slt, %jit3A, %sign3A_16 : i32
    %sign3A_18 = arith.extui %sign3A_17 : i1 to i32
    %sign3A_19 = arith.subi %sign3A_15, %sign3A_18 : i32
    %ne3A = vector.broadcast %sign3A_19 : i32 to vector<16xi32>
    %ne3A_20 = arith.cmpi ne, %sign3A_12, %ne3A : vector<16xi32>
    %rem3A = vector.broadcast %jit3A : i32 to vector<16xi32>
    %rem3A_21 = arith.remsi %add3A_3, %rem3A : vector<16xi32>
    %ne3A_22 = arith.constant 0 : i32
    %ne3A_23 = vector.broadcast %ne3A_22 : i32 to vector<16xi32>
    %ne3A_24 = arith.cmpi ne, %rem3A_21, %ne3A_23 : vector<16xi32>
    %and3A = arith.andi %ne3A_20, %ne3A_24 : vector<16xi1>
    %sub3A = arith.constant 1 : i32
    %sub3A_25 = vector.broadcast %sub3A : i32 to vector<16xi32>
    %sub3A_26 = arith.subi %div3A_4, %sub3A_25 : vector<16xi32>
    %select_n3A = arith.select %and3A, %sub3A_26, %div3A_4 : vector<16xi1>, vector<16xi32>
    %rem3A_27 = arith.constant 8 : i32
    %rem3A_28 = vector.broadcast %rem3A_27 : i32 to vector<16xi32>
    %rem3A_29 = arith.remsi %add3A_3, %rem3A_28 : vector<16xi32>
    %iota3A_30 = tpu.iota {dimensions = array<i32: 0>} : vector<16xi32>
    %add3A_31 = arith.constant 16 : i32
    %add3A_32 = vector.broadcast %add3A_31 : i32 to vector<16xi32>
    %add3A_33 = arith.addi %iota3A_30, %add3A_32 : vector<16xi32>
    %jit3A_34 = arith.constant 8 : i32
    %div3A_35 = vector.broadcast %jit3A_34 : i32 to vector<16xi32>
    %div3A_36 = arith.divsi %add3A_33, %div3A_35 : vector<16xi32>
    %sign3A_37 = arith.constant 0 : i32
    %sign3A_38 = vector.broadcast %sign3A_37 : i32 to vector<16xi32>
    %sign3A_39 = arith.cmpi sgt, %add3A_33, %sign3A_38 : vector<16xi32>
    %sign3A_40 = arith.extui %sign3A_39 : vector<16xi1> to vector<16xi32>
    %sign3A_41 = arith.constant 0 : i32
    %sign3A_42 = vector.broadcast %sign3A_41 : i32 to vector<16xi32>
    %sign3A_43 = arith.cmpi slt, %add3A_33, %sign3A_42 : vector<16xi32>
    %sign3A_44 = arith.extui %sign3A_43 : vector<16xi1> to vector<16xi32>
    %sign3A_45 = arith.subi %sign3A_40, %sign3A_44 : vector<16xi32>
    %sign3A_46 = arith.constant 0 : i32
    %sign3A_47 = arith.cmpi sgt, %jit3A_34, %sign3A_46 : i32
    %sign3A_48 = arith.extui %sign3A_47 : i1 to i32
    %sign3A_49 = arith.constant 0 : i32
    %sign3A_50 = arith.cmpi slt, %jit3A_34, %sign3A_49 : i32
    %sign3A_51 = arith.extui %sign3A_50 : i1 to i32
    %sign3A_52 = arith.subi %sign3A_48, %sign3A_51 : i32
    %ne3A_53 = vector.broadcast %sign3A_52 : i32 to vector<16xi32>
    %ne3A_54 = arith.cmpi ne, %sign3A_45, %ne3A_53 : vector<16xi32>
    %rem3A_55 = vector.broadcast %jit3A_34 : i32 to vector<16xi32>
    %rem3A_56 = arith.remsi %add3A_33, %rem3A_55 : vector<16xi32>
    %ne3A_57 = arith.constant 0 : i32
    %ne3A_58 = vector.broadcast %ne3A_57 : i32 to vector<16xi32>
    %ne3A_59 = arith.cmpi ne, %rem3A_56, %ne3A_58 : vector<16xi32>
    %and3A_60 = arith.andi %ne3A_54, %ne3A_59 : vector<16xi1>
    %sub3A_61 = arith.constant 1 : i32
    %sub3A_62 = vector.broadcast %sub3A_61 : i32 to vector<16xi32>
    %sub3A_63 = arith.subi %div3A_36, %sub3A_62 : vector<16xi32>
    %select_n3A_64 = arith.select %and3A_60, %sub3A_63, %div3A_36 : vector<16xi1>, vector<16xi32>
    %rem3A_65 = arith.constant 8 : i32
    %rem3A_66 = vector.broadcast %rem3A_65 : i32 to vector<16xi32>
    %rem3A_67 = arith.remsi %add3A_33, %rem3A_66 : vector<16xi32>
    %iota3A_68 = tpu.iota {dimensions = array<i32: 0>} : vector<16xi32>
    %add3A_69 = arith.constant 32 : i32
    %add3A_70 = vector.broadcast %add3A_69 : i32 to vector<16xi32>
    %add3A_71 = arith.addi %iota3A_68, %add3A_70 : vector<16xi32>
    %jit3A_72 = arith.constant 8 : i32
    %div3A_73 = vector.broadcast %jit3A_72 : i32 to vector<16xi32>
    %div3A_74 = arith.divsi %add3A_71, %div3A_73 : vector<16xi32>
    %sign3A_75 = arith.constant 0 : i32
    %sign3A_76 = vector.broadcast %sign3A_75 : i32 to vector<16xi32>
    %sign3A_77 = arith.cmpi sgt, %add3A_71, %sign3A_76 : vector<16xi32>
    %sign3A_78 = arith.extui %sign3A_77 : vector<16xi1> to vector<16xi32>
    %sign3A_79 = arith.constant 0 : i32
    %sign3A_80 = vector.broadcast %sign3A_79 : i32 to vector<16xi32>
    %sign3A_81 = arith.cmpi slt, %add3A_71, %sign3A_80 : vector<16xi32>
    %sign3A_82 = arith.extui %sign3A_81 : vector<16xi1> to vector<16xi32>
    %sign3A_83 = arith.subi %sign3A_78, %sign3A_82 : vector<16xi32>
    %sign3A_84 = arith.constant 0 : i32
    %sign3A_85 = arith.cmpi sgt, %jit3A_72, %sign3A_84 : i32
    %sign3A_86 = arith.extui %sign3A_85 : i1 to i32
    %sign3A_87 = arith.constant 0 : i32
    %sign3A_88 = arith.cmpi slt, %jit3A_72, %sign3A_87 : i32
    %sign3A_89 = arith.extui %sign3A_88 : i1 to i32
    %sign3A_90 = arith.subi %sign3A_86, %sign3A_89 : i32
    %ne3A_91 = vector.broadcast %sign3A_90 : i32 to vector<16xi32>
    %ne3A_92 = arith.cmpi ne, %sign3A_83, %ne3A_91 : vector<16xi32>
    %rem3A_93 = vector.broadcast %jit3A_72 : i32 to vector<16xi32>
    %rem3A_94 = arith.remsi %add3A_71, %rem3A_93 : vector<16xi32>
    %ne3A_95 = arith.constant 0 : i32
    %ne3A_96 = vector.broadcast %ne3A_95 : i32 to vector<16xi32>
    %ne3A_97 = arith.cmpi ne, %rem3A_94, %ne3A_96 : vector<16xi32>
    %and3A_98 = arith.andi %ne3A_92, %ne3A_97 : vector<16xi1>
    %sub3A_99 = arith.constant 1 : i32
    %sub3A_100 = vector.broadcast %sub3A_99 : i32 to vector<16xi32>
    %sub3A_101 = arith.subi %div3A_74, %sub3A_100 : vector<16xi32>
    %select_n3A_102 = arith.select %and3A_98, %sub3A_101, %div3A_74 : vector<16xi1>, vector<16xi32>
    %rem3A_103 = arith.constant 8 : i32
    %rem3A_104 = vector.broadcast %rem3A_103 : i32 to vector<16xi32>
    %rem3A_105 = arith.remsi %add3A_71, %rem3A_104 : vector<16xi32>
    %iota3A_106 = tpu.iota {dimensions = array<i32: 0>} : vector<16xi32>
    %add3A_107 = arith.constant 48 : i32
    %add3A_108 = vector.broadcast %add3A_107 : i32 to vector<16xi32>
    %add3A_109 = arith.addi %iota3A_106, %add3A_108 : vector<16xi32>
    %jit3A_110 = arith.constant 8 : i32
    %div3A_111 = vector.broadcast %jit3A_110 : i32 to vector<16xi32>
    %div3A_112 = arith.divsi %add3A_109, %div3A_111 : vector<16xi32>
    %sign3A_113 = arith.constant 0 : i32
    %sign3A_114 = vector.broadcast %sign3A_113 : i32 to vector<16xi32>
    %sign3A_115 = arith.cmpi sgt, %add3A_109, %sign3A_114 : vector<16xi32>
    %sign3A_116 = arith.extui %sign3A_115 : vector<16xi1> to vector<16xi32>
    %sign3A_117 = arith.constant 0 : i32
    %sign3A_118 = vector.broadcast %sign3A_117 : i32 to vector<16xi32>
    %sign3A_119 = arith.cmpi slt, %add3A_109, %sign3A_118 : vector<16xi32>
    %sign3A_120 = arith.extui %sign3A_119 : vector<16xi1> to vector<16xi32>
    %sign3A_121 = arith.subi %sign3A_116, %sign3A_120 : vector<16xi32>
    %sign3A_122 = arith.constant 0 : i32
    %sign3A_123 = arith.cmpi sgt, %jit3A_110, %sign3A_122 : i32
    %sign3A_124 = arith.extui %sign3A_123 : i1 to i32
    %sign3A_125 = arith.constant 0 : i32
    %sign3A_126 = arith.cmpi slt, %jit3A_110, %sign3A_125 : i32
    %sign3A_127 = arith.extui %sign3A_126 : i1 to i32
    %sign3A_128 = arith.subi %sign3A_124, %sign3A_127 : i32
    %ne3A_129 = vector.broadcast %sign3A_128 : i32 to vector<16xi32>
    %ne3A_130 = arith.cmpi ne, %sign3A_121, %ne3A_129 : vector<16xi32>
    %rem3A_131 = vector.broadcast %jit3A_110 : i32 to vector<16xi32>
    %rem3A_132 = arith.remsi %add3A_109, %rem3A_131 : vector<16xi32>
    %ne3A_133 = arith.constant 0 : i32
    %ne3A_134 = vector.broadcast %ne3A_133 : i32 to vector<16xi32>
    %ne3A_135 = arith.cmpi ne, %rem3A_132, %ne3A_134 : vector<16xi32>
    %and3A_136 = arith.andi %ne3A_130, %ne3A_135 : vector<16xi1>
    %sub3A_137 = arith.constant 1 : i32
    %sub3A_138 = vector.broadcast %sub3A_137 : i32 to vector<16xi32>
    %sub3A_139 = arith.subi %div3A_112, %sub3A_138 : vector<16xi32>
    %select_n3A_140 = arith.select %and3A_136, %sub3A_139, %div3A_112 : vector<16xi1>, vector<16xi32>
    %rem3A_141 = arith.constant 8 : i32
    %rem3A_142 = vector.broadcast %rem3A_141 : i32 to vector<16xi32>
    %rem3A_143 = arith.remsi %add3A_109, %rem3A_142 : vector<16xi32>
    %rem3A_144 = arith.constant 0 : i32
    %rem3A_145 = arith.constant 8 : i32
    %rem3A_146 = arith.remsi %rem3A_144, %rem3A_145 : i32
    %dma_start3A = arith.constant 0 : i32
    %dma_start3A_147 = arith.constant 0 : i32
    %dma_start3A_148 = arith.constant 0 : i32
    %dma_start3A_149 = arith.constant 0 : i32
    %dma_start3A_150 = arith.constant 0 : i32
    %dma_start3A_151 = tpu.memref_slice %arg6[%dma_start3A_147, %dma_start3A_149, %dma_start3A_150] : memref<4x128x64xf32, #tpu.memory_space<vmem>> -> memref<1x128x64xf32, #tpu.memory_space<vmem>>
    %dma_start3A_152 = tpu.memref_squeeze %dma_start3A_151 : memref<1x128x64xf32, #tpu.memory_space<vmem>> -> memref<128x64xf32, #tpu.memory_space<vmem>>
    %dma_start3A_153 = arith.constant 0 : i32
    %dma_start3A_154 = tpu.memref_slice %arg5[%dma_start3A, %rem3A_146, %dma_start3A_153] : memref<25x8x128xi32, #tpu.memory_space<vmem>> -> memref<1x1x128xi32, #tpu.memory_space<vmem>>
    %dma_start3A_155 = tpu.memref_squeeze %dma_start3A_154 : memref<1x1x128xi32, #tpu.memory_space<vmem>> -> memref<128xi32, #tpu.memory_space<vmem>>
    %dma_start3A_156 = arith.constant 0 : i32
    %dma_start3A_157 = arith.constant 0 : i32
    %dma_start3A_158 = tpu.memref_slice %arg2[%dma_start3A_156, %dma_start3A_157] : memref<200016x64xf32, #tpu.memory_space<hbm>> -> memref<200016x64xf32, #tpu.memory_space<hbm>>
    %dma_start3A_159 = tpu.memref_slice %arg8[%dma_start3A_148] : memref<4x!tpu.dma_semaphore, #tpu.memory_space<semaphore_mem>> -> memref<1x!tpu.dma_semaphore, #tpu.memory_space<semaphore_mem>>
    %dma_start3A_160 = tpu.memref_squeeze %dma_start3A_159 : memref<1x!tpu.dma_semaphore, #tpu.memory_space<semaphore_mem>> -> memref<!tpu.dma_semaphore, #tpu.memory_space<semaphore_mem>>
    tpu.enqueue_indirect_dma source(%dma_start3A_158 : memref<200016x64xf32, #tpu.memory_space<hbm>>) target(%dma_start3A_152 : memref<128x64xf32, #tpu.memory_space<vmem>>) offsets(%dma_start3A_155 : memref<128xi32, #tpu.memory_space<vmem>>) semaphore(%dma_start3A_160 : memref<!tpu.dma_semaphore, #tpu.memory_space<semaphore_mem>>)
    %rem3A_161 = arith.constant 1 : i32
    %rem3A_162 = arith.constant 8 : i32
    %rem3A_163 = arith.remsi %rem3A_161, %rem3A_162 : i32
    %dma_start3A_164 = arith.constant 0 : i32
    %dma_start3A_165 = arith.constant 1 : i32
    %dma_start3A_166 = arith.constant 1 : i32
    %dma_start3A_167 = arith.constant 0 : i32
    %dma_start3A_168 = arith.constant 0 : i32
    %dma_start3A_169 = tpu.memref_slice %arg6[%dma_start3A_165, %dma_start3A_167, %dma_start3A_168] : memref<4x128x64xf32, #tpu.memory_space<vmem>> -> memref<1x128x64xf32, #tpu.memory_space<vmem>>
    %dma_start3A_170 = tpu.memref_squeeze %dma_start3A_169 : memref<1x128x64xf32, #tpu.memory_space<vmem>> -> memref<128x64xf32, #tpu.memory_space<vmem>>
    %dma_start3A_171 = arith.constant 0 : i32
    %dma_start3A_172 = tpu.memref_slice %arg5[%dma_start3A_164, %rem3A_163, %dma_start3A_171] : memref<25x8x128xi32, #tpu.memory_space<vmem>> -> memref<1x1x128xi32, #tpu.memory_space<vmem>>
    %dma_start3A_173 = tpu.memref_squeeze %dma_start3A_172 : memref<1x1x128xi32, #tpu.memory_space<vmem>> -> memref<128xi32, #tpu.memory_space<vmem>>
    %dma_start3A_174 = arith.constant 0 : i32
    %dma_start3A_175 = arith.constant 0 : i32
    %dma_start3A_176 = tpu.memref_slice %arg2[%dma_start3A_174, %dma_start3A_175] : memref<200016x64xf32, #tpu.memory_space<hbm>> -> memref<200016x64xf32, #tpu.memory_space<hbm>>
    %dma_start3A_177 = tpu.memref_slice %arg8[%dma_start3A_166] : memref<4x!tpu.dma_semaphore, #tpu.memory_space<semaphore_mem>> -> memref<1x!tpu.dma_semaphore, #tpu.memory_space<semaphore_mem>>
    %dma_start3A_178 = tpu.memref_squeeze %dma_start3A_177 : memref<1x!tpu.dma_semaphore, #tpu.memory_space<semaphore_mem>> -> memref<!tpu.dma_semaphore, #tpu.memory_space<semaphore_mem>>
    tpu.enqueue_indirect_dma source(%dma_start3A_176 : memref<200016x64xf32, #tpu.memory_space<hbm>>) target(%dma_start3A_170 : memref<128x64xf32, #tpu.memory_space<vmem>>) offsets(%dma_start3A_173 : memref<128xi32, #tpu.memory_space<vmem>>) semaphore(%dma_start3A_178 : memref<!tpu.dma_semaphore, #tpu.memory_space<semaphore_mem>>)
    %rem3A_179 = arith.constant 2 : i32
    %rem3A_180 = arith.constant 8 : i32
    %rem3A_181 = arith.remsi %rem3A_179, %rem3A_180 : i32
    %dma_start3A_182 = arith.constant 0 : i32
    %dma_start3A_183 = arith.constant 2 : i32
    %dma_start3A_184 = arith.constant 2 : i32
    %dma_start3A_185 = arith.constant 0 : i32
    %dma_start3A_186 = arith.constant 0 : i32
    %dma_start3A_187 = tpu.memref_slice %arg6[%dma_start3A_183, %dma_start3A_185, %dma_start3A_186] : memref<4x128x64xf32, #tpu.memory_space<vmem>> -> memref<1x128x64xf32, #tpu.memory_space<vmem>>
    %dma_start3A_188 = tpu.memref_squeeze %dma_start3A_187 : memref<1x128x64xf32, #tpu.memory_space<vmem>> -> memref<128x64xf32, #tpu.memory_space<vmem>>
    %dma_start3A_189 = arith.constant 0 : i32
    %dma_start3A_190 = tpu.memref_slice %arg5[%dma_start3A_182, %rem3A_181, %dma_start3A_189] : memref<25x8x128xi32, #tpu.memory_space<vmem>> -> memref<1x1x128xi32, #tpu.memory_space<vmem>>
    %dma_start3A_191 = tpu.memref_squeeze %dma_start3A_190 : memref<1x1x128xi32, #tpu.memory_space<vmem>> -> memref<128xi32, #tpu.memory_space<vmem>>
    %dma_start3A_192 = arith.constant 0 : i32
    %dma_start3A_193 = arith.constant 0 : i32
    %dma_start3A_194 = tpu.memref_slice %arg2[%dma_start3A_192, %dma_start3A_193] : memref<200016x64xf32, #tpu.memory_space<hbm>> -> memref<200016x64xf32, #tpu.memory_space<hbm>>
    %dma_start3A_195 = tpu.memref_slice %arg8[%dma_start3A_184] : memref<4x!tpu.dma_semaphore, #tpu.memory_space<semaphore_mem>> -> memref<1x!tpu.dma_semaphore, #tpu.memory_space<semaphore_mem>>
    %dma_start3A_196 = tpu.memref_squeeze %dma_start3A_195 : memref<1x!tpu.dma_semaphore, #tpu.memory_space<semaphore_mem>> -> memref<!tpu.dma_semaphore, #tpu.memory_space<semaphore_mem>>
    tpu.enqueue_indirect_dma source(%dma_start3A_194 : memref<200016x64xf32, #tpu.memory_space<hbm>>) target(%dma_start3A_188 : memref<128x64xf32, #tpu.memory_space<vmem>>) offsets(%dma_start3A_191 : memref<128xi32, #tpu.memory_space<vmem>>) semaphore(%dma_start3A_196 : memref<!tpu.dma_semaphore, #tpu.memory_space<semaphore_mem>>)
    %scan3A = arith.constant 0 : i32
    %scan3A_197 = arith.constant 50 : i32
    %scan3A_198 = arith.addi %scan3A, %scan3A_197 : i32
    %scan3A_199 = arith.constant 1 : i32
    scf.for %scan3A_300 = %scan3A to %scan3A_198 step %scan3A_199  : i32 {
      %mul3A_301 = arith.constant 4 : i32
      %mul3A_302 = arith.muli %scan3A_300, %mul3A_301 : i32
      %add3A_303 = arith.constant 0 : i32
      %add3A_304 = arith.addi %add3A_303, %mul3A_302 : i32
      %add3A_305 = arith.constant 0 : i32
      %add3A_306 = arith.addi %add3A_304, %add3A_305 : i32
      %jit3A_307 = arith.constant 8 : i32
      %div3A_308 = arith.divsi %add3A_306, %jit3A_307 : i32
      %sign3A_309 = arith.constant 0 : i32
      %sign3A_310 = arith.cmpi sgt, %add3A_306, %sign3A_309 : i32
      %sign3A_311 = arith.extui %sign3A_310 : i1 to i32
      %sign3A_312 = arith.constant 0 : i32
      %sign3A_313 = arith.cmpi slt, %add3A_306, %sign3A_312 : i32
      %sign3A_314 = arith.extui %sign3A_313 : i1 to i32
      %sign3A_315 = arith.subi %sign3A_311, %sign3A_314 : i32
      %sign3A_316 = arith.constant 0 : i32
      %sign3A_317 = arith.cmpi sgt, %jit3A_307, %sign3A_316 : i32
      %sign3A_318 = arith.extui %sign3A_317 : i1 to i32
      %sign3A_319 = arith.constant 0 : i32
      %sign3A_320 = arith.cmpi slt, %jit3A_307, %sign3A_319 : i32
      %sign3A_321 = arith.extui %sign3A_320 : i1 to i32
      %sign3A_322 = arith.subi %sign3A_318, %sign3A_321 : i32
      %ne3A_323 = arith.cmpi ne, %sign3A_315, %sign3A_322 : i32
      %rem3A_324 = arith.remsi %add3A_306, %jit3A_307 : i32
      %ne3A_325 = arith.constant 0 : i32
      %ne3A_326 = arith.cmpi ne, %rem3A_324, %ne3A_325 : i32
      %and3A_327 = arith.andi %ne3A_323, %ne3A_326 : i1
      %sub3A_328 = arith.constant 1 : i32
      %sub3A_329 = arith.subi %div3A_308, %sub3A_328 : i32
      %select_n3A_330 = arith.select %and3A_327, %sub3A_329, %div3A_308 : i32
      %rem3A_331 = arith.constant 8 : i32
      %rem3A_332 = arith.remsi %add3A_306, %rem3A_331 : i32
      %dma_wait3A_333 = arith.constant 0 : i32
      %dma_wait3A_334 = arith.constant 0 : i32
      %dma_wait3A_335 = arith.constant 0 : i32
      %dma_wait3A_336 = arith.constant 0 : i32
      %dma_wait3A_337 = tpu.memref_slice %arg6[%dma_wait3A_333, %dma_wait3A_335, %dma_wait3A_336] : memref<4x128x64xf32, #tpu.memory_space<vmem>> -> memref<1x128x64xf32, #tpu.memory_space<vmem>>
      %dma_wait3A_338 = tpu.memref_squeeze %dma_wait3A_337 : memref<1x128x64xf32, #tpu.memory_space<vmem>> -> memref<128x64xf32, #tpu.memory_space<vmem>>
      %dma_wait3A_339 = arith.constant 0 : i32
      %dma_wait3A_340 = tpu.memref_slice %arg5[%select_n3A_330, %rem3A_332, %dma_wait3A_339] : memref<25x8x128xi32, #tpu.memory_space<vmem>> -> memref<1x1x128xi32, #tpu.memory_space<vmem>>
      %dma_wait3A_341 = tpu.memref_squeeze %dma_wait3A_340 : memref<1x1x128xi32, #tpu.memory_space<vmem>> -> memref<128xi32, #tpu.memory_space<vmem>>
      %dma_wait3A_342 = arith.constant 0 : i32
      %dma_wait3A_343 = arith.constant 0 : i32
      %dma_wait3A_344 = tpu.memref_slice %arg2[%dma_wait3A_342, %dma_wait3A_343] : memref<200016x64xf32, #tpu.memory_space<hbm>> -> memref<200016x64xf32, #tpu.memory_space<hbm>>
      %dma_wait3A_345 = tpu.memref_slice %arg8[%dma_wait3A_334] : memref<4x!tpu.dma_semaphore, #tpu.memory_space<semaphore_mem>> -> memref<1x!tpu.dma_semaphore, #tpu.memory_space<semaphore_mem>>
      %dma_wait3A_346 = tpu.memref_squeeze %dma_wait3A_345 : memref<1x!tpu.dma_semaphore, #tpu.memory_space<semaphore_mem>> -> memref<!tpu.dma_semaphore, #tpu.memory_space<semaphore_mem>>
      tpu.wait_indirect_dma semaphore(%dma_wait3A_346 : memref<!tpu.dma_semaphore, #tpu.memory_space<semaphore_mem>>) src(%dma_wait3A_344 : memref<200016x64xf32, #tpu.memory_space<hbm>>) dst(%dma_wait3A_338 : memref<128x64xf32, #tpu.memory_space<vmem>>)
      %add3A_347 = arith.constant 3 : i32
      %add3A_348 = arith.addi %add3A_306, %add3A_347 : i32
      %lt3A = arith.constant 200 : i32
      %lt3A_349 = arith.cmpi slt, %add3A_348, %lt3A : i32
      %convert_element_type3A = arith.extui %lt3A_349 : i1 to i32
      %cond3A = arith.constant 0 : i32
      %cond3A_350 = arith.cmpi ne, %convert_element_type3A, %cond3A : i32
      scf.if %cond3A_350 {
        %add3A_624 = arith.constant 3 : i32
        %add3A_625 = arith.addi %add3A_306, %add3A_624 : i32
        %jit3A_626 = arith.constant 8 : i32
        %div3A_627 = arith.divsi %add3A_625, %jit3A_626 : i32
        %sign3A_628 = arith.constant 0 : i32
        %sign3A_629 = arith.cmpi sgt, %add3A_625, %sign3A_628 : i32
        %sign3A_630 = arith.extui %sign3A_629 : i1 to i32
        %sign3A_631 = arith.constant 0 : i32
        %sign3A_632 = arith.cmpi slt, %add3A_625, %sign3A_631 : i32
        %sign3A_633 = arith.extui %sign3A_632 : i1 to i32
        %sign3A_634 = arith.subi %sign3A_630, %sign3A_633 : i32
        %sign3A_635 = arith.constant 0 : i32
        %sign3A_636 = arith.cmpi sgt, %jit3A_626, %sign3A_635 : i32
        %sign3A_637 = arith.extui %sign3A_636 : i1 to i32
        %sign3A_638 = arith.constant 0 : i32
        %sign3A_639 = arith.cmpi slt, %jit3A_626, %sign3A_638 : i32
        %sign3A_640 = arith.extui %sign3A_639 : i1 to i32
        %sign3A_641 = arith.subi %sign3A_637, %sign3A_640 : i32
        %ne3A_642 = arith.cmpi ne, %sign3A_634, %sign3A_641 : i32
        %rem3A_643 = arith.remsi %add3A_625, %jit3A_626 : i32
        %ne3A_644 = arith.constant 0 : i32
        %ne3A_645 = arith.cmpi ne, %rem3A_643, %ne3A_644 : i32
        %and3A_646 = arith.andi %ne3A_642, %ne3A_645 : i1
        %sub3A_647 = arith.constant 1 : i32
        %sub3A_648 = arith.subi %div3A_627, %sub3A_647 : i32
        %select_n3A_649 = arith.select %and3A_646, %sub3A_648, %div3A_627 : i32
        %rem3A_650 = arith.constant 8 : i32
        %rem3A_651 = arith.remsi %add3A_625, %rem3A_650 : i32
        %dma_start3A_652 = arith.constant 3 : i32
        %dma_start3A_653 = arith.constant 3 : i32
        %dma_start3A_654 = arith.constant 0 : i32
        %dma_start3A_655 = arith.constant 0 : i32
        %dma_start3A_656 = tpu.memref_slice %arg6[%dma_start3A_652, %dma_start3A_654, %dma_start3A_655] : memref<4x128x64xf32, #tpu.memory_space<vmem>> -> memref<1x128x64xf32, #tpu.memory_space<vmem>>
        %dma_start3A_657 = tpu.memref_squeeze %dma_start3A_656 : memref<1x128x64xf32, #tpu.memory_space<vmem>> -> memref<128x64xf32, #tpu.memory_space<vmem>>
        %dma_start3A_658 = arith.constant 0 : i32
        %dma_start3A_659 = tpu.memref_slice %arg5[%select_n3A_649, %rem3A_651, %dma_start3A_658] : memref<25x8x128xi32, #tpu.memory_space<vmem>> -> memref<1x1x128xi32, #tpu.memory_space<vmem>>
        %dma_start3A_660 = tpu.memref_squeeze %dma_start3A_659 : memref<1x1x128xi32, #tpu.memory_space<vmem>> -> memref<128xi32, #tpu.memory_space<vmem>>
        %dma_start3A_661 = arith.constant 0 : i32
        %dma_start3A_662 = arith.constant 0 : i32
        %dma_start3A_663 = tpu.memref_slice %arg2[%dma_start3A_661, %dma_start3A_662] : memref<200016x64xf32, #tpu.memory_space<hbm>> -> memref<200016x64xf32, #tpu.memory_space<hbm>>
        %dma_start3A_664 = tpu.memref_slice %arg8[%dma_start3A_653] : memref<4x!tpu.dma_semaphore, #tpu.memory_space<semaphore_mem>> -> memref<1x!tpu.dma_semaphore, #tpu.memory_space<semaphore_mem>>
        %dma_start3A_665 = tpu.memref_squeeze %dma_start3A_664 : memref<1x!tpu.dma_semaphore, #tpu.memory_space<semaphore_mem>> -> memref<!tpu.dma_semaphore, #tpu.memory_space<semaphore_mem>>
        tpu.enqueue_indirect_dma source(%dma_start3A_663 : memref<200016x64xf32, #tpu.memory_space<hbm>>) target(%dma_start3A_657 : memref<128x64xf32, #tpu.memory_space<vmem>>) offsets(%dma_start3A_660 : memref<128xi32, #tpu.memory_space<vmem>>) semaphore(%dma_start3A_665 : memref<!tpu.dma_semaphore, #tpu.memory_space<semaphore_mem>>)
      } else {
      }
      %ge3A = arith.constant 4 : i32
      %ge3A_351 = arith.cmpi sge, %add3A_306, %ge3A : i32
      %convert_element_type3A_352 = arith.extui %ge3A_351 : i1 to i32
      %cond3A_353 = arith.constant 0 : i32
      %cond3A_354 = arith.cmpi ne, %convert_element_type3A_352, %cond3A_353 : i32
      scf.if %cond3A_354 {
        %sub3A_624 = arith.constant 4 : i32
        %sub3A_625 = arith.subi %add3A_306, %sub3A_624 : i32
        %dma_wait3A_626 = arith.constant 0 : i32
        %dma_wait3A_627 = arith.constant 0 : i32
        %dma_wait3A_628 = arith.constant 0 : i32
        %dma_wait3A_629 = arith.constant 0 : i32
        %dma_wait3A_630 = arith.constant 0 : i32
        %dma_wait3A_631 = tpu.memref_slice %arg7[%dma_wait3A_626, %dma_wait3A_628, %dma_wait3A_629, %dma_wait3A_630] : memref<4x8x8x129xf32, #tpu.memory_space<vmem>> -> memref<1x8x8x128xf32, #tpu.memory_space<vmem>>
        %dma_wait3A_632 = tpu.memref_squeeze %dma_wait3A_631 : memref<1x8x8x128xf32, #tpu.memory_space<vmem>> -> memref<8x8x128xf32, #tpu.memory_space<vmem>>
        %dma_wait3A_633 = arith.constant 0 : i32
        %dma_wait3A_634 = arith.constant 0 : i32
        %dma_wait3A_635 = arith.constant 0 : i32
        %dma_wait3A_636 = tpu.memref_slice %arg4[%sub3A_625, %dma_wait3A_633, %add3A, %dma_wait3A_634, %dma_wait3A_635] : memref<200x8x32x8x128xf32, #tpu.memory_space<hbm>> -> memref<1x8x1x8x128xf32, #tpu.memory_space<hbm>>
        %dma_wait3A_637 = tpu.memref_squeeze %dma_wait3A_636 : memref<1x8x1x8x128xf32, #tpu.memory_space<hbm>> -> memref<8x8x128xf32, #tpu.memory_space<hbm>>
        %dma_wait3A_638 = tpu.memref_slice %arg9[%dma_wait3A_627] : memref<4x!tpu.dma_semaphore, #tpu.memory_space<semaphore_mem>> -> memref<1x!tpu.dma_semaphore, #tpu.memory_space<semaphore_mem>>
        %dma_wait3A_639 = tpu.memref_squeeze %dma_wait3A_638 : memref<1x!tpu.dma_semaphore, #tpu.memory_space<semaphore_mem>> -> memref<!tpu.dma_semaphore, #tpu.memory_space<semaphore_mem>>
        %dma_wait3A_640 = arith.constant 0 : i32
        %dma_wait3A_641 = arith.constant 0 : i32
        %dma_wait3A_642 = arith.constant 0 : i32
        %dma_wait3A_643 = tpu.memref_slice %arg4[%sub3A_625, %dma_wait3A_640, %add3A, %dma_wait3A_641, %dma_wait3A_642] : memref<200x8x32x8x128xf32, #tpu.memory_space<hbm>> -> memref<1x8x1x8x128xf32, #tpu.memory_space<hbm>>
        %dma_wait3A_644 = tpu.memref_squeeze %dma_wait3A_643 : memref<1x8x1x8x128xf32, #tpu.memory_space<hbm>> -> memref<8x8x128xf32, #tpu.memory_space<hbm>>
        %dma_wait3A_645 = arith.constant 0 : i32
        %dma_wait3A_646 = arith.constant 0 : i32
        %dma_wait3A_647 = arith.constant 0 : i32
        %dma_wait3A_648 = tpu.memref_slice %arg7[%dma_wait3A_626, %dma_wait3A_645, %dma_wait3A_646, %dma_wait3A_647] : memref<4x8x8x129xf32, #tpu.memory_space<vmem>> -> memref<1x8x8x128xf32, #tpu.memory_space<vmem>>
        %dma_wait3A_649 = tpu.memref_squeeze %dma_wait3A_648 : memref<1x8x8x128xf32, #tpu.memory_space<vmem>> -> memref<8x8x128xf32, #tpu.memory_space<vmem>>
        tpu.wait_dma2 semaphore(%dma_wait3A_639 : memref<!tpu.dma_semaphore, #tpu.memory_space<semaphore_mem>>) src(%dma_wait3A_649 : memref<8x8x128xf32, #tpu.memory_space<vmem>>) dst(%dma_wait3A_644 : memref<8x8x128xf32, #tpu.memory_space<hbm>>)
      } else {
      }
      %parallel_loop3A = arith.constant 0 : i32
      %parallel_loop3A_355 = arith.constant 128 : i32
      %parallel_loop3A_356 = arith.constant 1 : i32
      scf.for %parallel_loop3A_624 = %parallel_loop3A to %parallel_loop3A_355 step %parallel_loop3A_356  : i32 {
        %parallel_loop3A_625 = vector.broadcast %parallel_loop3A_624 : i32 to vector<16xi32>
        %parallel_loop3A_626 = arith.constant 0 : i32
        %parallel_loop3A_627 = arith.index_cast %parallel_loop3A_626 : i32 to index
        %parallel_loop3A_628 = arith.index_cast %parallel_loop3A_624 : i32 to index
        %parallel_loop3A_629 = arith.constant 0 : index
        %parallel_loop3A_630 = tpu.vector_load %arg6[%parallel_loop3A_627, %parallel_loop3A_628, %parallel_loop3A_629] {strides = array<i32>} : memref<4x128x64xf32, #tpu.memory_space<vmem>>, vector<16xf32>,
        %parallel_loop3A_631 = arith.constant 0 : i32
        %parallel_loop3A_632 = arith.constant 0 : i32
        %parallel_loop3A_633 = arith.constant 0 : i32
        %parallel_loop3A_634 = arith.constant 0 : i32
        %parallel_loop3A_635 = tpu.memref_slice %arg7[%parallel_loop3A_631, %parallel_loop3A_632, %parallel_loop3A_633, %parallel_loop3A_634] : memref<4x8x8x129xf32, #tpu.memory_space<vmem>> -> memref<1x8x8x129xf32, #tpu.memory_space<vmem>>
        %parallel_loop3A_636 = tpu.memref_squeeze %parallel_loop3A_635 : memref<1x8x8x129xf32, #tpu.memory_space<vmem>> -> memref<8x8x129xf32, #tpu.memory_space<vmem>>
        tpu.vector_store_idx %parallel_loop3A_636[%select_n3A, %rem3A_29, %parallel_loop3A_625], %parallel_loop3A_630 : memref<8x8x129xf32, #tpu.memory_space<vmem>>[vector<16xi32>, vector<16xi32>, vector<16xi32>], vector<16xf32>,
        %parallel_loop3A_637 = arith.constant 0 : i32
        %parallel_loop3A_638 = arith.index_cast %parallel_loop3A_637 : i32 to index
        %parallel_loop3A_639 = arith.index_cast %parallel_loop3A_624 : i32 to index
        %parallel_loop3A_640 = arith.constant 16 : index
        %parallel_loop3A_641 = tpu.vector_load %arg6[%parallel_loop3A_638, %parallel_loop3A_639, %parallel_loop3A_640] {strides = array<i32>} : memref<4x128x64xf32, #tpu.memory_space<vmem>>, vector<16xf32>,
        %parallel_loop3A_642 = arith.constant 0 : i32
        %parallel_loop3A_643 = arith.constant 0 : i32
        %parallel_loop3A_644 = arith.constant 0 : i32
        %parallel_loop3A_645 = arith.constant 0 : i32
        %parallel_loop3A_646 = tpu.memref_slice %arg7[%parallel_loop3A_642, %parallel_loop3A_643, %parallel_loop3A_644, %parallel_loop3A_645] : memref<4x8x8x129xf32, #tpu.memory_space<vmem>> -> memref<1x8x8x129xf32, #tpu.memory_space<vmem>>
        %parallel_loop3A_647 = tpu.memref_squeeze %parallel_loop3A_646 : memref<1x8x8x129xf32, #tpu.memory_space<vmem>> -> memref<8x8x129xf32, #tpu.memory_space<vmem>>
        tpu.vector_store_idx %parallel_loop3A_647[%select_n3A_64, %rem3A_67, %parallel_loop3A_625], %parallel_loop3A_641 : memref<8x8x129xf32, #tpu.memory_space<vmem>>[vector<16xi32>, vector<16xi32>, vector<16xi32>], vector<16xf32>,
        %parallel_loop3A_648 = arith.constant 0 : i32
        %parallel_loop3A_649 = arith.index_cast %parallel_loop3A_648 : i32 to index
        %parallel_loop3A_650 = arith.index_cast %parallel_loop3A_624 : i32 to index
        %parallel_loop3A_651 = arith.constant 32 : index
        %parallel_loop3A_652 = tpu.vector_load %arg6[%parallel_loop3A_649, %parallel_loop3A_650, %parallel_loop3A_651] {strides = array<i32>} : memref<4x128x64xf32, #tpu.memory_space<vmem>>, vector<16xf32>,
        %parallel_loop3A_653 = arith.constant 0 : i32
        %parallel_loop3A_654 = arith.constant 0 : i32
        %parallel_loop3A_655 = arith.constant 0 : i32
        %parallel_loop3A_656 = arith.constant 0 : i32
        %parallel_loop3A_657 = tpu.memref_slice %arg7[%parallel_loop3A_653, %parallel_loop3A_654, %parallel_loop3A_655, %parallel_loop3A_656] : memref<4x8x8x129xf32, #tpu.memory_space<vmem>> -> memref<1x8x8x129xf32, #tpu.memory_space<vmem>>
        %parallel_loop3A_658 = tpu.memref_squeeze %parallel_loop3A_657 : memref<1x8x8x129xf32, #tpu.memory_space<vmem>> -> memref<8x8x129xf32, #tpu.memory_space<vmem>>
        tpu.vector_store_idx %parallel_loop3A_658[%select_n3A_102, %rem3A_105, %parallel_loop3A_625], %parallel_loop3A_652 : memref<8x8x129xf32, #tpu.memory_space<vmem>>[vector<16xi32>, vector<16xi32>, vector<16xi32>], vector<16xf32>,
        %parallel_loop3A_659 = arith.constant 0 : i32
        %parallel_loop3A_660 = arith.index_cast %parallel_loop3A_659 : i32 to index
        %parallel_loop3A_661 = arith.index_cast %parallel_loop3A_624 : i32 to index
        %parallel_loop3A_662 = arith.constant 48 : index
        %parallel_loop3A_663 = tpu.vector_load %arg6[%parallel_loop3A_660, %parallel_loop3A_661, %parallel_loop3A_662] {strides = array<i32>} : memref<4x128x64xf32, #tpu.memory_space<vmem>>, vector<16xf32>,
        %parallel_loop3A_664 = arith.constant 0 : i32
        %parallel_loop3A_665 = arith.constant 0 : i32
        %parallel_loop3A_666 = arith.constant 0 : i32
        %parallel_loop3A_667 = arith.constant 0 : i32
        %parallel_loop3A_668 = tpu.memref_slice %arg7[%parallel_loop3A_664, %parallel_loop3A_665, %parallel_loop3A_666, %parallel_loop3A_667] : memref<4x8x8x129xf32, #tpu.memory_space<vmem>> -> memref<1x8x8x129xf32, #tpu.memory_space<vmem>>
        %parallel_loop3A_669 = tpu.memref_squeeze %parallel_loop3A_668 : memref<1x8x8x129xf32, #tpu.memory_space<vmem>> -> memref<8x8x129xf32, #tpu.memory_space<vmem>>
        tpu.vector_store_idx %parallel_loop3A_669[%select_n3A_140, %rem3A_143, %parallel_loop3A_625], %parallel_loop3A_663 : memref<8x8x129xf32, #tpu.memory_space<vmem>>[vector<16xi32>, vector<16xi32>, vector<16xi32>], vector<16xf32>,
      } {sc.loop_unroll_factor = 8 : i64, sc.parallel_access}
      %dma_start3A_357 = arith.constant 0 : i32
      %dma_start3A_358 = arith.constant 0 : i32
      %dma_start3A_359 = arith.constant 0 : i32
      %dma_start3A_360 = arith.constant 0 : i32
      %dma_start3A_361 = arith.constant 0 : i32
      %dma_start3A_362 = tpu.memref_slice %arg7[%dma_start3A_357, %dma_start3A_359, %dma_start3A_360, %dma_start3A_361] : memref<4x8x8x129xf32, #tpu.memory_space<vmem>> -> memref<1x8x8x128xf32, #tpu.memory_space<vmem>>
      %dma_start3A_363 = tpu.memref_squeeze %dma_start3A_362 : memref<1x8x8x128xf32, #tpu.memory_space<vmem>> -> memref<8x8x128xf32, #tpu.memory_space<vmem>>
      %dma_start3A_364 = arith.constant 0 : i32
      %dma_start3A_365 = arith.constant 0 : i32
      %dma_start3A_366 = arith.constant 0 : i32
      %dma_start3A_367 = tpu.memref_slice %arg4[%add3A_306, %dma_start3A_364, %add3A, %dma_start3A_365, %dma_start3A_366] : memref<200x8x32x8x128xf32, #tpu.memory_space<hbm>> -> memref<1x8x1x8x128xf32, #tpu.memory_space<hbm>>
      %dma_start3A_368 = tpu.memref_squeeze %dma_start3A_367 : memref<1x8x1x8x128xf32, #tpu.memory_space<hbm>> -> memref<8x8x128xf32, #tpu.memory_space<hbm>>
      %dma_start3A_369 = tpu.memref_slice %arg9[%dma_start3A_358] : memref<4x!tpu.dma_semaphore, #tpu.memory_space<semaphore_mem>> -> memref<1x!tpu.dma_semaphore, #tpu.memory_space<semaphore_mem>>
      %dma_start3A_370 = tpu.memref_squeeze %dma_start3A_369 : memref<1x!tpu.dma_semaphore, #tpu.memory_space<semaphore_mem>> -> memref<!tpu.dma_semaphore, #tpu.memory_space<semaphore_mem>>
      %dma_start3A_371 = arith.constant 0 : i32
      %dma_start3A_372 = arith.constant 0 : i32
      %dma_start3A_373 = arith.constant 0 : i32
      %dma_start3A_374 = tpu.memref_slice %arg4[%add3A_306, %dma_start3A_371, %add3A, %dma_start3A_372, %dma_start3A_373] : memref<200x8x32x8x128xf32, #tpu.memory_space<hbm>> -> memref<1x8x1x8x128xf32, #tpu.memory_space<hbm>>
      %dma_start3A_375 = tpu.memref_squeeze %dma_start3A_374 : memref<1x8x1x8x128xf32, #tpu.memory_space<hbm>> -> memref<8x8x128xf32, #tpu.memory_space<hbm>>
      %dma_start3A_376 = arith.constant 0 : i32
      %dma_start3A_377 = arith.constant 0 : i32
      %dma_start3A_378 = arith.constant 0 : i32
      %dma_start3A_379 = tpu.memref_slice %arg7[%dma_start3A_357, %dma_start3A_376, %dma_start3A_377, %dma_start3A_378] : memref<4x8x8x129xf32, #tpu.memory_space<vmem>> -> memref<1x8x8x128xf32, #tpu.memory_space<vmem>>
      %dma_start3A_380 = tpu.memref_squeeze %dma_start3A_379 : memref<1x8x8x128xf32, #tpu.memory_space<vmem>> -> memref<8x8x128xf32, #tpu.memory_space<vmem>>
      tpu.enqueue_dma source(%dma_start3A_380 : memref<8x8x128xf32, #tpu.memory_space<vmem>>) target(%dma_start3A_375 : memref<8x8x128xf32, #tpu.memory_space<hbm>>) target_semaphore(%dma_start3A_370 : memref<!tpu.dma_semaphore, #tpu.memory_space<semaphore_mem>>)
      %add3A_381 = arith.constant 1 : i32
      %add3A_382 = arith.addi %add3A_304, %add3A_381 : i32
      %jit3A_383 = arith.constant 8 : i32
      %div3A_384 = arith.divsi %add3A_382, %jit3A_383 : i32
      %sign3A_385 = arith.constant 0 : i32
      %sign3A_386 = arith.cmpi sgt, %add3A_382, %sign3A_385 : i32
      %sign3A_387 = arith.extui %sign3A_386 : i1 to i32
      %sign3A_388 = arith.constant 0 : i32
      %sign3A_389 = arith.cmpi slt, %add3A_382, %sign3A_388 : i32
      %sign3A_390 = arith.extui %sign3A_389 : i1 to i32
      %sign3A_391 = arith.subi %sign3A_387, %sign3A_390 : i32
      %sign3A_392 = arith.constant 0 : i32
      %sign3A_393 = arith.cmpi sgt, %jit3A_383, %sign3A_392 : i32
      %sign3A_394 = arith.extui %sign3A_393 : i1 to i32
      %sign3A_395 = arith.constant 0 : i32
      %sign3A_396 = arith.cmpi slt, %jit3A_383, %sign3A_395 : i32
      %sign3A_397 = arith.extui %sign3A_396 : i1 to i32
      %sign3A_398 = arith.subi %sign3A_394, %sign3A_397 : i32
      %ne3A_399 = arith.cmpi ne, %sign3A_391, %sign3A_398 : i32
      %rem3A_400 = arith.remsi %add3A_382, %jit3A_383 : i32
      %ne3A_401 = arith.constant 0 : i32
      %ne3A_402 = arith.cmpi ne, %rem3A_400, %ne3A_401 : i32
      %and3A_403 = arith.andi %ne3A_399, %ne3A_402 : i1
      %sub3A_404 = arith.constant 1 : i32
      %sub3A_405 = arith.subi %div3A_384, %sub3A_404 : i32
      %select_n3A_406 = arith.select %and3A_403, %sub3A_405, %div3A_384 : i32
      %rem3A_407 = arith.constant 8 : i32
      %rem3A_408 = arith.remsi %add3A_382, %rem3A_407 : i32
      %dma_wait3A_409 = arith.constant 1 : i32
      %dma_wait3A_410 = arith.constant 1 : i32
      %dma_wait3A_411 = arith.constant 0 : i32
      %dma_wait3A_412 = arith.constant 0 : i32
      %dma_wait3A_413 = tpu.memref_slice %arg6[%dma_wait3A_409, %dma_wait3A_411, %dma_wait3A_412] : memref<4x128x64xf32, #tpu.memory_space<vmem>> -> memref<1x128x64xf32, #tpu.memory_space<vmem>>
      %dma_wait3A_414 = tpu.memref_squeeze %dma_wait3A_413 : memref<1x128x64xf32, #tpu.memory_space<vmem>> -> memref<128x64xf32, #tpu.memory_space<vmem>>
      %dma_wait3A_415 = arith.constant 0 : i32
      %dma_wait3A_416 = tpu.memref_slice %arg5[%select_n3A_406, %rem3A_408, %dma_wait3A_415] : memref<25x8x128xi32, #tpu.memory_space<vmem>> -> memref<1x1x128xi32, #tpu.memory_space<vmem>>
      %dma_wait3A_417 = tpu.memref_squeeze %dma_wait3A_416 : memref<1x1x128xi32, #tpu.memory_space<vmem>> -> memref<128xi32, #tpu.memory_space<vmem>>
      %dma_wait3A_418 = arith.constant 0 : i32
      %dma_wait3A_419 = arith.constant 0 : i32
      %dma_wait3A_420 = tpu.memref_slice %arg2[%dma_wait3A_418, %dma_wait3A_419] : memref<200016x64xf32, #tpu.memory_space<hbm>> -> memref<200016x64xf32, #tpu.memory_space<hbm>>
      %dma_wait3A_421 = tpu.memref_slice %arg8[%dma_wait3A_410] : memref<4x!tpu.dma_semaphore, #tpu.memory_space<semaphore_mem>> -> memref<1x!tpu.dma_semaphore, #tpu.memory_space<semaphore_mem>>
      %dma_wait3A_422 = tpu.memref_squeeze %dma_wait3A_421 : memref<1x!tpu.dma_semaphore, #tpu.memory_space<semaphore_mem>> -> memref<!tpu.dma_semaphore, #tpu.memory_space<semaphore_mem>>
      tpu.wait_indirect_dma semaphore(%dma_wait3A_422 : memref<!tpu.dma_semaphore, #tpu.memory_space<semaphore_mem>>) src(%dma_wait3A_420 : memref<200016x64xf32, #tpu.memory_space<hbm>>) dst(%dma_wait3A_414 : memref<128x64xf32, #tpu.memory_space<vmem>>)
      %add3A_423 = arith.constant 3 : i32
      %add3A_424 = arith.addi %add3A_382, %add3A_423 : i32
      %lt3A_425 = arith.constant 200 : i32
      %lt3A_426 = arith.cmpi slt, %add3A_424, %lt3A_425 : i32
      %convert_element_type3A_427 = arith.extui %lt3A_426 : i1 to i32
      %cond3A_428 = arith.constant 0 : i32
      %cond3A_429 = arith.cmpi ne, %convert_element_type3A_427, %cond3A_428 : i32
      scf.if %cond3A_429 {
        %add3A_624 = arith.constant 3 : i32
        %add3A_625 = arith.addi %add3A_382, %add3A_624 : i32
        %jit3A_626 = arith.constant 8 : i32
        %div3A_627 = arith.divsi %add3A_625, %jit3A_626 : i32
        %sign3A_628 = arith.constant 0 : i32
        %sign3A_629 = arith.cmpi sgt, %add3A_625, %sign3A_628 : i32
        %sign3A_630 = arith.extui %sign3A_629 : i1 to i32
        %sign3A_631 = arith.constant 0 : i32
        %sign3A_632 = arith.cmpi slt, %add3A_625, %sign3A_631 : i32
        %sign3A_633 = arith.extui %sign3A_632 : i1 to i32
        %sign3A_634 = arith.subi %sign3A_630, %sign3A_633 : i32
        %sign3A_635 = arith.constant 0 : i32
        %sign3A_636 = arith.cmpi sgt, %jit3A_626, %sign3A_635 : i32
        %sign3A_637 = arith.extui %sign3A_636 : i1 to i32
        %sign3A_638 = arith.constant 0 : i32
        %sign3A_639 = arith.cmpi slt, %jit3A_626, %sign3A_638 : i32
        %sign3A_640 = arith.extui %sign3A_639 : i1 to i32
        %sign3A_641 = arith.subi %sign3A_637, %sign3A_640 : i32
        %ne3A_642 = arith.cmpi ne, %sign3A_634, %sign3A_641 : i32
        %rem3A_643 = arith.remsi %add3A_625, %jit3A_626 : i32
        %ne3A_644 = arith.constant 0 : i32
        %ne3A_645 = arith.cmpi ne, %rem3A_643, %ne3A_644 : i32
        %and3A_646 = arith.andi %ne3A_642, %ne3A_645 : i1
        %sub3A_647 = arith.constant 1 : i32
        %sub3A_648 = arith.subi %div3A_627, %sub3A_647 : i32
        %select_n3A_649 = arith.select %and3A_646, %sub3A_648, %div3A_627 : i32
        %rem3A_650 = arith.constant 8 : i32
        %rem3A_651 = arith.remsi %add3A_625, %rem3A_650 : i32
        %dma_start3A_652 = arith.constant 0 : i32
        %dma_start3A_653 = arith.constant 0 : i32
        %dma_start3A_654 = arith.constant 0 : i32
        %dma_start3A_655 = arith.constant 0 : i32
        %dma_start3A_656 = tpu.memref_slice %arg6[%dma_start3A_652, %dma_start3A_654, %dma_start3A_655] : memref<4x128x64xf32, #tpu.memory_space<vmem>> -> memref<1x128x64xf32, #tpu.memory_space<vmem>>
        %dma_start3A_657 = tpu.memref_squeeze %dma_start3A_656 : memref<1x128x64xf32, #tpu.memory_space<vmem>> -> memref<128x64xf32, #tpu.memory_space<vmem>>
        %dma_start3A_658 = arith.constant 0 : i32
        %dma_start3A_659 = tpu.memref_slice %arg5[%select_n3A_649, %rem3A_651, %dma_start3A_658] : memref<25x8x128xi32, #tpu.memory_space<vmem>> -> memref<1x1x128xi32, #tpu.memory_space<vmem>>
        %dma_start3A_660 = tpu.memref_squeeze %dma_start3A_659 : memref<1x1x128xi32, #tpu.memory_space<vmem>> -> memref<128xi32, #tpu.memory_space<vmem>>
        %dma_start3A_661 = arith.constant 0 : i32
        %dma_start3A_662 = arith.constant 0 : i32
        %dma_start3A_663 = tpu.memref_slice %arg2[%dma_start3A_661, %dma_start3A_662] : memref<200016x64xf32, #tpu.memory_space<hbm>> -> memref<200016x64xf32, #tpu.memory_space<hbm>>
        %dma_start3A_664 = tpu.memref_slice %arg8[%dma_start3A_653] : memref<4x!tpu.dma_semaphore, #tpu.memory_space<semaphore_mem>> -> memref<1x!tpu.dma_semaphore, #tpu.memory_space<semaphore_mem>>
        %dma_start3A_665 = tpu.memref_squeeze %dma_start3A_664 : memref<1x!tpu.dma_semaphore, #tpu.memory_space<semaphore_mem>> -> memref<!tpu.dma_semaphore, #tpu.memory_space<semaphore_mem>>
        tpu.enqueue_indirect_dma source(%dma_start3A_663 : memref<200016x64xf32, #tpu.memory_space<hbm>>) target(%dma_start3A_657 : memref<128x64xf32, #tpu.memory_space<vmem>>) offsets(%dma_start3A_660 : memref<128xi32, #tpu.memory_space<vmem>>) semaphore(%dma_start3A_665 : memref<!tpu.dma_semaphore, #tpu.memory_space<semaphore_mem>>)
      } else {
      }
      %ge3A_430 = arith.constant 4 : i32
      %ge3A_431 = arith.cmpi sge, %add3A_382, %ge3A_430 : i32
      %convert_element_type3A_432 = arith.extui %ge3A_431 : i1 to i32
      %cond3A_433 = arith.constant 0 : i32
      %cond3A_434 = arith.cmpi ne, %convert_element_type3A_432, %cond3A_433 : i32
      scf.if %cond3A_434 {
        %sub3A_624 = arith.constant 4 : i32
        %sub3A_625 = arith.subi %add3A_382, %sub3A_624 : i32
        %dma_wait3A_626 = arith.constant 1 : i32
        %dma_wait3A_627 = arith.constant 1 : i32
        %dma_wait3A_628 = arith.constant 0 : i32
        %dma_wait3A_629 = arith.constant 0 : i32
        %dma_wait3A_630 = arith.constant 0 : i32
        %dma_wait3A_631 = tpu.memref_slice %arg7[%dma_wait3A_626, %dma_wait3A_628, %dma_wait3A_629, %dma_wait3A_630] : memref<4x8x8x129xf32, #tpu.memory_space<vmem>> -> memref<1x8x8x128xf32, #tpu.memory_space<vmem>>
        %dma_wait3A_632 = tpu.memref_squeeze %dma_wait3A_631 : memref<1x8x8x128xf32, #tpu.memory_space<vmem>> -> memref<8x8x128xf32, #tpu.memory_space<vmem>>
        %dma_wait3A_633 = arith.constant 0 : i32
        %dma_wait3A_634 = arith.constant 0 : i32
        %dma_wait3A_635 = arith.constant 0 : i32
        %dma_wait3A_636 = tpu.memref_slice %arg4[%sub3A_625, %dma_wait3A_633, %add3A, %dma_wait3A_634, %dma_wait3A_635] : memref<200x8x32x8x128xf32, #tpu.memory_space<hbm>> -> memref<1x8x1x8x128xf32, #tpu.memory_space<hbm>>
        %dma_wait3A_637 = tpu.memref_squeeze %dma_wait3A_636 : memref<1x8x1x8x128xf32, #tpu.memory_space<hbm>> -> memref<8x8x128xf32, #tpu.memory_space<hbm>>
        %dma_wait3A_638 = tpu.memref_slice %arg9[%dma_wait3A_627] : memref<4x!tpu.dma_semaphore, #tpu.memory_space<semaphore_mem>> -> memref<1x!tpu.dma_semaphore, #tpu.memory_space<semaphore_mem>>
        %dma_wait3A_639 = tpu.memref_squeeze %dma_wait3A_638 : memref<1x!tpu.dma_semaphore, #tpu.memory_space<semaphore_mem>> -> memref<!tpu.dma_semaphore, #tpu.memory_space<semaphore_mem>>
        %dma_wait3A_640 = arith.constant 0 : i32
        %dma_wait3A_641 = arith.constant 0 : i32
        %dma_wait3A_642 = arith.constant 0 : i32
        %dma_wait3A_643 = tpu.memref_slice %arg4[%sub3A_625, %dma_wait3A_640, %add3A, %dma_wait3A_641, %dma_wait3A_642] : memref<200x8x32x8x128xf32, #tpu.memory_space<hbm>> -> memref<1x8x1x8x128xf32, #tpu.memory_space<hbm>>
        %dma_wait3A_644 = tpu.memref_squeeze %dma_wait3A_643 : memref<1x8x1x8x128xf32, #tpu.memory_space<hbm>> -> memref<8x8x128xf32, #tpu.memory_space<hbm>>
        %dma_wait3A_645 = arith.constant 0 : i32
        %dma_wait3A_646 = arith.constant 0 : i32
        %dma_wait3A_647 = arith.constant 0 : i32
        %dma_wait3A_648 = tpu.memref_slice %arg7[%dma_wait3A_626, %dma_wait3A_645, %dma_wait3A_646, %dma_wait3A_647] : memref<4x8x8x129xf32, #tpu.memory_space<vmem>> -> memref<1x8x8x128xf32, #tpu.memory_space<vmem>>
        %dma_wait3A_649 = tpu.memref_squeeze %dma_wait3A_648 : memref<1x8x8x128xf32, #tpu.memory_space<vmem>> -> memref<8x8x128xf32, #tpu.memory_space<vmem>>
        tpu.wait_dma2 semaphore(%dma_wait3A_639 : memref<!tpu.dma_semaphore, #tpu.memory_space<semaphore_mem>>) src(%dma_wait3A_649 : memref<8x8x128xf32, #tpu.memory_space<vmem>>) dst(%dma_wait3A_644 : memref<8x8x128xf32, #tpu.memory_space<hbm>>)
      } else {
      }
      %parallel_loop3A_435 = arith.constant 0 : i32
      %parallel_loop3A_436 = arith.constant 128 : i32
      %parallel_loop3A_437 = arith.constant 1 : i32
      scf.for %parallel_loop3A_624 = %parallel_loop3A_435 to %parallel_loop3A_436 step %parallel_loop3A_437  : i32 {
        %parallel_loop3A_625 = vector.broadcast %parallel_loop3A_624 : i32 to vector<16xi32>
        %parallel_loop3A_626 = arith.constant 1 : i32
        %parallel_loop3A_627 = arith.index_cast %parallel_loop3A_626 : i32 to index
        %parallel_loop3A_628 = arith.index_cast %parallel_loop3A_624 : i32 to index
        %parallel_loop3A_629 = arith.constant 0 : index
        %parallel_loop3A_630 = tpu.vector_load %arg6[%parallel_loop3A_627, %parallel_loop3A_628, %parallel_loop3A_629] {strides = array<i32>} : memref<4x128x64xf32, #tpu.memory_space<vmem>>, vector<16xf32>,
        %parallel_loop3A_631 = arith.constant 1 : i32
        %parallel_loop3A_632 = arith.constant 0 : i32
        %parallel_loop3A_633 = arith.constant 0 : i32
        %parallel_loop3A_634 = arith.constant 0 : i32
        %parallel_loop3A_635 = tpu.memref_slice %arg7[%parallel_loop3A_631, %parallel_loop3A_632, %parallel_loop3A_633, %parallel_loop3A_634] : memref<4x8x8x129xf32, #tpu.memory_space<vmem>> -> memref<1x8x8x129xf32, #tpu.memory_space<vmem>>
        %parallel_loop3A_636 = tpu.memref_squeeze %parallel_loop3A_635 : memref<1x8x8x129xf32, #tpu.memory_space<vmem>> -> memref<8x8x129xf32, #tpu.memory_space<vmem>>
        tpu.vector_store_idx %parallel_loop3A_636[%select_n3A, %rem3A_29, %parallel_loop3A_625], %parallel_loop3A_630 : memref<8x8x129xf32, #tpu.memory_space<vmem>>[vector<16xi32>, vector<16xi32>, vector<16xi32>], vector<16xf32>,
        %parallel_loop3A_637 = arith.constant 1 : i32
        %parallel_loop3A_638 = arith.index_cast %parallel_loop3A_637 : i32 to index
        %parallel_loop3A_639 = arith.index_cast %parallel_loop3A_624 : i32 to index
        %parallel_loop3A_640 = arith.constant 16 : index
        %parallel_loop3A_641 = tpu.vector_load %arg6[%parallel_loop3A_638, %parallel_loop3A_639, %parallel_loop3A_640] {strides = array<i32>} : memref<4x128x64xf32, #tpu.memory_space<vmem>>, vector<16xf32>,
        %parallel_loop3A_642 = arith.constant 1 : i32
        %parallel_loop3A_643 = arith.constant 0 : i32
        %parallel_loop3A_644 = arith.constant 0 : i32
        %parallel_loop3A_645 = arith.constant 0 : i32
        %parallel_loop3A_646 = tpu.memref_slice %arg7[%parallel_loop3A_642, %parallel_loop3A_643, %parallel_loop3A_644, %parallel_loop3A_645] : memref<4x8x8x129xf32, #tpu.memory_space<vmem>> -> memref<1x8x8x129xf32, #tpu.memory_space<vmem>>
        %parallel_loop3A_647 = tpu.memref_squeeze %parallel_loop3A_646 : memref<1x8x8x129xf32, #tpu.memory_space<vmem>> -> memref<8x8x129xf32, #tpu.memory_space<vmem>>
        tpu.vector_store_idx %parallel_loop3A_647[%select_n3A_64, %rem3A_67, %parallel_loop3A_625], %parallel_loop3A_641 : memref<8x8x129xf32, #tpu.memory_space<vmem>>[vector<16xi32>, vector<16xi32>, vector<16xi32>], vector<16xf32>,
        %parallel_loop3A_648 = arith.constant 1 : i32
        %parallel_loop3A_649 = arith.index_cast %parallel_loop3A_648 : i32 to index
        %parallel_loop3A_650 = arith.index_cast %parallel_loop3A_624 : i32 to index
        %parallel_loop3A_651 = arith.constant 32 : index
        %parallel_loop3A_652 = tpu.vector_load %arg6[%parallel_loop3A_649, %parallel_loop3A_650, %parallel_loop3A_651] {strides = array<i32>} : memref<4x128x64xf32, #tpu.memory_space<vmem>>, vector<16xf32>,
        %parallel_loop3A_653 = arith.constant 1 : i32
        %parallel_loop3A_654 = arith.constant 0 : i32
        %parallel_loop3A_655 = arith.constant 0 : i32
        %parallel_loop3A_656 = arith.constant 0 : i32
        %parallel_loop3A_657 = tpu.memref_slice %arg7[%parallel_loop3A_653, %parallel_loop3A_654, %parallel_loop3A_655, %parallel_loop3A_656] : memref<4x8x8x129xf32, #tpu.memory_space<vmem>> -> memref<1x8x8x129xf32, #tpu.memory_space<vmem>>
        %parallel_loop3A_658 = tpu.memref_squeeze %parallel_loop3A_657 : memref<1x8x8x129xf32, #tpu.memory_space<vmem>> -> memref<8x8x129xf32, #tpu.memory_space<vmem>>
        tpu.vector_store_idx %parallel_loop3A_658[%select_n3A_102, %rem3A_105, %parallel_loop3A_625], %parallel_loop3A_652 : memref<8x8x129xf32, #tpu.memory_space<vmem>>[vector<16xi32>, vector<16xi32>, vector<16xi32>], vector<16xf32>,
        %parallel_loop3A_659 = arith.constant 1 : i32
        %parallel_loop3A_660 = arith.index_cast %parallel_loop3A_659 : i32 to index
        %parallel_loop3A_661 = arith.index_cast %parallel_loop3A_624 : i32 to index
        %parallel_loop3A_662 = arith.constant 48 : index
        %parallel_loop3A_663 = tpu.vector_load %arg6[%parallel_loop3A_660, %parallel_loop3A_661, %parallel_loop3A_662] {strides = array<i32>} : memref<4x128x64xf32, #tpu.memory_space<vmem>>, vector<16xf32>,
        %parallel_loop3A_664 = arith.constant 1 : i32
        %parallel_loop3A_665 = arith.constant 0 : i32
        %parallel_loop3A_666 = arith.constant 0 : i32
        %parallel_loop3A_667 = arith.constant 0 : i32
        %parallel_loop3A_668 = tpu.memref_slice %arg7[%parallel_loop3A_664, %parallel_loop3A_665, %parallel_loop3A_666, %parallel_loop3A_667] : memref<4x8x8x129xf32, #tpu.memory_space<vmem>> -> memref<1x8x8x129xf32, #tpu.memory_space<vmem>>
        %parallel_loop3A_669 = tpu.memref_squeeze %parallel_loop3A_668 : memref<1x8x8x129xf32, #tpu.memory_space<vmem>> -> memref<8x8x129xf32, #tpu.memory_space<vmem>>
        tpu.vector_store_idx %parallel_loop3A_669[%select_n3A_140, %rem3A_143, %parallel_loop3A_625], %parallel_loop3A_663 : memref<8x8x129xf32, #tpu.memory_space<vmem>>[vector<16xi32>, vector<16xi32>, vector<16xi32>], vector<16xf32>,
      } {sc.loop_unroll_factor = 8 : i64, sc.parallel_access}
      %dma_start3A_438 = arith.constant 1 : i32
      %dma_start3A_439 = arith.constant 1 : i32
      %dma_start3A_440 = arith.constant 0 : i32
      %dma_start3A_441 = arith.constant 0 : i32
      %dma_start3A_442 = arith.constant 0 : i32
      %dma_start3A_443 = tpu.memref_slice %arg7[%dma_start3A_438, %dma_start3A_440, %dma_start3A_441, %dma_start3A_442] : memref<4x8x8x129xf32, #tpu.memory_space<vmem>> -> memref<1x8x8x128xf32, #tpu.memory_space<vmem>>
      %dma_start3A_444 = tpu.memref_squeeze %dma_start3A_443 : memref<1x8x8x128xf32, #tpu.memory_space<vmem>> -> memref<8x8x128xf32, #tpu.memory_space<vmem>>
      %dma_start3A_445 = arith.constant 0 : i32
      %dma_start3A_446 = arith.constant 0 : i32
      %dma_start3A_447 = arith.constant 0 : i32
      %dma_start3A_448 = tpu.memref_slice %arg4[%add3A_382, %dma_start3A_445, %add3A, %dma_start3A_446, %dma_start3A_447] : memref<200x8x32x8x128xf32, #tpu.memory_space<hbm>> -> memref<1x8x1x8x128xf32, #tpu.memory_space<hbm>>
      %dma_start3A_449 = tpu.memref_squeeze %dma_start3A_448 : memref<1x8x1x8x128xf32, #tpu.memory_space<hbm>> -> memref<8x8x128xf32, #tpu.memory_space<hbm>>
      %dma_start3A_450 = tpu.memref_slice %arg9[%dma_start3A_439] : memref<4x!tpu.dma_semaphore, #tpu.memory_space<semaphore_mem>> -> memref<1x!tpu.dma_semaphore, #tpu.memory_space<semaphore_mem>>
      %dma_start3A_451 = tpu.memref_squeeze %dma_start3A_450 : memref<1x!tpu.dma_semaphore, #tpu.memory_space<semaphore_mem>> -> memref<!tpu.dma_semaphore, #tpu.memory_space<semaphore_mem>>
      %dma_start3A_452 = arith.constant 0 : i32
      %dma_start3A_453 = arith.constant 0 : i32
      %dma_start3A_454 = arith.constant 0 : i32
      %dma_start3A_455 = tpu.memref_slice %arg4[%add3A_382, %dma_start3A_452, %add3A, %dma_start3A_453, %dma_start3A_454] : memref<200x8x32x8x128xf32, #tpu.memory_space<hbm>> -> memref<1x8x1x8x128xf32, #tpu.memory_space<hbm>>
      %dma_start3A_456 = tpu.memref_squeeze %dma_start3A_455 : memref<1x8x1x8x128xf32, #tpu.memory_space<hbm>> -> memref<8x8x128xf32, #tpu.memory_space<hbm>>
      %dma_start3A_457 = arith.constant 0 : i32
      %dma_start3A_458 = arith.constant 0 : i32
      %dma_start3A_459 = arith.constant 0 : i32
      %dma_start3A_460 = tpu.memref_slice %arg7[%dma_start3A_438, %dma_start3A_457, %dma_start3A_458, %dma_start3A_459] : memref<4x8x8x129xf32, #tpu.memory_space<vmem>> -> memref<1x8x8x128xf32, #tpu.memory_space<vmem>>
      %dma_start3A_461 = tpu.memref_squeeze %dma_start3A_460 : memref<1x8x8x128xf32, #tpu.memory_space<vmem>> -> memref<8x8x128xf32, #tpu.memory_space<vmem>>
      tpu.enqueue_dma source(%dma_start3A_461 : memref<8x8x128xf32, #tpu.memory_space<vmem>>) target(%dma_start3A_456 : memref<8x8x128xf32, #tpu.memory_space<hbm>>) target_semaphore(%dma_start3A_451 : memref<!tpu.dma_semaphore, #tpu.memory_space<semaphore_mem>>)
      %add3A_462 = arith.constant 2 : i32
      %add3A_463 = arith.addi %add3A_304, %add3A_462 : i32
      %jit3A_464 = arith.constant 8 : i32
      %div3A_465 = arith.divsi %add3A_463, %jit3A_464 : i32
      %sign3A_466 = arith.constant 0 : i32
      %sign3A_467 = arith.cmpi sgt, %add3A_463, %sign3A_466 : i32
      %sign3A_468 = arith.extui %sign3A_467 : i1 to i32
      %sign3A_469 = arith.constant 0 : i32
      %sign3A_470 = arith.cmpi slt, %add3A_463, %sign3A_469 : i32
      %sign3A_471 = arith.extui %sign3A_470 : i1 to i32
      %sign3A_472 = arith.subi %sign3A_468, %sign3A_471 : i32
      %sign3A_473 = arith.constant 0 : i32
      %sign3A_474 = arith.cmpi sgt, %jit3A_464, %sign3A_473 : i32
      %sign3A_475 = arith.extui %sign3A_474 : i1 to i32
      %sign3A_476 = arith.constant 0 : i32
      %sign3A_477 = arith.cmpi slt, %jit3A_464, %sign3A_476 : i32
      %sign3A_478 = arith.extui %sign3A_477 : i1 to i32
      %sign3A_479 = arith.subi %sign3A_475, %sign3A_478 : i32
      %ne3A_480 = arith.cmpi ne, %sign3A_472, %sign3A_479 : i32
      %rem3A_481 = arith.remsi %add3A_463, %jit3A_464 : i32
      %ne3A_482 = arith.constant 0 : i32
      %ne3A_483 = arith.cmpi ne, %rem3A_481, %ne3A_482 : i32
      %and3A_484 = arith.andi %ne3A_480, %ne3A_483 : i1
      %sub3A_485 = arith.constant 1 : i32
      %sub3A_486 = arith.subi %div3A_465, %sub3A_485 : i32
      %select_n3A_487 = arith.select %and3A_484, %sub3A_486, %div3A_465 : i32
      %rem3A_488 = arith.constant 8 : i32
      %rem3A_489 = arith.remsi %add3A_463, %rem3A_488 : i32
      %dma_wait3A_490 = arith.constant 2 : i32
      %dma_wait3A_491 = arith.constant 2 : i32
      %dma_wait3A_492 = arith.constant 0 : i32
      %dma_wait3A_493 = arith.constant 0 : i32
      %dma_wait3A_494 = tpu.memref_slice %arg6[%dma_wait3A_490, %dma_wait3A_492, %dma_wait3A_493] : memref<4x128x64xf32, #tpu.memory_space<vmem>> -> memref<1x128x64xf32, #tpu.memory_space<vmem>>
      %dma_wait3A_495 = tpu.memref_squeeze %dma_wait3A_494 : memref<1x128x64xf32, #tpu.memory_space<vmem>> -> memref<128x64xf32, #tpu.memory_space<vmem>>
      %dma_wait3A_496 = arith.constant 0 : i32
      %dma_wait3A_497 = tpu.memref_slice %arg5[%select_n3A_487, %rem3A_489, %dma_wait3A_496] : memref<25x8x128xi32, #tpu.memory_space<vmem>> -> memref<1x1x128xi32, #tpu.memory_space<vmem>>
      %dma_wait3A_498 = tpu.memref_squeeze %dma_wait3A_497 : memref<1x1x128xi32, #tpu.memory_space<vmem>> -> memref<128xi32, #tpu.memory_space<vmem>>
      %dma_wait3A_499 = arith.constant 0 : i32
      %dma_wait3A_500 = arith.constant 0 : i32
      %dma_wait3A_501 = tpu.memref_slice %arg2[%dma_wait3A_499, %dma_wait3A_500] : memref<200016x64xf32, #tpu.memory_space<hbm>> -> memref<200016x64xf32, #tpu.memory_space<hbm>>
      %dma_wait3A_502 = tpu.memref_slice %arg8[%dma_wait3A_491] : memref<4x!tpu.dma_semaphore, #tpu.memory_space<semaphore_mem>> -> memref<1x!tpu.dma_semaphore, #tpu.memory_space<semaphore_mem>>
      %dma_wait3A_503 = tpu.memref_squeeze %dma_wait3A_502 : memref<1x!tpu.dma_semaphore, #tpu.memory_space<semaphore_mem>> -> memref<!tpu.dma_semaphore, #tpu.memory_space<semaphore_mem>>
      tpu.wait_indirect_dma semaphore(%dma_wait3A_503 : memref<!tpu.dma_semaphore, #tpu.memory_space<semaphore_mem>>) src(%dma_wait3A_501 : memref<200016x64xf32, #tpu.memory_space<hbm>>) dst(%dma_wait3A_495 : memref<128x64xf32, #tpu.memory_space<vmem>>)
      %add3A_504 = arith.constant 3 : i32
      %add3A_505 = arith.addi %add3A_463, %add3A_504 : i32
      %lt3A_506 = arith.constant 200 : i32
      %lt3A_507 = arith.cmpi slt, %add3A_505, %lt3A_506 : i32
      %convert_element_type3A_508 = arith.extui %lt3A_507 : i1 to i32
      %cond3A_509 = arith.constant 0 : i32
      %cond3A_510 = arith.cmpi ne, %convert_element_type3A_508, %cond3A_509 : i32
      scf.if %cond3A_510 {
        %add3A_624 = arith.constant 3 : i32
        %add3A_625 = arith.addi %add3A_463, %add3A_624 : i32
        %jit3A_626 = arith.constant 8 : i32
        %div3A_627 = arith.divsi %add3A_625, %jit3A_626 : i32
        %sign3A_628 = arith.constant 0 : i32
        %sign3A_629 = arith.cmpi sgt, %add3A_625, %sign3A_628 : i32
        %sign3A_630 = arith.extui %sign3A_629 : i1 to i32
        %sign3A_631 = arith.constant 0 : i32
        %sign3A_632 = arith.cmpi slt, %add3A_625, %sign3A_631 : i32
        %sign3A_633 = arith.extui %sign3A_632 : i1 to i32
        %sign3A_634 = arith.subi %sign3A_630, %sign3A_633 : i32
        %sign3A_635 = arith.constant 0 : i32
        %sign3A_636 = arith.cmpi sgt, %jit3A_626, %sign3A_635 : i32
        %sign3A_637 = arith.extui %sign3A_636 : i1 to i32
        %sign3A_638 = arith.constant 0 : i32
        %sign3A_639 = arith.cmpi slt, %jit3A_626, %sign3A_638 : i32
        %sign3A_640 = arith.extui %sign3A_639 : i1 to i32
        %sign3A_641 = arith.subi %sign3A_637, %sign3A_640 : i32
        %ne3A_642 = arith.cmpi ne, %sign3A_634, %sign3A_641 : i32
        %rem3A_643 = arith.remsi %add3A_625, %jit3A_626 : i32
        %ne3A_644 = arith.constant 0 : i32
        %ne3A_645 = arith.cmpi ne, %rem3A_643, %ne3A_644 : i32
        %and3A_646 = arith.andi %ne3A_642, %ne3A_645 : i1
        %sub3A_647 = arith.constant 1 : i32
        %sub3A_648 = arith.subi %div3A_627, %sub3A_647 : i32
        %select_n3A_649 = arith.select %and3A_646, %sub3A_648, %div3A_627 : i32
        %rem3A_650 = arith.constant 8 : i32
        %rem3A_651 = arith.remsi %add3A_625, %rem3A_650 : i32
        %dma_start3A_652 = arith.constant 1 : i32
        %dma_start3A_653 = arith.constant 1 : i32
        %dma_start3A_654 = arith.constant 0 : i32
        %dma_start3A_655 = arith.constant 0 : i32
        %dma_start3A_656 = tpu.memref_slice %arg6[%dma_start3A_652, %dma_start3A_654, %dma_start3A_655] : memref<4x128x64xf32, #tpu.memory_space<vmem>> -> memref<1x128x64xf32, #tpu.memory_space<vmem>>
        %dma_start3A_657 = tpu.memref_squeeze %dma_start3A_656 : memref<1x128x64xf32, #tpu.memory_space<vmem>> -> memref<128x64xf32, #tpu.memory_space<vmem>>
        %dma_start3A_658 = arith.constant 0 : i32
        %dma_start3A_659 = tpu.memref_slice %arg5[%select_n3A_649, %rem3A_651, %dma_start3A_658] : memref<25x8x128xi32, #tpu.memory_space<vmem>> -> memref<1x1x128xi32, #tpu.memory_space<vmem>>
        %dma_start3A_660 = tpu.memref_squeeze %dma_start3A_659 : memref<1x1x128xi32, #tpu.memory_space<vmem>> -> memref<128xi32, #tpu.memory_space<vmem>>
        %dma_start3A_661 = arith.constant 0 : i32
        %dma_start3A_662 = arith.constant 0 : i32
        %dma_start3A_663 = tpu.memref_slice %arg2[%dma_start3A_661, %dma_start3A_662] : memref<200016x64xf32, #tpu.memory_space<hbm>> -> memref<200016x64xf32, #tpu.memory_space<hbm>>
        %dma_start3A_664 = tpu.memref_slice %arg8[%dma_start3A_653] : memref<4x!tpu.dma_semaphore, #tpu.memory_space<semaphore_mem>> -> memref<1x!tpu.dma_semaphore, #tpu.memory_space<semaphore_mem>>
        %dma_start3A_665 = tpu.memref_squeeze %dma_start3A_664 : memref<1x!tpu.dma_semaphore, #tpu.memory_space<semaphore_mem>> -> memref<!tpu.dma_semaphore, #tpu.memory_space<semaphore_mem>>
        tpu.enqueue_indirect_dma source(%dma_start3A_663 : memref<200016x64xf32, #tpu.memory_space<hbm>>) target(%dma_start3A_657 : memref<128x64xf32, #tpu.memory_space<vmem>>) offsets(%dma_start3A_660 : memref<128xi32, #tpu.memory_space<vmem>>) semaphore(%dma_start3A_665 : memref<!tpu.dma_semaphore, #tpu.memory_space<semaphore_mem>>)
      } else {
      }
      %ge3A_511 = arith.constant 4 : i32
      %ge3A_512 = arith.cmpi sge, %add3A_463, %ge3A_511 : i32
      %convert_element_type3A_513 = arith.extui %ge3A_512 : i1 to i32
      %cond3A_514 = arith.constant 0 : i32
      %cond3A_515 = arith.cmpi ne, %convert_element_type3A_513, %cond3A_514 : i32
      scf.if %cond3A_515 {
        %sub3A_624 = arith.constant 4 : i32
        %sub3A_625 = arith.subi %add3A_463, %sub3A_624 : i32
        %dma_wait3A_626 = arith.constant 2 : i32
        %dma_wait3A_627 = arith.constant 2 : i32
        %dma_wait3A_628 = arith.constant 0 : i32
        %dma_wait3A_629 = arith.constant 0 : i32
        %dma_wait3A_630 = arith.constant 0 : i32
        %dma_wait3A_631 = tpu.memref_slice %arg7[%dma_wait3A_626, %dma_wait3A_628, %dma_wait3A_629, %dma_wait3A_630] : memref<4x8x8x129xf32, #tpu.memory_space<vmem>> -> memref<1x8x8x128xf32, #tpu.memory_space<vmem>>
        %dma_wait3A_632 = tpu.memref_squeeze %dma_wait3A_631 : memref<1x8x8x128xf32, #tpu.memory_space<vmem>> -> memref<8x8x128xf32, #tpu.memory_space<vmem>>
        %dma_wait3A_633 = arith.constant 0 : i32
        %dma_wait3A_634 = arith.constant 0 : i32
        %dma_wait3A_635 = arith.constant 0 : i32
        %dma_wait3A_636 = tpu.memref_slice %arg4[%sub3A_625, %dma_wait3A_633, %add3A, %dma_wait3A_634, %dma_wait3A_635] : memref<200x8x32x8x128xf32, #tpu.memory_space<hbm>> -> memref<1x8x1x8x128xf32, #tpu.memory_space<hbm>>
        %dma_wait3A_637 = tpu.memref_squeeze %dma_wait3A_636 : memref<1x8x1x8x128xf32, #tpu.memory_space<hbm>> -> memref<8x8x128xf32, #tpu.memory_space<hbm>>
        %dma_wait3A_638 = tpu.memref_slice %arg9[%dma_wait3A_627] : memref<4x!tpu.dma_semaphore, #tpu.memory_space<semaphore_mem>> -> memref<1x!tpu.dma_semaphore, #tpu.memory_space<semaphore_mem>>
        %dma_wait3A_639 = tpu.memref_squeeze %dma_wait3A_638 : memref<1x!tpu.dma_semaphore, #tpu.memory_space<semaphore_mem>> -> memref<!tpu.dma_semaphore, #tpu.memory_space<semaphore_mem>>
        %dma_wait3A_640 = arith.constant 0 : i32
        %dma_wait3A_641 = arith.constant 0 : i32
        %dma_wait3A_642 = arith.constant 0 : i32
        %dma_wait3A_643 = tpu.memref_slice %arg4[%sub3A_625, %dma_wait3A_640, %add3A, %dma_wait3A_641, %dma_wait3A_642] : memref<200x8x32x8x128xf32, #tpu.memory_space<hbm>> -> memref<1x8x1x8x128xf32, #tpu.memory_space<hbm>>
        %dma_wait3A_644 = tpu.memref_squeeze %dma_wait3A_643 : memref<1x8x1x8x128xf32, #tpu.memory_space<hbm>> -> memref<8x8x128xf32, #tpu.memory_space<hbm>>
        %dma_wait3A_645 = arith.constant 0 : i32
        %dma_wait3A_646 = arith.constant 0 : i32
        %dma_wait3A_647 = arith.constant 0 : i32
        %dma_wait3A_648 = tpu.memref_slice %arg7[%dma_wait3A_626, %dma_wait3A_645, %dma_wait3A_646, %dma_wait3A_647] : memref<4x8x8x129xf32, #tpu.memory_space<vmem>> -> memref<1x8x8x128xf32, #tpu.memory_space<vmem>>
        %dma_wait3A_649 = tpu.memref_squeeze %dma_wait3A_648 : memref<1x8x8x128xf32, #tpu.memory_space<vmem>> -> memref<8x8x128xf32, #tpu.memory_space<vmem>>
        tpu.wait_dma2 semaphore(%dma_wait3A_639 : memref<!tpu.dma_semaphore, #tpu.memory_space<semaphore_mem>>) src(%dma_wait3A_649 : memref<8x8x128xf32, #tpu.memory_space<vmem>>) dst(%dma_wait3A_644 : memref<8x8x128xf32, #tpu.memory_space<hbm>>)
      } else {
      }
      %parallel_loop3A_516 = arith.constant 0 : i32
      %parallel_loop3A_517 = arith.constant 128 : i32
      %parallel_loop3A_518 = arith.constant 1 : i32
      scf.for %parallel_loop3A_624 = %parallel_loop3A_516 to %parallel_loop3A_517 step %parallel_loop3A_518  : i32 {
        %parallel_loop3A_625 = vector.broadcast %parallel_loop3A_624 : i32 to vector<16xi32>
        %parallel_loop3A_626 = arith.constant 2 : i32
        %parallel_loop3A_627 = arith.index_cast %parallel_loop3A_626 : i32 to index
        %parallel_loop3A_628 = arith.index_cast %parallel_loop3A_624 : i32 to index
        %parallel_loop3A_629 = arith.constant 0 : index
        %parallel_loop3A_630 = tpu.vector_load %arg6[%parallel_loop3A_627, %parallel_loop3A_628, %parallel_loop3A_629] {strides = array<i32>} : memref<4x128x64xf32, #tpu.memory_space<vmem>>, vector<16xf32>,
        %parallel_loop3A_631 = arith.constant 2 : i32
        %parallel_loop3A_632 = arith.constant 0 : i32
        %parallel_loop3A_633 = arith.constant 0 : i32
        %parallel_loop3A_634 = arith.constant 0 : i32
        %parallel_loop3A_635 = tpu.memref_slice %arg7[%parallel_loop3A_631, %parallel_loop3A_632, %parallel_loop3A_633, %parallel_loop3A_634] : memref<4x8x8x129xf32, #tpu.memory_space<vmem>> -> memref<1x8x8x129xf32, #tpu.memory_space<vmem>>
        %parallel_loop3A_636 = tpu.memref_squeeze %parallel_loop3A_635 : memref<1x8x8x129xf32, #tpu.memory_space<vmem>> -> memref<8x8x129xf32, #tpu.memory_space<vmem>>
        tpu.vector_store_idx %parallel_loop3A_636[%select_n3A, %rem3A_29, %parallel_loop3A_625], %parallel_loop3A_630 : memref<8x8x129xf32, #tpu.memory_space<vmem>>[vector<16xi32>, vector<16xi32>, vector<16xi32>], vector<16xf32>,
        %parallel_loop3A_637 = arith.constant 2 : i32
        %parallel_loop3A_638 = arith.index_cast %parallel_loop3A_637 : i32 to index
        %parallel_loop3A_639 = arith.index_cast %parallel_loop3A_624 : i32 to index
        %parallel_loop3A_640 = arith.constant 16 : index
        %parallel_loop3A_641 = tpu.vector_load %arg6[%parallel_loop3A_638, %parallel_loop3A_639, %parallel_loop3A_640] {strides = array<i32>} : memref<4x128x64xf32, #tpu.memory_space<vmem>>, vector<16xf32>,
        %parallel_loop3A_642 = arith.constant 2 : i32
        %parallel_loop3A_643 = arith.constant 0 : i32
        %parallel_loop3A_644 = arith.constant 0 : i32
        %parallel_loop3A_645 = arith.constant 0 : i32
        %parallel_loop3A_646 = tpu.memref_slice %arg7[%parallel_loop3A_642, %parallel_loop3A_643, %parallel_loop3A_644, %parallel_loop3A_645] : memref<4x8x8x129xf32, #tpu.memory_space<vmem>> -> memref<1x8x8x129xf32, #tpu.memory_space<vmem>>
        %parallel_loop3A_647 = tpu.memref_squeeze %parallel_loop3A_646 : memref<1x8x8x129xf32, #tpu.memory_space<vmem>> -> memref<8x8x129xf32, #tpu.memory_space<vmem>>
        tpu.vector_store_idx %parallel_loop3A_647[%select_n3A_64, %rem3A_67, %parallel_loop3A_625], %parallel_loop3A_641 : memref<8x8x129xf32, #tpu.memory_space<vmem>>[vector<16xi32>, vector<16xi32>, vector<16xi32>], vector<16xf32>,
        %parallel_loop3A_648 = arith.constant 2 : i32
        %parallel_loop3A_649 = arith.index_cast %parallel_loop3A_648 : i32 to index
        %parallel_loop3A_650 = arith.index_cast %parallel_loop3A_624 : i32 to index
        %parallel_loop3A_651 = arith.constant 32 : index
        %parallel_loop3A_652 = tpu.vector_load %arg6[%parallel_loop3A_649, %parallel_loop3A_650, %parallel_loop3A_651] {strides = array<i32>} : memref<4x128x64xf32, #tpu.memory_space<vmem>>, vector<16xf32>,
        %parallel_loop3A_653 = arith.constant 2 : i32
        %parallel_loop3A_654 = arith.constant 0 : i32
        %parallel_loop3A_655 = arith.constant 0 : i32
        %parallel_loop3A_656 = arith.constant 0 : i32
        %parallel_loop3A_657 = tpu.memref_slice %arg7[%parallel_loop3A_653, %parallel_loop3A_654, %parallel_loop3A_655, %parallel_loop3A_656] : memref<4x8x8x129xf32, #tpu.memory_space<vmem>> -> memref<1x8x8x129xf32, #tpu.memory_space<vmem>>
        %parallel_loop3A_658 = tpu.memref_squeeze %parallel_loop3A_657 : memref<1x8x8x129xf32, #tpu.memory_space<vmem>> -> memref<8x8x129xf32, #tpu.memory_space<vmem>>
        tpu.vector_store_idx %parallel_loop3A_658[%select_n3A_102, %rem3A_105, %parallel_loop3A_625], %parallel_loop3A_652 : memref<8x8x129xf32, #tpu.memory_space<vmem>>[vector<16xi32>, vector<16xi32>, vector<16xi32>], vector<16xf32>,
        %parallel_loop3A_659 = arith.constant 2 : i32
        %parallel_loop3A_660 = arith.index_cast %parallel_loop3A_659 : i32 to index
        %parallel_loop3A_661 = arith.index_cast %parallel_loop3A_624 : i32 to index
        %parallel_loop3A_662 = arith.constant 48 : index
        %parallel_loop3A_663 = tpu.vector_load %arg6[%parallel_loop3A_660, %parallel_loop3A_661, %parallel_loop3A_662] {strides = array<i32>} : memref<4x128x64xf32, #tpu.memory_space<vmem>>, vector<16xf32>,
        %parallel_loop3A_664 = arith.constant 2 : i32
        %parallel_loop3A_665 = arith.constant 0 : i32
        %parallel_loop3A_666 = arith.constant 0 : i32
        %parallel_loop3A_667 = arith.constant 0 : i32
        %parallel_loop3A_668 = tpu.memref_slice %arg7[%parallel_loop3A_664, %parallel_loop3A_665, %parallel_loop3A_666, %parallel_loop3A_667] : memref<4x8x8x129xf32, #tpu.memory_space<vmem>> -> memref<1x8x8x129xf32, #tpu.memory_space<vmem>>
        %parallel_loop3A_669 = tpu.memref_squeeze %parallel_loop3A_668 : memref<1x8x8x129xf32, #tpu.memory_space<vmem>> -> memref<8x8x129xf32, #tpu.memory_space<vmem>>
        tpu.vector_store_idx %parallel_loop3A_669[%select_n3A_140, %rem3A_143, %parallel_loop3A_625], %parallel_loop3A_663 : memref<8x8x129xf32, #tpu.memory_space<vmem>>[vector<16xi32>, vector<16xi32>, vector<16xi32>], vector<16xf32>,
      } {sc.loop_unroll_factor = 8 : i64, sc.parallel_access}
      %dma_start3A_519 = arith.constant 2 : i32
      %dma_start3A_520 = arith.constant 2 : i32
      %dma_start3A_521 = arith.constant 0 : i32
      %dma_start3A_522 = arith.constant 0 : i32
      %dma_start3A_523 = arith.constant 0 : i32
      %dma_start3A_524 = tpu.memref_slice %arg7[%dma_start3A_519, %dma_start3A_521, %dma_start3A_522, %dma_start3A_523] : memref<4x8x8x129xf32, #tpu.memory_space<vmem>> -> memref<1x8x8x128xf32, #tpu.memory_space<vmem>>
      %dma_start3A_525 = tpu.memref_squeeze %dma_start3A_524 : memref<1x8x8x128xf32, #tpu.memory_space<vmem>> -> memref<8x8x128xf32, #tpu.memory_space<vmem>>
      %dma_start3A_526 = arith.constant 0 : i32
      %dma_start3A_527 = arith.constant 0 : i32
      %dma_start3A_528 = arith.constant 0 : i32
      %dma_start3A_529 = tpu.memref_slice %arg4[%add3A_463, %dma_start3A_526, %add3A, %dma_start3A_527, %dma_start3A_528] : memref<200x8x32x8x128xf32, #tpu.memory_space<hbm>> -> memref<1x8x1x8x128xf32, #tpu.memory_space<hbm>>
      %dma_start3A_530 = tpu.memref_squeeze %dma_start3A_529 : memref<1x8x1x8x128xf32, #tpu.memory_space<hbm>> -> memref<8x8x128xf32, #tpu.memory_space<hbm>>
      %dma_start3A_531 = tpu.memref_slice %arg9[%dma_start3A_520] : memref<4x!tpu.dma_semaphore, #tpu.memory_space<semaphore_mem>> -> memref<1x!tpu.dma_semaphore, #tpu.memory_space<semaphore_mem>>
      %dma_start3A_532 = tpu.memref_squeeze %dma_start3A_531 : memref<1x!tpu.dma_semaphore, #tpu.memory_space<semaphore_mem>> -> memref<!tpu.dma_semaphore, #tpu.memory_space<semaphore_mem>>
      %dma_start3A_533 = arith.constant 0 : i32
      %dma_start3A_534 = arith.constant 0 : i32
      %dma_start3A_535 = arith.constant 0 : i32
      %dma_start3A_536 = tpu.memref_slice %arg4[%add3A_463, %dma_start3A_533, %add3A, %dma_start3A_534, %dma_start3A_535] : memref<200x8x32x8x128xf32, #tpu.memory_space<hbm>> -> memref<1x8x1x8x128xf32, #tpu.memory_space<hbm>>
      %dma_start3A_537 = tpu.memref_squeeze %dma_start3A_536 : memref<1x8x1x8x128xf32, #tpu.memory_space<hbm>> -> memref<8x8x128xf32, #tpu.memory_space<hbm>>
      %dma_start3A_538 = arith.constant 0 : i32
      %dma_start3A_539 = arith.constant 0 : i32
      %dma_start3A_540 = arith.constant 0 : i32
      %dma_start3A_541 = tpu.memref_slice %arg7[%dma_start3A_519, %dma_start3A_538, %dma_start3A_539, %dma_start3A_540] : memref<4x8x8x129xf32, #tpu.memory_space<vmem>> -> memref<1x8x8x128xf32, #tpu.memory_space<vmem>>
      %dma_start3A_542 = tpu.memref_squeeze %dma_start3A_541 : memref<1x8x8x128xf32, #tpu.memory_space<vmem>> -> memref<8x8x128xf32, #tpu.memory_space<vmem>>
      tpu.enqueue_dma source(%dma_start3A_542 : memref<8x8x128xf32, #tpu.memory_space<vmem>>) target(%dma_start3A_537 : memref<8x8x128xf32, #tpu.memory_space<hbm>>) target_semaphore(%dma_start3A_532 : memref<!tpu.dma_semaphore, #tpu.memory_space<semaphore_mem>>)
      %add3A_543 = arith.constant 3 : i32
      %add3A_544 = arith.addi %add3A_304, %add3A_543 : i32
      %jit3A_545 = arith.constant 8 : i32
      %div3A_546 = arith.divsi %add3A_544, %jit3A_545 : i32
      %sign3A_547 = arith.constant 0 : i32
      %sign3A_548 = arith.cmpi sgt, %add3A_544, %sign3A_547 : i32
      %sign3A_549 = arith.extui %sign3A_548 : i1 to i32
      %sign3A_550 = arith.constant 0 : i32
      %sign3A_551 = arith.cmpi slt, %add3A_544, %sign3A_550 : i32
      %sign3A_552 = arith.extui %sign3A_551 : i1 to i32
      %sign3A_553 = arith.subi %sign3A_549, %sign3A_552 : i32
      %sign3A_554 = arith.constant 0 : i32
      %sign3A_555 = arith.cmpi sgt, %jit3A_545, %sign3A_554 : i32
      %sign3A_556 = arith.extui %sign3A_555 : i1 to i32
      %sign3A_557 = arith.constant 0 : i32
      %sign3A_558 = arith.cmpi slt, %jit3A_545, %sign3A_557 : i32
      %sign3A_559 = arith.extui %sign3A_558 : i1 to i32
      %sign3A_560 = arith.subi %sign3A_556, %sign3A_559 : i32
      %ne3A_561 = arith.cmpi ne, %sign3A_553, %sign3A_560 : i32
      %rem3A_562 = arith.remsi %add3A_544, %jit3A_545 : i32
      %ne3A_563 = arith.constant 0 : i32
      %ne3A_564 = arith.cmpi ne, %rem3A_562, %ne3A_563 : i32
      %and3A_565 = arith.andi %ne3A_561, %ne3A_564 : i1
      %sub3A_566 = arith.constant 1 : i32
      %sub3A_567 = arith.subi %div3A_546, %sub3A_566 : i32
      %select_n3A_568 = arith.select %and3A_565, %sub3A_567, %div3A_546 : i32
      %rem3A_569 = arith.constant 8 : i32
      %rem3A_570 = arith.remsi %add3A_544, %rem3A_569 : i32
      %dma_wait3A_571 = arith.constant 3 : i32
      %dma_wait3A_572 = arith.constant 3 : i32
      %dma_wait3A_573 = arith.constant 0 : i32
      %dma_wait3A_574 = arith.constant 0 : i32
      %dma_wait3A_575 = tpu.memref_slice %arg6[%dma_wait3A_571, %dma_wait3A_573, %dma_wait3A_574] : memref<4x128x64xf32, #tpu.memory_space<vmem>> -> memref<1x128x64xf32, #tpu.memory_space<vmem>>
      %dma_wait3A_576 = tpu.memref_squeeze %dma_wait3A_575 : memref<1x128x64xf32, #tpu.memory_space<vmem>> -> memref<128x64xf32, #tpu.memory_space<vmem>>
      %dma_wait3A_577 = arith.constant 0 : i32
      %dma_wait3A_578 = tpu.memref_slice %arg5[%select_n3A_568, %rem3A_570, %dma_wait3A_577] : memref<25x8x128xi32, #tpu.memory_space<vmem>> -> memref<1x1x128xi32, #tpu.memory_space<vmem>>
      %dma_wait3A_579 = tpu.memref_squeeze %dma_wait3A_578 : memref<1x1x128xi32, #tpu.memory_space<vmem>> -> memref<128xi32, #tpu.memory_space<vmem>>
      %dma_wait3A_580 = arith.constant 0 : i32
      %dma_wait3A_581 = arith.constant 0 : i32
      %dma_wait3A_582 = tpu.memref_slice %arg2[%dma_wait3A_580, %dma_wait3A_581] : memref<200016x64xf32, #tpu.memory_space<hbm>> -> memref<200016x64xf32, #tpu.memory_space<hbm>>
      %dma_wait3A_583 = tpu.memref_slice %arg8[%dma_wait3A_572] : memref<4x!tpu.dma_semaphore, #tpu.memory_space<semaphore_mem>> -> memref<1x!tpu.dma_semaphore, #tpu.memory_space<semaphore_mem>>
      %dma_wait3A_584 = tpu.memref_squeeze %dma_wait3A_583 : memref<1x!tpu.dma_semaphore, #tpu.memory_space<semaphore_mem>> -> memref<!tpu.dma_semaphore, #tpu.memory_space<semaphore_mem>>
      tpu.wait_indirect_dma semaphore(%dma_wait3A_584 : memref<!tpu.dma_semaphore, #tpu.memory_space<semaphore_mem>>) src(%dma_wait3A_582 : memref<200016x64xf32, #tpu.memory_space<hbm>>) dst(%dma_wait3A_576 : memref<128x64xf32, #tpu.memory_space<vmem>>)
      %add3A_585 = arith.constant 3 : i32
      %add3A_586 = arith.addi %add3A_544, %add3A_585 : i32
      %lt3A_587 = arith.constant 200 : i32
      %lt3A_588 = arith.cmpi slt, %add3A_586, %lt3A_587 : i32
      %convert_element_type3A_589 = arith.extui %lt3A_588 : i1 to i32
      %cond3A_590 = arith.constant 0 : i32
      %cond3A_591 = arith.cmpi ne, %convert_element_type3A_589, %cond3A_590 : i32
      scf.if %cond3A_591 {
        %add3A_624 = arith.constant 3 : i32
        %add3A_625 = arith.addi %add3A_544, %add3A_624 : i32
        %jit3A_626 = arith.constant 8 : i32
        %div3A_627 = arith.divsi %add3A_625, %jit3A_626 : i32
        %sign3A_628 = arith.constant 0 : i32
        %sign3A_629 = arith.cmpi sgt, %add3A_625, %sign3A_628 : i32
        %sign3A_630 = arith.extui %sign3A_629 : i1 to i32
        %sign3A_631 = arith.constant 0 : i32
        %sign3A_632 = arith.cmpi slt, %add3A_625, %sign3A_631 : i32
        %sign3A_633 = arith.extui %sign3A_632 : i1 to i32
        %sign3A_634 = arith.subi %sign3A_630, %sign3A_633 : i32
        %sign3A_635 = arith.constant 0 : i32
        %sign3A_636 = arith.cmpi sgt, %jit3A_626, %sign3A_635 : i32
        %sign3A_637 = arith.extui %sign3A_636 : i1 to i32
        %sign3A_638 = arith.constant 0 : i32
        %sign3A_639 = arith.cmpi slt, %jit3A_626, %sign3A_638 : i32
        %sign3A_640 = arith.extui %sign3A_639 : i1 to i32
        %sign3A_641 = arith.subi %sign3A_637, %sign3A_640 : i32
        %ne3A_642 = arith.cmpi ne, %sign3A_634, %sign3A_641 : i32
        %rem3A_643 = arith.remsi %add3A_625, %jit3A_626 : i32
        %ne3A_644 = arith.constant 0 : i32
        %ne3A_645 = arith.cmpi ne, %rem3A_643, %ne3A_644 : i32
        %and3A_646 = arith.andi %ne3A_642, %ne3A_645 : i1
        %sub3A_647 = arith.constant 1 : i32
        %sub3A_648 = arith.subi %div3A_627, %sub3A_647 : i32
        %select_n3A_649 = arith.select %and3A_646, %sub3A_648, %div3A_627 : i32
        %rem3A_650 = arith.constant 8 : i32
        %rem3A_651 = arith.remsi %add3A_625, %rem3A_650 : i32
        %dma_start3A_652 = arith.constant 2 : i32
        %dma_start3A_653 = arith.constant 2 : i32
        %dma_start3A_654 = arith.constant 0 : i32
        %dma_start3A_655 = arith.constant 0 : i32
        %dma_start3A_656 = tpu.memref_slice %arg6[%dma_start3A_652, %dma_start3A_654, %dma_start3A_655] : memref<4x128x64xf32, #tpu.memory_space<vmem>> -> memref<1x128x64xf32, #tpu.memory_space<vmem>>
        %dma_start3A_657 = tpu.memref_squeeze %dma_start3A_656 : memref<1x128x64xf32, #tpu.memory_space<vmem>> -> memref<128x64xf32, #tpu.memory_space<vmem>>
        %dma_start3A_658 = arith.constant 0 : i32
        %dma_start3A_659 = tpu.memref_slice %arg5[%select_n3A_649, %rem3A_651, %dma_start3A_658] : memref<25x8x128xi32, #tpu.memory_space<vmem>> -> memref<1x1x128xi32, #tpu.memory_space<vmem>>
        %dma_start3A_660 = tpu.memref_squeeze %dma_start3A_659 : memref<1x1x128xi32, #tpu.memory_space<vmem>> -> memref<128xi32, #tpu.memory_space<vmem>>
        %dma_start3A_661 = arith.constant 0 : i32
        %dma_start3A_662 = arith.constant 0 : i32
        %dma_start3A_663 = tpu.memref_slice %arg2[%dma_start3A_661, %dma_start3A_662] : memref<200016x64xf32, #tpu.memory_space<hbm>> -> memref<200016x64xf32, #tpu.memory_space<hbm>>
        %dma_start3A_664 = tpu.memref_slice %arg8[%dma_start3A_653] : memref<4x!tpu.dma_semaphore, #tpu.memory_space<semaphore_mem>> -> memref<1x!tpu.dma_semaphore, #tpu.memory_space<semaphore_mem>>
        %dma_start3A_665 = tpu.memref_squeeze %dma_start3A_664 : memref<1x!tpu.dma_semaphore, #tpu.memory_space<semaphore_mem>> -> memref<!tpu.dma_semaphore, #tpu.memory_space<semaphore_mem>>
        tpu.enqueue_indirect_dma source(%dma_start3A_663 : memref<200016x64xf32, #tpu.memory_space<hbm>>) target(%dma_start3A_657 : memref<128x64xf32, #tpu.memory_space<vmem>>) offsets(%dma_start3A_660 : memref<128xi32, #tpu.memory_space<vmem>>) semaphore(%dma_start3A_665 : memref<!tpu.dma_semaphore, #tpu.memory_space<semaphore_mem>>)
      } else {
      }
      %ge3A_592 = arith.constant 4 : i32
      %ge3A_593 = arith.cmpi sge, %add3A_544, %ge3A_592 : i32
      %convert_element_type3A_594 = arith.extui %ge3A_593 : i1 to i32
      %cond3A_595 = arith.constant 0 : i32
      %cond3A_596 = arith.cmpi ne, %convert_element_type3A_594, %cond3A_595 : i32
      scf.if %cond3A_596 {
        %sub3A_624 = arith.constant 4 : i32
        %sub3A_625 = arith.subi %add3A_544, %sub3A_624 : i32
        %dma_wait3A_626 = arith.constant 3 : i32
        %dma_wait3A_627 = arith.constant 3 : i32
        %dma_wait3A_628 = arith.constant 0 : i32
        %dma_wait3A_629 = arith.constant 0 : i32
        %dma_wait3A_630 = arith.constant 0 : i32
        %dma_wait3A_631 = tpu.memref_slice %arg7[%dma_wait3A_626, %dma_wait3A_628, %dma_wait3A_629, %dma_wait3A_630] : memref<4x8x8x129xf32, #tpu.memory_space<vmem>> -> memref<1x8x8x128xf32, #tpu.memory_space<vmem>>
        %dma_wait3A_632 = tpu.memref_squeeze %dma_wait3A_631 : memref<1x8x8x128xf32, #tpu.memory_space<vmem>> -> memref<8x8x128xf32, #tpu.memory_space<vmem>>
        %dma_wait3A_633 = arith.constant 0 : i32
        %dma_wait3A_634 = arith.constant 0 : i32
        %dma_wait3A_635 = arith.constant 0 : i32
        %dma_wait3A_636 = tpu.memref_slice %arg4[%sub3A_625, %dma_wait3A_633, %add3A, %dma_wait3A_634, %dma_wait3A_635] : memref<200x8x32x8x128xf32, #tpu.memory_space<hbm>> -> memref<1x8x1x8x128xf32, #tpu.memory_space<hbm>>
        %dma_wait3A_637 = tpu.memref_squeeze %dma_wait3A_636 : memref<1x8x1x8x128xf32, #tpu.memory_space<hbm>> -> memref<8x8x128xf32, #tpu.memory_space<hbm>>
        %dma_wait3A_638 = tpu.memref_slice %arg9[%dma_wait3A_627] : memref<4x!tpu.dma_semaphore, #tpu.memory_space<semaphore_mem>> -> memref<1x!tpu.dma_semaphore, #tpu.memory_space<semaphore_mem>>
        %dma_wait3A_639 = tpu.memref_squeeze %dma_wait3A_638 : memref<1x!tpu.dma_semaphore, #tpu.memory_space<semaphore_mem>> -> memref<!tpu.dma_semaphore, #tpu.memory_space<semaphore_mem>>
        %dma_wait3A_640 = arith.constant 0 : i32
        %dma_wait3A_641 = arith.constant 0 : i32
        %dma_wait3A_642 = arith.constant 0 : i32
        %dma_wait3A_643 = tpu.memref_slice %arg4[%sub3A_625, %dma_wait3A_640, %add3A, %dma_wait3A_641, %dma_wait3A_642] : memref<200x8x32x8x128xf32, #tpu.memory_space<hbm>> -> memref<1x8x1x8x128xf32, #tpu.memory_space<hbm>>
        %dma_wait3A_644 = tpu.memref_squeeze %dma_wait3A_643 : memref<1x8x1x8x128xf32, #tpu.memory_space<hbm>> -> memref<8x8x128xf32, #tpu.memory_space<hbm>>
        %dma_wait3A_645 = arith.constant 0 : i32
        %dma_wait3A_646 = arith.constant 0 : i32
        %dma_wait3A_647 = arith.constant 0 : i32
        %dma_wait3A_648 = tpu.memref_slice %arg7[%dma_wait3A_626, %dma_wait3A_645, %dma_wait3A_646, %dma_wait3A_647] : memref<4x8x8x129xf32, #tpu.memory_space<vmem>> -> memref<1x8x8x128xf32, #tpu.memory_space<vmem>>
        %dma_wait3A_649 = tpu.memref_squeeze %dma_wait3A_648 : memref<1x8x8x128xf32, #tpu.memory_space<vmem>> -> memref<8x8x128xf32, #tpu.memory_space<vmem>>
        tpu.wait_dma2 semaphore(%dma_wait3A_639 : memref<!tpu.dma_semaphore, #tpu.memory_space<semaphore_mem>>) src(%dma_wait3A_649 : memref<8x8x128xf32, #tpu.memory_space<vmem>>) dst(%dma_wait3A_644 : memref<8x8x128xf32, #tpu.memory_space<hbm>>)
      } else {
      }
      %parallel_loop3A_597 = arith.constant 0 : i32
      %parallel_loop3A_598 = arith.constant 128 : i32
      %parallel_loop3A_599 = arith.constant 1 : i32
      scf.for %parallel_loop3A_624 = %parallel_loop3A_597 to %parallel_loop3A_598 step %parallel_loop3A_599  : i32 {
        %parallel_loop3A_625 = vector.broadcast %parallel_loop3A_624 : i32 to vector<16xi32>
        %parallel_loop3A_626 = arith.constant 3 : i32
        %parallel_loop3A_627 = arith.index_cast %parallel_loop3A_626 : i32 to index
        %parallel_loop3A_628 = arith.index_cast %parallel_loop3A_624 : i32 to index
        %parallel_loop3A_629 = arith.constant 0 : index
        %parallel_loop3A_630 = tpu.vector_load %arg6[%parallel_loop3A_627, %parallel_loop3A_628, %parallel_loop3A_629] {strides = array<i32>} : memref<4x128x64xf32, #tpu.memory_space<vmem>>, vector<16xf32>,
        %parallel_loop3A_631 = arith.constant 3 : i32
        %parallel_loop3A_632 = arith.constant 0 : i32
        %parallel_loop3A_633 = arith.constant 0 : i32
        %parallel_loop3A_634 = arith.constant 0 : i32
        %parallel_loop3A_635 = tpu.memref_slice %arg7[%parallel_loop3A_631, %parallel_loop3A_632, %parallel_loop3A_633, %parallel_loop3A_634] : memref<4x8x8x129xf32, #tpu.memory_space<vmem>> -> memref<1x8x8x129xf32, #tpu.memory_space<vmem>>
        %parallel_loop3A_636 = tpu.memref_squeeze %parallel_loop3A_635 : memref<1x8x8x129xf32, #tpu.memory_space<vmem>> -> memref<8x8x129xf32, #tpu.memory_space<vmem>>
        tpu.vector_store_idx %parallel_loop3A_636[%select_n3A, %rem3A_29, %parallel_loop3A_625], %parallel_loop3A_630 : memref<8x8x129xf32, #tpu.memory_space<vmem>>[vector<16xi32>, vector<16xi32>, vector<16xi32>], vector<16xf32>,
        %parallel_loop3A_637 = arith.constant 3 : i32
        %parallel_loop3A_638 = arith.index_cast %parallel_loop3A_637 : i32 to index
        %parallel_loop3A_639 = arith.index_cast %parallel_loop3A_624 : i32 to index
        %parallel_loop3A_640 = arith.constant 16 : index
        %parallel_loop3A_641 = tpu.vector_load %arg6[%parallel_loop3A_638, %parallel_loop3A_639, %parallel_loop3A_640] {strides = array<i32>} : memref<4x128x64xf32, #tpu.memory_space<vmem>>, vector<16xf32>,
        %parallel_loop3A_642 = arith.constant 3 : i32
        %parallel_loop3A_643 = arith.constant 0 : i32
        %parallel_loop3A_644 = arith.constant 0 : i32
        %parallel_loop3A_645 = arith.constant 0 : i32
        %parallel_loop3A_646 = tpu.memref_slice %arg7[%parallel_loop3A_642, %parallel_loop3A_643, %parallel_loop3A_644, %parallel_loop3A_645] : memref<4x8x8x129xf32, #tpu.memory_space<vmem>> -> memref<1x8x8x129xf32, #tpu.memory_space<vmem>>
        %parallel_loop3A_647 = tpu.memref_squeeze %parallel_loop3A_646 : memref<1x8x8x129xf32, #tpu.memory_space<vmem>> -> memref<8x8x129xf32, #tpu.memory_space<vmem>>
        tpu.vector_store_idx %parallel_loop3A_647[%select_n3A_64, %rem3A_67, %parallel_loop3A_625], %parallel_loop3A_641 : memref<8x8x129xf32, #tpu.memory_space<vmem>>[vector<16xi32>, vector<16xi32>, vector<16xi32>], vector<16xf32>,
        %parallel_loop3A_648 = arith.constant 3 : i32
        %parallel_loop3A_649 = arith.index_cast %parallel_loop3A_648 : i32 to index
        %parallel_loop3A_650 = arith.index_cast %parallel_loop3A_624 : i32 to index
        %parallel_loop3A_651 = arith.constant 32 : index
        %parallel_loop3A_652 = tpu.vector_load %arg6[%parallel_loop3A_649, %parallel_loop3A_650, %parallel_loop3A_651] {strides = array<i32>} : memref<4x128x64xf32, #tpu.memory_space<vmem>>, vector<16xf32>,
        %parallel_loop3A_653 = arith.constant 3 : i32
        %parallel_loop3A_654 = arith.constant 0 : i32
        %parallel_loop3A_655 = arith.constant 0 : i32
        %parallel_loop3A_656 = arith.constant 0 : i32
        %parallel_loop3A_657 = tpu.memref_slice %arg7[%parallel_loop3A_653, %parallel_loop3A_654, %parallel_loop3A_655, %parallel_loop3A_656] : memref<4x8x8x129xf32, #tpu.memory_space<vmem>> -> memref<1x8x8x129xf32, #tpu.memory_space<vmem>>
        %parallel_loop3A_658 = tpu.memref_squeeze %parallel_loop3A_657 : memref<1x8x8x129xf32, #tpu.memory_space<vmem>> -> memref<8x8x129xf32, #tpu.memory_space<vmem>>
        tpu.vector_store_idx %parallel_loop3A_658[%select_n3A_102, %rem3A_105, %parallel_loop3A_625], %parallel_loop3A_652 : memref<8x8x129xf32, #tpu.memory_space<vmem>>[vector<16xi32>, vector<16xi32>, vector<16xi32>], vector<16xf32>,
        %parallel_loop3A_659 = arith.constant 3 : i32
        %parallel_loop3A_660 = arith.index_cast %parallel_loop3A_659 : i32 to index
        %parallel_loop3A_661 = arith.index_cast %parallel_loop3A_624 : i32 to index
        %parallel_loop3A_662 = arith.constant 48 : index
        %parallel_loop3A_663 = tpu.vector_load %arg6[%parallel_loop3A_660, %parallel_loop3A_661, %parallel_loop3A_662] {strides = array<i32>} : memref<4x128x64xf32, #tpu.memory_space<vmem>>, vector<16xf32>,
        %parallel_loop3A_664 = arith.constant 3 : i32
        %parallel_loop3A_665 = arith.constant 0 : i32
        %parallel_loop3A_666 = arith.constant 0 : i32
        %parallel_loop3A_667 = arith.constant 0 : i32
        %parallel_loop3A_668 = tpu.memref_slice %arg7[%parallel_loop3A_664, %parallel_loop3A_665, %parallel_loop3A_666, %parallel_loop3A_667] : memref<4x8x8x129xf32, #tpu.memory_space<vmem>> -> memref<1x8x8x129xf32, #tpu.memory_space<vmem>>
        %parallel_loop3A_669 = tpu.memref_squeeze %parallel_loop3A_668 : memref<1x8x8x129xf32, #tpu.memory_space<vmem>> -> memref<8x8x129xf32, #tpu.memory_space<vmem>>
        tpu.vector_store_idx %parallel_loop3A_669[%select_n3A_140, %rem3A_143, %parallel_loop3A_625], %parallel_loop3A_663 : memref<8x8x129xf32, #tpu.memory_space<vmem>>[vector<16xi32>, vector<16xi32>, vector<16xi32>], vector<16xf32>,
      } {sc.loop_unroll_factor = 8 : i64, sc.parallel_access}
      %dma_start3A_600 = arith.constant 3 : i32
      %dma_start3A_601 = arith.constant 3 : i32
      %dma_start3A_602 = arith.constant 0 : i32
      %dma_start3A_603 = arith.constant 0 : i32
      %dma_start3A_604 = arith.constant 0 : i32
      %dma_start3A_605 = tpu.memref_slice %arg7[%dma_start3A_600, %dma_start3A_602, %dma_start3A_603, %dma_start3A_604] : memref<4x8x8x129xf32, #tpu.memory_space<vmem>> -> memref<1x8x8x128xf32, #tpu.memory_space<vmem>>
      %dma_start3A_606 = tpu.memref_squeeze %dma_start3A_605 : memref<1x8x8x128xf32, #tpu.memory_space<vmem>> -> memref<8x8x128xf32, #tpu.memory_space<vmem>>
      %dma_start3A_607 = arith.constant 0 : i32
      %dma_start3A_608 = arith.constant 0 : i32
      %dma_start3A_609 = arith.constant 0 : i32
      %dma_start3A_610 = tpu.memref_slice %arg4[%add3A_544, %dma_start3A_607, %add3A, %dma_start3A_608, %dma_start3A_609] : memref<200x8x32x8x128xf32, #tpu.memory_space<hbm>> -> memref<1x8x1x8x128xf32, #tpu.memory_space<hbm>>
      %dma_start3A_611 = tpu.memref_squeeze %dma_start3A_610 : memref<1x8x1x8x128xf32, #tpu.memory_space<hbm>> -> memref<8x8x128xf32, #tpu.memory_space<hbm>>
      %dma_start3A_612 = tpu.memref_slice %arg9[%dma_start3A_601] : memref<4x!tpu.dma_semaphore, #tpu.memory_space<semaphore_mem>> -> memref<1x!tpu.dma_semaphore, #tpu.memory_space<semaphore_mem>>
      %dma_start3A_613 = tpu.memref_squeeze %dma_start3A_612 : memref<1x!tpu.dma_semaphore, #tpu.memory_space<semaphore_mem>> -> memref<!tpu.dma_semaphore, #tpu.memory_space<semaphore_mem>>
      %dma_start3A_614 = arith.constant 0 : i32
      %dma_start3A_615 = arith.constant 0 : i32
      %dma_start3A_616 = arith.constant 0 : i32
      %dma_start3A_617 = tpu.memref_slice %arg4[%add3A_544, %dma_start3A_614, %add3A, %dma_start3A_615, %dma_start3A_616] : memref<200x8x32x8x128xf32, #tpu.memory_space<hbm>> -> memref<1x8x1x8x128xf32, #tpu.memory_space<hbm>>
      %dma_start3A_618 = tpu.memref_squeeze %dma_start3A_617 : memref<1x8x1x8x128xf32, #tpu.memory_space<hbm>> -> memref<8x8x128xf32, #tpu.memory_space<hbm>>
      %dma_start3A_619 = arith.constant 0 : i32
      %dma_start3A_620 = arith.constant 0 : i32
      %dma_start3A_621 = arith.constant 0 : i32
      %dma_start3A_622 = tpu.memref_slice %arg7[%dma_start3A_600, %dma_start3A_619, %dma_start3A_620, %dma_start3A_621] : memref<4x8x8x129xf32, #tpu.memory_space<vmem>> -> memref<1x8x8x128xf32, #tpu.memory_space<vmem>>
      %dma_start3A_623 = tpu.memref_squeeze %dma_start3A_622 : memref<1x8x8x128xf32, #tpu.memory_space<vmem>> -> memref<8x8x128xf32, #tpu.memory_space<vmem>>
      tpu.enqueue_dma source(%dma_start3A_623 : memref<8x8x128xf32, #tpu.memory_space<vmem>>) target(%dma_start3A_618 : memref<8x8x128xf32, #tpu.memory_space<hbm>>) target_semaphore(%dma_start3A_613 : memref<!tpu.dma_semaphore, #tpu.memory_space<semaphore_mem>>)
    }
    %scan3A_200 = arith.constant 50 : i32
    %dma_wait3A = arith.constant 0 : i32
    %dma_wait3A_201 = arith.constant 196 : i32
    %dma_wait3A_202 = arith.constant 0 : i32
    %dma_wait3A_203 = arith.constant 0 : i32
    %dma_wait3A_204 = arith.constant 0 : i32
    %dma_wait3A_205 = arith.constant 0 : i32
    %dma_wait3A_206 = tpu.memref_slice %arg7[%dma_wait3A, %dma_wait3A_203, %dma_wait3A_204, %dma_wait3A_205] : memref<4x8x8x129xf32, #tpu.memory_space<vmem>> -> memref<1x8x8x128xf32, #tpu.memory_space<vmem>>
    %dma_wait3A_207 = tpu.memref_squeeze %dma_wait3A_206 : memref<1x8x8x128xf32, #tpu.memory_space<vmem>> -> memref<8x8x128xf32, #tpu.memory_space<vmem>>
    %dma_wait3A_208 = arith.constant 0 : i32
    %dma_wait3A_209 = arith.constant 0 : i32
    %dma_wait3A_210 = arith.constant 0 : i32
    %dma_wait3A_211 = tpu.memref_slice %arg4[%dma_wait3A_201, %dma_wait3A_208, %add3A, %dma_wait3A_209, %dma_wait3A_210] : memref<200x8x32x8x128xf32, #tpu.memory_space<hbm>> -> memref<1x8x1x8x128xf32, #tpu.memory_space<hbm>>
    %dma_wait3A_212 = tpu.memref_squeeze %dma_wait3A_211 : memref<1x8x1x8x128xf32, #tpu.memory_space<hbm>> -> memref<8x8x128xf32, #tpu.memory_space<hbm>>
    %dma_wait3A_213 = tpu.memref_slice %arg9[%dma_wait3A_202] : memref<4x!tpu.dma_semaphore, #tpu.memory_space<semaphore_mem>> -> memref<1x!tpu.dma_semaphore, #tpu.memory_space<semaphore_mem>>
    %dma_wait3A_214 = tpu.memref_squeeze %dma_wait3A_213 : memref<1x!tpu.dma_semaphore, #tpu.memory_space<semaphore_mem>> -> memref<!tpu.dma_semaphore, #tpu.memory_space<semaphore_mem>>
    %dma_wait3A_215 = arith.constant 0 : i32
    %dma_wait3A_216 = arith.constant 0 : i32
    %dma_wait3A_217 = arith.constant 0 : i32
    %dma_wait3A_218 = tpu.memref_slice %arg4[%dma_wait3A_201, %dma_wait3A_215, %add3A, %dma_wait3A_216, %dma_wait3A_217] : memref<200x8x32x8x128xf32, #tpu.memory_space<hbm>> -> memref<1x8x1x8x128xf32, #tpu.memory_space<hbm>>
    %dma_wait3A_219 = tpu.memref_squeeze %dma_wait3A_218 : memref<1x8x1x8x128xf32, #tpu.memory_space<hbm>> -> memref<8x8x128xf32, #tpu.memory_space<hbm>>
    %dma_wait3A_220 = arith.constant 0 : i32
    %dma_wait3A_221 = arith.constant 0 : i32
    %dma_wait3A_222 = arith.constant 0 : i32
    %dma_wait3A_223 = tpu.memref_slice %arg7[%dma_wait3A, %dma_wait3A_220, %dma_wait3A_221, %dma_wait3A_222] : memref<4x8x8x129xf32, #tpu.memory_space<vmem>> -> memref<1x8x8x128xf32, #tpu.memory_space<vmem>>
    %dma_wait3A_224 = tpu.memref_squeeze %dma_wait3A_223 : memref<1x8x8x128xf32, #tpu.memory_space<vmem>> -> memref<8x8x128xf32, #tpu.memory_space<vmem>>
    tpu.wait_dma2 semaphore(%dma_wait3A_214 : memref<!tpu.dma_semaphore, #tpu.memory_space<semaphore_mem>>) src(%dma_wait3A_224 : memref<8x8x128xf32, #tpu.memory_space<vmem>>) dst(%dma_wait3A_219 : memref<8x8x128xf32, #tpu.memory_space<hbm>>)
    %dma_wait3A_225 = arith.constant 1 : i32
    %dma_wait3A_226 = arith.constant 197 : i32
    %dma_wait3A_227 = arith.constant 1 : i32
    %dma_wait3A_228 = arith.constant 0 : i32
    %dma_wait3A_229 = arith.constant 0 : i32
    %dma_wait3A_230 = arith.constant 0 : i32
    %dma_wait3A_231 = tpu.memref_slice %arg7[%dma_wait3A_225, %dma_wait3A_228, %dma_wait3A_229, %dma_wait3A_230] : memref<4x8x8x129xf32, #tpu.memory_space<vmem>> -> memref<1x8x8x128xf32, #tpu.memory_space<vmem>>
    %dma_wait3A_232 = tpu.memref_squeeze %dma_wait3A_231 : memref<1x8x8x128xf32, #tpu.memory_space<vmem>> -> memref<8x8x128xf32, #tpu.memory_space<vmem>>
    %dma_wait3A_233 = arith.constant 0 : i32
    %dma_wait3A_234 = arith.constant 0 : i32
    %dma_wait3A_235 = arith.constant 0 : i32
    %dma_wait3A_236 = tpu.memref_slice %arg4[%dma_wait3A_226, %dma_wait3A_233, %add3A, %dma_wait3A_234, %dma_wait3A_235] : memref<200x8x32x8x128xf32, #tpu.memory_space<hbm>> -> memref<1x8x1x8x128xf32, #tpu.memory_space<hbm>>
    %dma_wait3A_237 = tpu.memref_squeeze %dma_wait3A_236 : memref<1x8x1x8x128xf32, #tpu.memory_space<hbm>> -> memref<8x8x128xf32, #tpu.memory_space<hbm>>
    %dma_wait3A_238 = tpu.memref_slice %arg9[%dma_wait3A_227] : memref<4x!tpu.dma_semaphore, #tpu.memory_space<semaphore_mem>> -> memref<1x!tpu.dma_semaphore, #tpu.memory_space<semaphore_mem>>
    %dma_wait3A_239 = tpu.memref_squeeze %dma_wait3A_238 : memref<1x!tpu.dma_semaphore, #tpu.memory_space<semaphore_mem>> -> memref<!tpu.dma_semaphore, #tpu.memory_space<semaphore_mem>>
    %dma_wait3A_240 = arith.constant 0 : i32
    %dma_wait3A_241 = arith.constant 0 : i32
    %dma_wait3A_242 = arith.constant 0 : i32
    %dma_wait3A_243 = tpu.memref_slice %arg4[%dma_wait3A_226, %dma_wait3A_240, %add3A, %dma_wait3A_241, %dma_wait3A_242] : memref<200x8x32x8x128xf32, #tpu.memory_space<hbm>> -> memref<1x8x1x8x128xf32, #tpu.memory_space<hbm>>
    %dma_wait3A_244 = tpu.memref_squeeze %dma_wait3A_243 : memref<1x8x1x8x128xf32, #tpu.memory_space<hbm>> -> memref<8x8x128xf32, #tpu.memory_space<hbm>>
    %dma_wait3A_245 = arith.constant 0 : i32
    %dma_wait3A_246 = arith.constant 0 : i32
    %dma_wait3A_247 = arith.constant 0 : i32
    %dma_wait3A_248 = tpu.memref_slice %arg7[%dma_wait3A_225, %dma_wait3A_245, %dma_wait3A_246, %dma_wait3A_247] : memref<4x8x8x129xf32, #tpu.memory_space<vmem>> -> memref<1x8x8x128xf32, #tpu.memory_space<vmem>>
    %dma_wait3A_249 = tpu.memref_squeeze %dma_wait3A_248 : memref<1x8x8x128xf32, #tpu.memory_space<vmem>> -> memref<8x8x128xf32, #tpu.memory_space<vmem>>
    tpu.wait_dma2 semaphore(%dma_wait3A_239 : memref<!tpu.dma_semaphore, #tpu.memory_space<semaphore_mem>>) src(%dma_wait3A_249 : memref<8x8x128xf32, #tpu.memory_space<vmem>>) dst(%dma_wait3A_244 : memref<8x8x128xf32, #tpu.memory_space<hbm>>)
    %dma_wait3A_250 = arith.constant 2 : i32
    %dma_wait3A_251 = arith.constant 198 : i32
    %dma_wait3A_252 = arith.constant 2 : i32
    %dma_wait3A_253 = arith.constant 0 : i32
    %dma_wait3A_254 = arith.constant 0 : i32
    %dma_wait3A_255 = arith.constant 0 : i32
    %dma_wait3A_256 = tpu.memref_slice %arg7[%dma_wait3A_250, %dma_wait3A_253, %dma_wait3A_254, %dma_wait3A_255] : memref<4x8x8x129xf32, #tpu.memory_space<vmem>> -> memref<1x8x8x128xf32, #tpu.memory_space<vmem>>
    %dma_wait3A_257 = tpu.memref_squeeze %dma_wait3A_256 : memref<1x8x8x128xf32, #tpu.memory_space<vmem>> -> memref<8x8x128xf32, #tpu.memory_space<vmem>>
    %dma_wait3A_258 = arith.constant 0 : i32
    %dma_wait3A_259 = arith.constant 0 : i32
    %dma_wait3A_260 = arith.constant 0 : i32
    %dma_wait3A_261 = tpu.memref_slice %arg4[%dma_wait3A_251, %dma_wait3A_258, %add3A, %dma_wait3A_259, %dma_wait3A_260] : memref<200x8x32x8x128xf32, #tpu.memory_space<hbm>> -> memref<1x8x1x8x128xf32, #tpu.memory_space<hbm>>
    %dma_wait3A_262 = tpu.memref_squeeze %dma_wait3A_261 : memref<1x8x1x8x128xf32, #tpu.memory_space<hbm>> -> memref<8x8x128xf32, #tpu.memory_space<hbm>>
    %dma_wait3A_263 = tpu.memref_slice %arg9[%dma_wait3A_252] : memref<4x!tpu.dma_semaphore, #tpu.memory_space<semaphore_mem>> -> memref<1x!tpu.dma_semaphore, #tpu.memory_space<semaphore_mem>>
    %dma_wait3A_264 = tpu.memref_squeeze %dma_wait3A_263 : memref<1x!tpu.dma_semaphore, #tpu.memory_space<semaphore_mem>> -> memref<!tpu.dma_semaphore, #tpu.memory_space<semaphore_mem>>
    %dma_wait3A_265 = arith.constant 0 : i32
    %dma_wait3A_266 = arith.constant 0 : i32
    %dma_wait3A_267 = arith.constant 0 : i32
    %dma_wait3A_268 = tpu.memref_slice %arg4[%dma_wait3A_251, %dma_wait3A_265, %add3A, %dma_wait3A_266, %dma_wait3A_267] : memref<200x8x32x8x128xf32, #tpu.memory_space<hbm>> -> memref<1x8x1x8x128xf32, #tpu.memory_space<hbm>>
    %dma_wait3A_269 = tpu.memref_squeeze %dma_wait3A_268 : memref<1x8x1x8x128xf32, #tpu.memory_space<hbm>> -> memref<8x8x128xf32, #tpu.memory_space<hbm>>
    %dma_wait3A_270 = arith.constant 0 : i32
    %dma_wait3A_271 = arith.constant 0 : i32
    %dma_wait3A_272 = arith.constant 0 : i32
    %dma_wait3A_273 = tpu.memref_slice %arg7[%dma_wait3A_250, %dma_wait3A_270, %dma_wait3A_271, %dma_wait3A_272] : memref<4x8x8x129xf32, #tpu.memory_space<vmem>> -> memref<1x8x8x128xf32, #tpu.memory_space<vmem>>
    %dma_wait3A_274 = tpu.memref_squeeze %dma_wait3A_273 : memref<1x8x8x128xf32, #tpu.memory_space<vmem>> -> memref<8x8x128xf32, #tpu.memory_space<vmem>>
    tpu.wait_dma2 semaphore(%dma_wait3A_264 : memref<!tpu.dma_semaphore, #tpu.memory_space<semaphore_mem>>) src(%dma_wait3A_274 : memref<8x8x128xf32, #tpu.memory_space<vmem>>) dst(%dma_wait3A_269 : memref<8x8x128xf32, #tpu.memory_space<hbm>>)
    %dma_wait3A_275 = arith.constant 3 : i32
    %dma_wait3A_276 = arith.constant 199 : i32
    %dma_wait3A_277 = arith.constant 3 : i32
    %dma_wait3A_278 = arith.constant 0 : i32
    %dma_wait3A_279 = arith.constant 0 : i32
    %dma_wait3A_280 = arith.constant 0 : i32
    %dma_wait3A_281 = tpu.memref_slice %arg7[%dma_wait3A_275, %dma_wait3A_278, %dma_wait3A_279, %dma_wait3A_280] : memref<4x8x8x129xf32, #tpu.memory_space<vmem>> -> memref<1x8x8x128xf32, #tpu.memory_space<vmem>>
    %dma_wait3A_282 = tpu.memref_squeeze %dma_wait3A_281 : memref<1x8x8x128xf32, #tpu.memory_space<vmem>> -> memref<8x8x128xf32, #tpu.memory_space<vmem>>
    %dma_wait3A_283 = arith.constant 0 : i32
    %dma_wait3A_284 = arith.constant 0 : i32
    %dma_wait3A_285 = arith.constant 0 : i32
    %dma_wait3A_286 = tpu.memref_slice %arg4[%dma_wait3A_276, %dma_wait3A_283, %add3A, %dma_wait3A_284, %dma_wait3A_285] : memref<200x8x32x8x128xf32, #tpu.memory_space<hbm>> -> memref<1x8x1x8x128xf32, #tpu.memory_space<hbm>>
    %dma_wait3A_287 = tpu.memref_squeeze %dma_wait3A_286 : memref<1x8x1x8x128xf32, #tpu.memory_space<hbm>> -> memref<8x8x128xf32, #tpu.memory_space<hbm>>
    %dma_wait3A_288 = tpu.memref_slice %arg9[%dma_wait3A_277] : memref<4x!tpu.dma_semaphore, #tpu.memory_space<semaphore_mem>> -> memref<1x!tpu.dma_semaphore, #tpu.memory_space<semaphore_mem>>
    %dma_wait3A_289 = tpu.memref_squeeze %dma_wait3A_288 : memref<1x!tpu.dma_semaphore, #tpu.memory_space<semaphore_mem>> -> memref<!tpu.dma_semaphore, #tpu.memory_space<semaphore_mem>>
    %dma_wait3A_290 = arith.constant 0 : i32
    %dma_wait3A_291 = arith.constant 0 : i32
    %dma_wait3A_292 = arith.constant 0 : i32
    %dma_wait3A_293 = tpu.memref_slice %arg4[%dma_wait3A_276, %dma_wait3A_290, %add3A, %dma_wait3A_291, %dma_wait3A_292] : memref<200x8x32x8x128xf32, #tpu.memory_space<hbm>> -> memref<1x8x1x8x128xf32, #tpu.memory_space<hbm>>
    %dma_wait3A_294 = tpu.memref_squeeze %dma_wait3A_293 : memref<1x8x1x8x128xf32, #tpu.memory_space<hbm>> -> memref<8x8x128xf32, #tpu.memory_space<hbm>>
    %dma_wait3A_295 = arith.constant 0 : i32
    %dma_wait3A_296 = arith.constant 0 : i32
    %dma_wait3A_297 = arith.constant 0 : i32
    %dma_wait3A_298 = tpu.memref_slice %arg7[%dma_wait3A_275, %dma_wait3A_295, %dma_wait3A_296, %dma_wait3A_297] : memref<4x8x8x129xf32, #tpu.memory_space<vmem>> -> memref<1x8x8x128xf32, #tpu.memory_space<vmem>>
    %dma_wait3A_299 = tpu.memref_squeeze %dma_wait3A_298 : memref<1x8x8x128xf32, #tpu.memory_space<vmem>> -> memref<8x8x128xf32, #tpu.memory_space<vmem>>
    tpu.wait_dma2 semaphore(%dma_wait3A_289 : memref<!tpu.dma_semaphore, #tpu.memory_space<semaphore_mem>>) src(%dma_wait3A_299 : memref<8x8x128xf32, #tpu.memory_space<vmem>>) dst(%dma_wait3A_294 : memref<8x8x128xf32, #tpu.memory_space<hbm>>)
    return
  }
}

</mosaic_0001>

<sc_bundles>
// kernel: _gather.3.cloned.1.call-start
scs
__scs_entry_jumppad:
0x0: {  	(pc) =	sbr.rel $0x88, $3  }
0x1: {  	(tag) =	ssettag $0x0;
	lr =	simm.s32 $0x1  }
0x2: {  	[smem:$0x3F9F] =	sst lr;
	_ =	strace $0xD0000000  }
0x3: {  	_ = 	snop  }
0x4: {  	_ = 	snop  }
0x5: {  	_ = 	snop  }
0x6: {  	_ = 	snop  }
0x7: {  	_ = 	snop  }
__scs_overlays_trampoline_lowered:
0x8: {  	[smem:$0x3FAE] =	sst s0  }
0x9: {  	[smem:$0x3FAF] =	sst s1  }
0xa: {  	[smem:$0x3FB0] =	sst s2  }
0xb: {  	[smem:$0x3FB1] =	sst s3  }
0xc: {  	[smem:$0x3FB2] =	sst s4  }
0xd: {  	[smem:$0x3FB3] =	sst s5  }
0xe: {  	[smem:$0x3FB4] =	sst s6  }
0xf: {  	[smem:$0x3FB5] =	sst s7  }
0x10: {  	[smem:$0x3FB6] =	sst s8  }
0x11: {  	[smem:$0x3FB7] =	sst s9;
	s0 =	simm.s32 @!p0 $0x0  }
0x12: {  	s1 =	sld [smem:$0x3F9D];
	s0 =	simm.s32 @p0 $0x1  }
0x13: {  	[smem:$0x3FB8] =	sst s0;
	s0 =	simm.s32 @!p1 $0x0  }
0x14: {  	s2 =	sld [smem:$0x3F9C];
	s0 =	simm.s32 @p1 $0x1  }
0x15: {  	[smem:$0x3FB9] =	sst s0;
	s0 =	simm.s32 @!p2 $0x0  }
0x16: {  	s3 =	sld [smem:$0x3FDB];
	s0 =	simm.s32 @p2 $0x1  }
0x17: {  	s4 =	simm.s32 $0x1BF5;
	[smem:$0x3FBB] =	sst s0  }
0x18: {  	s0 =	sld [smem:$0x3F9E];
	_ =	swait.ge [sflag:s4], $0x0  }
0x19: {  	s7 =	sld [smem:$0x3F9F]  }
0x1a: {  	s8 =	sadd.s32 $0xFFFFE003, lr  }
0x1b: {  	s9 =	sadd.s32 $0xFFFFFEF7, lr;
	s5 =	simm.s32 $0xFFFFFFFF;
	p2 =	slt.u32 s8, $0xFFFFF086  }
0x1c: {  	p1 =	slt.u32 s9, $0xF7A;
	s5 =	simm.s32 @!p2 $0x0  }
0x1d: {  	s5 =	simm.s32 @p1 $0x1;
	p0 =	seq.s32 s7, s2  }
0x1e: {  	s7 =	smul.u32 @!p0 $0xF7A, s2;
	p2 =	seq.s32 @!p0 s5, $0x0  }
0x1f: {  	s9 =	smul.u32 $0xF7A, s1;
	s8 =	simm.s32 @!p0 $0x1BF5;
	p2 =	por !p2, p0  }
0x20: {  	[sflag:s8] =	ssyncset.s32 @!p0 $0xFFFFF086;
	s6 =	sadd.s32 @!p0 s3, s7;
	s7 =	simm.s32 @!p0 $0x108  }
0x21: {  	s3 =	sadd.s32 s3, s9;
	s6 =	sadd.s32 @!p0 $0x88, s6;
	s7 =	simm.s32 @p2 $0x1082  }
0x22: {  	[simem:s7], [sflag:s8] =	dma.local @!p0 [hbm:s6], $0xF7A  }
0x23: {  	s9 =	sor.u32 $0xD0000000, s2;
	s6 =	simm.s32 $0x108;
	_ =	swait.ge @!p0 [sflag:s8], $0x0  }
0x24: {  	s3 =	sadd.s32 $0x88, s3;
	s6 =	simm.s32 @!p1 $0x1082;
	[sflag:s4] =	ssyncset.s32 $0xFFFFF086  }
0x25: {  	[simem:s6], [sflag:s4] =	dma.local [hbm:s3], $0xF7A  }
0x26: {  	[smem:$0x3F9F] =	sst s1;
	(tag) =	ssettag s2;
	_ =	strace s9  }
0x27: {  	s1 =	sld [smem:$0x3FAF]  }
0x28: {  	s2 =	sld [smem:$0x3FB0]  }
0x29: {  	s4 =	sld [smem:$0x3FB2]  }
0x2a: {  	p0 =	seq.s32 s5, $0x0;
	s5 =	sld [smem:$0x3FB3]  }
0x2b: {  	s6 =	sld [smem:$0x3FB4]  }
0x2c: {  	s7 =	sld [smem:$0x3FB5]  }
0x2d: {  	s3 =	simm.s32 $0x108;
	s8 =	sld [smem:$0x3FB6]  }
0x2e: {  	s3 =	simm.s32 @!p0 $0x1082;
	s9 =	sld [smem:$0x3FB7]  }
0x2f: {  	lr =	sadd.s32 s0, s3;
	s0 =	sld [smem:$0x3FAE]  }
0x30: {  	s3 =	sld [smem:$0x3FB1]  }
0x31: {  	[smem:$0x3FBA] =	sst s10  }
0x32: {  	s10 =	sld [smem:$0x3FB8];
	_ =	sdelay $0x3  }
0x33: {  	p0 =	seq.s32 s10, $0x1;
	s10 =	sld [smem:$0x3FBA];
	_ =	sdelay $0x3  }
0x34: {  	[smem:$0x3FBA] =	sst s10  }
0x35: {  	s10 =	sld [smem:$0x3FB9];
	_ =	sdelay $0x3  }
0x36: {  	p1 =	seq.s32 s10, $0x1;
	s10 =	sld [smem:$0x3FBA];
	_ =	sdelay $0x3  }
0x37: {  	[smem:$0x3FBA] =	sst s10  }
0x38: {  	s10 =	sld [smem:$0x3FBB]  }
0x39: {  	_ = 	snop;
	(pc) =	sbr.ind lr, $3  }
0x3a: {  	_ = 	snop  }
0x3b: {  	_ = 	snop  }
0x3c: {  	p2 =	seq.s32 s10, $0x1;
	s10 =	sld [smem:$0x3FBA]  }
0x3d: {  	_ =	shalt  }
0x3e: {  	_ =	shalt  }
0x3f: {  	_ =	shalt  }
0x40: {  	_ =	shalt  }
0x41: {  	_ =	shalt  }
0x42: {  	_ =	shalt  }
0x43: {  	_ =	shalt  }
0x44: {  	_ =	shalt  }
0x45: {  	_ =	shalt  }
0x46: {  	_ =	shalt  }
0x47: {  	_ =	shalt  }
0x48: {  	_ =	shalt  }
0x49: {  	_ =	shalt  }
0x4a: {  	_ =	shalt  }
0x4b: {  	_ =	shalt  }
0x4c: {  	_ =	shalt  }
0x4d: {  	_ =	shalt  }
0x4e: {  	_ =	shalt  }
0x4f: {  	_ =	shalt  }
0x50: {  	_ =	shalt  }
0x51: {  	_ =	shalt  }
0x52: {  	_ =	shalt  }
0x53: {  	_ =	shalt  }
0x54: {  	_ =	shalt  }
0x55: {  	_ =	shalt  }
0x56: {  	_ =	shalt  }
0x57: {  	_ =	shalt  }
0x58: {  	_ =	shalt  }
0x59: {  	_ =	shalt  }
0x5a: {  	_ =	shalt  }
0x5b: {  	_ =	shalt  }
0x5c: {  	_ =	shalt  }
0x5d: {  	_ =	shalt  }
0x5e: {  	_ =	shalt  }
0x5f: {  	_ =	shalt  }
0x60: {  	_ =	shalt  }
0x61: {  	_ =	shalt  }
0x62: {  	_ =	shalt  }
0x63: {  	_ =	shalt  }
0x64: {  	_ =	shalt  }
0x65: {  	_ =	shalt  }
0x66: {  	_ =	shalt  }
0x67: {  	_ =	shalt  }
0x68: {  	_ =	shalt  }
0x69: {  	_ =	shalt  }
0x6a: {  	_ =	shalt  }
0x6b: {  	_ =	shalt  }
0x6c: {  	_ =	shalt  }
0x6d: {  	_ =	shalt  }
0x6e: {  	_ =	shalt  }
0x6f: {  	_ =	shalt  }
0x70: {  	_ =	shalt  }
0x71: {  	_ =	shalt  }
0x72: {  	_ =	shalt  }
0x73: {  	_ =	shalt  }
0x74: {  	_ =	shalt  }
0x75: {  	_ =	shalt  }
0x76: {  	_ =	shalt  }
0x77: {  	_ =	shalt  }
0x78: {  	_ =	shalt  }
0x79: {  	_ =	shalt  }
0x7a: {  	_ =	shalt  }
0x7b: {  	_ =	shalt  }
0x7c: {  	_ =	shalt  }
0x7d: {  	_ =	shalt  }
0x7e: {  	_ =	shalt  }
0x7f: {  	_ =	shalt  }
0x80: {  	_ =	shalt  }
0x81: {  	_ =	shalt  }
0x82: {  	_ =	shalt  }
0x83: {  	_ =	shalt  }
0x84: {  	_ =	shalt  }
0x85: {  	_ =	shalt  }
0x86: {  	_ =	shalt  }
0x87: {  	_ =	shalt  }
.Lfunc_end0:
.L_simem_size_0:
called_computation_lowered:
.L_overlay_start_0:
0x88: {  	s2 =	sld [smem:$0x3FD9]  }
0x89: {  	s3 =	sld [smem:$0x3FFE];
	_ =	sdelay $0x1  }
0x8a: {  	s1 =	srdreg.scid  }
0x8b: {  	s0 =	sand.u32 $0x1, s1  }
0x8c: {  	s17 =	sshll.u32 s0, $0xA;
	s2 =	sadd.s32 s3, s2  }
0x8d: {  	s2 =	sadd.s32 s2, s17  }
0x8e: {  	[smem:$0x3FC6] =	sst s2  }
0x8f: {  	_ = 	snop  }
0x90: {  	s2 =	sld [smem:$0x3FC8]  }
0x91: {  	s18 =	sld [smem:$0x3FD0];
	(tm) =	ssettm $0x1  }
0x92: {  	s4 =	sld [smem:$0x3FFB];
	_ =	sdelay $0x3  }
0x93: {  	_ =	strace s4  }
0x94: {  	s4 =	sld [smem:$0x3FFC];
	_ =	sdelay $0x3  }
0x95: {  	_ =	strace s4  }
0x96: {  	s4 =	sld [smem:$0x3FFD];
	_ =	sdelay $0x3  }
0x97: {  	_ =	strace s4  }
0x98: {  	_ =	strace $0x8FFFFFFF  }
0x99: {  	s19 =	sld [smem:$0x3FDB];
	_ =	sdelay $0x1  }
0x9a: {  	s5 =	simm.s32 $_scs_section_size  }
0x9b: {  	s6 =	simm.s32 $_size__tile_overlayer_lowered;
	s7 =	simm.s32 $_tile_overlayer_lowered  }
0x9c: {  	s22 =	simm.s32 $0x1BFF;
	s21 =	sshll.u32 s7, $0x1;
	s4 =	sadd.s32 s5, s19  }
0x9d: {  	s8 =	simm.s32 $0x0;
	s20 =	sshll.u32 s6, $0x1;
	s6 =	sadd.s32 s21, s4  }
0x9e: {  	[timem:s8], [sflag:s22] =	dma.local [hbm:s6], s20  }
0x9f: {  	_ =	swait.ge [sflag:s22], s20  }
0xa0: {  	s5 =	ssub.s32 $0x0, s20;
	[sflag:s22] =	ssyncset.done $0x0  }
0xa1: {  	[sflag:s22] =	ssyncadd.s32 s5;
	_ =	sdelay $0x1  }
0xa2: {  	s23 =	simm.s32 $0x1B8B  }
0xa3: {  	_ =	swait.ge [sflag:s23], $0x1  }
0xa4: {  	[sflag:s23] =	ssyncset.done $0x0  }
0xa5: {  	s25 =	simm.s32 $0x1B8E;
	s24 =	sld [smem:$0x3FFE];
	[sflag:s23] =	ssyncadd.s32 $0xFFFFFFFF  }
0xa6: {  	s26 =	simm.s32 $execute0_lowered;
	[smem:$0x3FD2] =	sst s25  }
0xa7: {  	s6 =	sshll.u32 s26, $0x1;
	_ =	strace $0x80000046;
	[dreg:$0x1] =	wrdreg $0xFFFFFFFF  }
0xa8: {  	s28 =	simm.s32 $_size_execute0_lowered;
	s4 =	sadd.s32 s4, s6;
	[dreg:$0x0] =	wrdreg $0x0  }
0xa9: {  	s6 =	sshll.u32 s28, $0x1;
	[dreg:$0x2] =	wrdreg s4  }
0xaa: {  	[dreg:$0x3] =	wrdreg s6  }
0xab: {  	[dreg:$0x4] =	wrdreg $0xC0  }
0xac: {  	_ =	task [dreg:s8], $0x5FFFF  }
0xad: {  	[dreg:$0x1] =	wrdreg $0xFFFFFFFF  }
0xae: {  	[dreg:$0x0] =	wrdreg $0x60  }
0xaf: {  	[dreg:$0x2] =	wrdreg s24  }
0xb0: {  	[dreg:$0x3] =	wrdreg s2  }
0xb1: {  	[dreg:$0x4] =	wrdreg s18  }
0xb2: {  	[dreg:$0x5] =	wrdreg $0x9  }
0xb3: {  	_ =	task.clear_ibuf [dreg:s8], $0x6FFFF;
	_ =	strace $0x90000046  }
0xb4: {  	s29 =	simm.s32 $0x9;
	_ =	strace $0x80000048  }
0xb5: {  	_ =	swait.ge [sflag:s29], $0x1  }
0xb6: {  	[sflag:s29] =	ssyncadd.s32 $0xFFFFFFFF  }
0xb7: {  	_ =	strace $0x90000048  }
0xb8: {  	_ =	sfence  }
0xb9: {  	s30 =	sld [smem:$0x0];
	_ =	sdelay $0x2  }
0xba: {  	s31 =	sshll.u32 s1, $0xD;
	s1 =	sshrl.u32 s1, $0x2  }
0xbb: {  	s3 =	sand.u32 $0x4000, s31;
	s1 =	sadd.s32 s1, s30  }
0xbc: {  	s0 =	sor.u32 s3, s0;
	s1 =	sshll.u32 s1, $0x11  }
0xbd: {  	s0 =	sor.u32 s1, s0  }
0xbe: {  	s0 =	sadd.s32 $0x8F2B, s0  }
0xbf: {  	[sflag:s0] =	ssyncadd.remote.s32 $0x1  }
0xc0: {  	_ =	sfence.sel $0xFFFF  }
0xc1: {  	[dreg:$0x0] =	wrdreg $0xFFFFFFFF;
	(pc) =	sbr.abs _section_cstart, $3  }
0xc2: {  	[dreg:$0x1] =	wrdreg $0xFFFFFFFF  }
0xc3: {  	_ =	task.clear_ibuf [dreg:s8], $0x2FFFF;
	_ =	strace $0x9FFFFFFF  }
0xc4: {  	(tm) =	ssettm $0x7FFFFFFF  }
0xc5: {  	_ =	shalt  }
tec
execute0_lowered:
.L_overlay_start_1:
0x0: {  	(tag) =	ssettag $0x1  }
0x1: {  	s0 =	rddreg [dreg:$0x0];
	v0 =	vlaneseq.u32  }
0x2: {  	s2 =	rddreg [dreg:$0x1];
	v0 =	vmul.u32 $0x88, v0  }
0x3: {  	s1 =	rddreg [dreg:$0x2];
	s4 =	srdreg.scid;
	s3 =	simm.s32 $0x0;
	v1 =	vimm.s32 $0x0;
	vm0 =	vcmask $0x300  }
0x4: {  	s5 =	stileid.u32;
	s13 =	simm.s32 $0x80;
	s18 =	simm.s32 $0x1;
	v1 =	vsel vm0, $0x3, v1;
	v2 =	vadd.s32 $0x880, v0  }
0x5: {  	s19 =	simm.s32 $0xC400;
	s20 =	simm.s32 $0xE400;
	s21 =	simm.s32 $0x2;
	v3 =	vadd.s32 $0x1100, v0;
	v4 =	vadd.s32 $0x1980, v0;
	v5 =	vor.u32 $0x1, v0  }
0x6: {  	s22 =	simm.s32 $0x10600;
	s23 =	simm.s32 $0x3;
	s24 =	simm.s32 $0x12800;
	v6 =	vadd.s32 $0x881, v0;
	v7 =	vadd.s32 $0x1101, v0;
	v8 =	vadd.s32 $0x1981, v0  }
0x7: {  	s25 =	simm.s32 $0x4;
	s28 =	simm.s32 $0x5;
	s29 =	simm.s32 $0x6;
	v9 =	vor.u32 $0x2, v0;
	v10 =	vadd.s32 $0x882, v0;
	v11 =	vadd.s32 $0x1102, v0  }
0x8: {  	s30 =	simm.s32 $0x7;
	s31 =	simm.s32 $0x8;
	s4 =	sand.u32 $0x1, s4;
	v12 =	vadd.s32 $0x1982, v0;
	v13 =	vor.u32 $0x3, v0;
	v14 =	vadd.s32 $0x883, v0  }
0x9: {  	[smem:$0x7FF] =	sst s3;
	s5 =	sshll.u32 s5, $0xB;
	s6 =	sshll.u32 s4, $0xA;
	v15 =	vadd.s32 $0x1103, v0;
	v16 =	vadd.s32 $0x1983, v0;
	v17 =	vor.u32 $0x4, v0  }
0xa: {  	s8 =	sadd.s32 $0x10000, s1;
	s7 =	ssub.s32 $0x2, s4;
	s4 =	sor.u32 s6, s5;
	v18 =	vadd.s32 $0x884, v0;
	v19 =	vadd.s32 $0x1104, v0;
	v20 =	vadd.s32 $0x1984, v0  }
0xb: {  	_ =	strace $0x80000047;
	s26 =	sshrl.u32 s7, $0x1;
	v21 =	vor.u32 $0x5, v0;
	v22 =	vadd.s32 $0x885, v0;
	v23 =	vadd.s32 $0x1105, v0;
	s6 =	sshrl.u32 s4, $0x3  }
0xc: {  	s5 =	sadd.s32 $0x400, s0;
	v24 =	vadd.s32 $0x1985, v0;
	v25 =	vor.u32 $0x6, v0;
	v26 =	vadd.s32 $0x886, v0;
	s0 =	ssub.s32 s7, s26;
	s2 =	sadd.s32 s2, s6  }
0xd: {  	v27 =	vadd.s32 $0x1106, v0;
	v28 =	vadd.s32 $0x1986, v0;
	v29 =	vor.u32 $0x7, v0;
	s7 =	sadd.s32 $0x8000, s1;
	s0 =	smax.u32 s0, $0x1;
	[dreg:$0x4] =	wrdreg s2  }
0xe: {  	v30 =	vadd.s32 $0x887, v0;
	v31 =	vadd.s32 $0x1107, v0;
	v32 =	vadd.s32 $0x1987, v0;
	s26 =	simm.s32 $0x14A00;
	[dreg:$0x5] =	wrdreg s0;
	s0 =	simm.s32 $0x0  }
.LBB2_1:
0xf: {  	s2 =	rddreg [dreg:$0x4]  }
0x10: {  	s6 =	simm.s32 $0x400;
	s9 =	simm.s32 $0x8000;
	s12 =	simm.s32 $0x9  }
0x11: {  	[tilespmem:s3], [sflag:$0x9] =	stream.strided.gather [hbm4b:s2+s6], $0x6400, s9, s6, $0x38;
	[tilespmem:$0x16C00] =	vst v63  }
0x12: {  	_ =	swait.ge [sflag:s12], $0x6400  }
0x13: {  	[sflag:s12] =	ssyncset.done $0x0  }
0x14: {  	s14 =	simm.s32 $0x6400;
	[sflag:s12] =	ssyncadd.s32 $0xFFFF9C00  }
0x15: {  	[tilespmem:s14], [sflag:$0x1] =	stream.indirect.gather [hbm4b:s5+s13], $0x40, s3, s13, $0xb8;
	[tilespmem:$0x16C00] =	vst v63  }
0x16: {  	s15 =	simm.s32 $0x8400  }
0x17: {  	[tilespmem:s15], [sflag:$0x2] =	stream.indirect.gather [hbm4b:s5+s13], $0x40, s13, s13, $0xb8;
	[tilespmem:$0x16C00] =	vst v63  }
0x18: {  	s16 =	simm.s32 $0x100;
	s17 =	simm.s32 $0xA400;
	s2 =	simm.s32 $0x0  }
0x19: {  	[tilespmem:s17], [sflag:$0x3] =	stream.indirect.gather [hbm4b:s5+s13], $0x40, s16, s13, $0xb8;
	[tilespmem:$0x16C00] =	vst v63  }
.LBB2_2:
0x1a: {  	s10 =	sshllo.u32 s2, $0x2;
	_ =	swait.ge [sflag:s18], $0x2000;
	s6 =	sshll.u32 s2, $0x9  }
0x1b: {  	s17 =	simm.s32 $0x0;
	s11 =	simm.s32 $0x2;
	s12 =	simm.s32 $0x3  }
0x1c: {  	s14 =	simm.s32 $0x4;
	p0 =	seq.s32 s2, $0x0;
	s15 =	simm.s32 $0x5  }
0x1d: {  	s16 =	simm.s32 $0x6;
	s9 =	sshll.u32 s10, $0x7;
	[sflag:s18] =	ssyncset.done $0x0;
	v33 =	vmov s17  }
0x1e: {  	s6 =	sand.u32 $0x7C00, s6;
	v35 =	vmov s11;
	s11 =	simm.s32 $0x7;
	v36 =	vmov s12;
	v37 =	vmov s14;
	s9 =	sand.u32 $0x380, s9  }
0x1f: {  	v39 =	vmov s15;
	v40 =	vmov s16;
	[sflag:s18] =	ssyncadd.s32 $0xFFFFE000;
	v33 =	vshrl.u32 v33, $0x3;
	s6 =	sor.u32 s9, s6;
	s9 =	simm.s32 $0x1  }
0x20: {  	v38 =	vmov s11;
	v35 =	vshrl.u32 v35, $0x3;
	v36 =	vshrl.u32 v36, $0x3;
	[tilespmem:s19], [sflag:$0x4] =	stream.indirect.gather [hbm4b:s5+s13], $0x40, s6, s13, $0xb8;
	[tilespmem:$0x16C00] =	vst v63  }
0x21: {  	v37 =	vshrl.u32 v37, $0x3;
	v38 =	vshrl.u32 v38, $0x3;
	v34 =	vmov s9;
	s9 =	simm.s32 @!p0 $0x5  }
0x22: {  	v55 =	vshrl.u32 v39, $0x3;
	v40 =	vshrl.u32 v40, $0x3;
	v38 =	vshll.u32 v38, v1;
	_ =	swait.ge @!p0 [sflag:s9], $0x2000  }
0x23: {  	v33 =	vshll.u32 v33, v1;
	v51 =	vshll.u32 v35, v1;
	v38 =	vbroadcast v38, $0x0;
	[sflag:s9] =	ssyncset.done @!p0 $0x0  }
0x24: {  	s14 =	simm.s32 $0x6500;
	v52 =	vshll.u32 v36, v1;
	v54 =	vshll.u32 v37, v1;
	v33 =	vbroadcast v33, $0x0;
	[sflag:s9] =	ssyncadd.s32 @!p0 $0xFFFFE000  }
0x25: {  	v36 =	vshll.u32 v55, v1;
	v53 =	vbroadcast v51, $0x0;
	v42 =	vadd.s32 v29, v38;
	v41 =	vld [tilespmem:s14+$0xC0]  }
0x26: {  	v35 =	vbroadcast v52, $0x0;
	v34 =	vshrl.u32 v34, $0x3;
	v44 =	vadd.s32 v0, v33;
	v43 =	vld [tilespmem:s14+$0xFFFFFF00]  }
0x27: {  	v37 =	vbroadcast v36, $0x0;
	v34 =	vshll.u32 v34, v1;
	v49 =	vadd.s32 v9, v53;
	v48 =	vld [tilespmem:s14+$0xFFFFFF80]  }
0x28: {  	v56 =	vshll.u32 v40, v1;
	v50 =	vadd.s32 v13, v35;
	v47 =	vbroadcast v34, $0x0;
	v39 =	vld [tilespmem:s14+$0xFFFFFFC0]  }
0x29: {  	v36 =	vbroadcast v56, $0x0;
	v60 =	vadd.s32 v21, v37;
	v59 =	vld [tilespmem:s14+$0x40]  }
0x2a: {  	v34 =	vbroadcast v54, $0x0;
	v45 =	vld [tilespmem:s14+$0xFFFFFF40];
	v46 =	vadd.s32 v5, v47;
	[tilespmem:v42+s20+$0x0] =	vst.idx.msk $0xffff, v41  }
0x2b: {  	v62 =	vadd.s32 v25, v36;
	v61 =	vld [tilespmem:s14+$0x80];
	[tilespmem:v44+s20+$0x0] =	vst.idx.msk $0xffff, v43  }
0x2c: {  	v51 =	vld [tilespmem:s14+$0x0];
	v52 =	vadd.s32 v17, v34;
	[tilespmem:v49+s20+$0x0] =	vst.idx.msk $0xffff, v48  }
0x2d: {  	v58 =	vadd.s32 v30, v38;
	[tilespmem:v50+s20+$0x0] =	vst.idx.msk $0xffff, v39;
	v57 =	vld [tilespmem:s14+$0xD0]  }
0x2e: {  	v55 =	vadd.s32 v10, v53;
	[tilespmem:v60+s20+$0x0] =	vst.idx.msk $0xffff, v59;
	v54 =	vld [tilespmem:s14+$0xFFFFFF90]  }
0x2f: {  	v56 =	vadd.s32 v14, v35;
	[tilespmem:v46+s20+$0x0] =	vst.idx.msk $0xffff, v45;
	v50 =	vld [tilespmem:s14+$0xFFFFFFD0]  }
0x30: {  	v63 =	vadd.s32 v6, v47;
	[tilespmem:v62+s20+$0x0] =	vst.idx.msk $0xffff, v61;
	v46 =	vld [tilespmem:s14+$0xFFFFFF50]  }
0x31: {  	v62 =	vadd.s32 v2, v33;
	[tilespmem:v52+s20+$0x0] =	vst.idx.msk $0xffff, v51;
	v61 =	vld [tilespmem:s14+$0xFFFFFF10]  }
0x32: {  	v44 =	vld [tilespmem:s14+$0x50];
	v45 =	vadd.s32 v22, v37;
	[tilespmem:v58+s20+$0x0] =	vst.idx.msk $0xffff, v57  }
0x33: {  	v59 =	vadd.s32 v18, v34;
	v58 =	vld [tilespmem:s14+$0x10];
	[tilespmem:v55+s20+$0x0] =	vst.idx.msk $0xffff, v54  }
0x34: {  	v57 =	vadd.s32 v31, v38;
	[tilespmem:v56+s20+$0x0] =	vst.idx.msk $0xffff, v50;
	v40 =	vld [tilespmem:s14+$0xE0]  }
0x35: {  	v60 =	vadd.s32 v26, v36;
	[tilespmem:v63+s20+$0x0] =	vst.idx.msk $0xffff, v46;
	v63 =	vld [tilespmem:s14+$0x90]  }
0x36: {  	[tilespmem:v62+s20+$0x0] =	vst.idx.msk $0xffff, v61;
	v55 =	vld [tilespmem:s14+$0xFFFFFFA0]  }
0x37: {  	v56 =	vadd.s32 v11, v53;
	[tilespmem:v45+s20+$0x0] =	vst.idx.msk $0xffff, v44;
	v45 =	vld [tilespmem:s14+$0xFFFFFF20]  }
0x38: {  	v51 =	vadd.s32 v7, v47;
	v50 =	vld [tilespmem:s14+$0xFFFFFF60];
	[tilespmem:v59+s20+$0x0] =	vst.idx.msk $0xffff, v58  }
0x39: {  	v58 =	vadd.s32 v15, v35;
	[tilespmem:v57+s20+$0x0] =	vst.idx.msk $0xffff, v40;
	v57 =	vld [tilespmem:s14+$0xFFFFFFE0]  }
0x3a: {  	[tilespmem:v60+s20+$0x0] =	vst.idx.msk $0xffff, v63;
	v59 =	vld [tilespmem:s14+$0x20];
	v60 =	vadd.s32 v19, v34  }
0x3b: {  	v38 =	vadd.s32 v32, v38;
	v54 =	vld [tilespmem:s14+$0xF0]  }
0x3c: {  	s17 =	simm.s32 $0x8;
	s9 =	simm.s32 $0x9;
	v41 =	vadd.s32 v23, v37;
	v43 =	vadd.s32 v27, v36;
	v40 =	vld [tilespmem:s14+$0x60];
	[tilespmem:v56+s20+$0x0] =	vst.idx.msk $0xffff, v55  }
0x3d: {  	s12 =	simm.s32 $0xB;
	v48 =	vadd.s32 v3, v33;
	v52 =	vmov s9;
	v63 =	vmov s17;
	[tilespmem:v51+s20+$0x0] =	vst.idx.msk $0xffff, v50;
	v42 =	vld [tilespmem:s14+$0xA0]  }
0x3e: {  	s15 =	simm.s32 $0xC;
	v44 =	vmov s12;
	v53 =	vadd.s32 v12, v53;
	v39 =	vshrl.u32 v63, $0x3;
	v50 =	vld [tilespmem:s14+$0xFFFFFFB0];
	[tilespmem:v58+s20+$0x0] =	vst.idx.msk $0xffff, v57  }
0x3f: {  	s16 =	simm.s32 $0xD;
	s11 =	simm.s32 $0xA;
	v46 =	vmov s15;
	s17 =	simm.s32 $0xE;
	v51 =	vadd.s32 v8, v47;
	v49 =	vld [tilespmem:s14+$0xFFFFFF70];
	v47 =	vshll.u32 v39, v1;
	[tilespmem:v60+s20+$0x0] =	vst.idx.msk $0xffff, v59  }
0x40: {  	s15 =	simm.s32 $0x10;
	v39 =	vmov s17;
	[tilespmem:v38+s20+$0x0] =	vst.idx.msk $0xffff, v54;
	v54 =	vmov s11;
	v38 =	vmov s16;
	s11 =	sshll.u32 s2, $0xB;
	s16 =	simm.s32 $0xF  }
.LBB2_3:
0x41: {  	p0 =	slt.u32 s15, $0x78;
	v52 =	vshrl.u32 v52, $0x3;
	v55 =	vmov s16;
	v56 =	vld [tilespmem:s14+$0xFFFFFFF0];
	v35 =	vadd.s32 v16, v35;
	[tilespmem:v41+s20+$0x0] =	vst.idx.msk $0xffff, v40  }
0x42: {  	v40 =	vshrl.u32 v54, $0x3;
	v34 =	vadd.s32 v20, v34;
	v41 =	vshrl.u32 v55, $0x3;
	v54 =	vld [tilespmem:s14+$0x30];
	[tilespmem:v43+s20+$0x0] =	vst.idx.msk $0xffff, v42  }
0x43: {  	v37 =	vadd.s32 v24, v37;
	v42 =	vshrl.u32 v44, $0x3;
	v41 =	vshll.u32 v41, v1;
	[tilespmem:v48+s20+$0x0] =	vst.idx.msk $0xffff, v45;
	v43 =	vld [tilespmem:s14+$0x70]  }
0x44: {  	v36 =	vadd.s32 v28, v36;
	v44 =	vshrl.u32 v46, $0x3;
	v41 =	vbroadcast v41, $0x0;
	[tilespmem:v51+s20+$0x0] =	vst.idx.msk $0xffff, v49;
	v45 =	vld [tilespmem:s14+$0xB0]  }
0x45: {  	v46 =	vshll.u32 v52, v1;
	v49 =	vadd.s32 v4, v33;
	v33 =	vbroadcast v47, $0x0;
	v48 =	vld [tilespmem:s14+$0xFFFFFF30];
	[tilespmem:v53+s20+$0x0] =	vst.idx.msk $0xffff, v50;
	s14 =	sadd.s32 $0x200, s14  }
0x46: {  	v40 =	vshll.u32 v40, v1;
	v47 =	vbroadcast v46, $0x0;
	v46 =	vld [tilespmem:s14+$0xC0];
	v50 =	vadd.s32 v29, v41;
	[tilespmem:v35+s20+$0x0] =	vst.idx.msk $0xffff, v56  }
0x47: {  	v53 =	vbroadcast v40, $0x0;
	v52 =	vadd.s32 v0, v33;
	v35 =	vshll.u32 v42, v1;
	v51 =	vld [tilespmem:s14+$0xFFFFFF00];
	[tilespmem:v34+s20+$0x0] =	vst.idx.msk $0xffff, v54  }
0x48: {  	v42 =	vadd.s32 v5, v47;
	v35 =	vbroadcast v35, $0x0;
	v34 =	vshll.u32 v44, v1;
	v40 =	vld [tilespmem:s14+$0xFFFFFF40];
	[tilespmem:v37+s20+$0x0] =	vst.idx.msk $0xffff, v43  }
0x49: {  	v44 =	vadd.s32 v9, v53;
	v34 =	vbroadcast v34, $0x0;
	v37 =	vshrl.u32 v38, $0x3;
	v43 =	vld [tilespmem:s14+$0xFFFFFF80];
	[tilespmem:v36+s20+$0x0] =	vst.idx.msk $0xffff, v45  }
0x4a: {  	v39 =	vshrl.u32 v39, $0x3;
	v45 =	vadd.s32 v13, v35;
	v36 =	vshll.u32 v37, v1;
	v38 =	vld [tilespmem:s14+$0xFFFFFFC0];
	[tilespmem:v49+s20+$0x0] =	vst.idx.msk $0xffff, v48  }
0x4b: {  	v49 =	vadd.s32 v17, v34;
	v37 =	vbroadcast v36, $0x0;
	v36 =	vshll.u32 v39, v1;
	v48 =	vld [tilespmem:s14+$0x0];
	[tilespmem:v50+s20+$0x0] =	vst.idx.msk $0xffff, v46  }
0x4c: {  	v36 =	vbroadcast v36, $0x0;
	v46 =	vadd.s32 v30, v41;
	[tilespmem:v52+s20+$0x0] =	vst.idx.msk $0xffff, v51;
	v39 =	vld [tilespmem:s14+$0xD0]  }
0x4d: {  	[tilespmem:v42+s20+$0x0] =	vst.idx.msk $0xffff, v40;
	v40 =	vld [tilespmem:s14+$0x40];
	v42 =	vadd.s32 v21, v37  }
0x4e: {  	[tilespmem:v44+s20+$0x0] =	vst.idx.msk $0xffff, v43;
	v43 =	vld [tilespmem:s14+$0x80];
	v44 =	vadd.s32 v25, v36  }
0x4f: {  	v51 =	vadd.s32 v6, v47;
	v50 =	vld [tilespmem:s14+$0xFFFFFF50];
	[tilespmem:v45+s20+$0x0] =	vst.idx.msk $0xffff, v38  }
0x50: {  	v45 =	vadd.s32 v10, v53;
	v38 =	vld [tilespmem:s14+$0xFFFFFF90];
	[tilespmem:v49+s20+$0x0] =	vst.idx.msk $0xffff, v48  }
0x51: {  	v49 =	vadd.s32 v14, v35;
	v48 =	vld [tilespmem:s14+$0xFFFFFFD0];
	[tilespmem:v46+s20+$0x0] =	vst.idx.msk $0xffff, v39  }
0x52: {  	[tilespmem:v42+s20+$0x0] =	vst.idx.msk $0xffff, v40;
	v39 =	vld [tilespmem:s14+$0xE0];
	v40 =	vadd.s32 v31, v41  }
0x53: {  	v46 =	vadd.s32 v18, v34;
	v42 =	vld [tilespmem:s14+$0x10];
	[tilespmem:v44+s20+$0x0] =	vst.idx.msk $0xffff, v43  }
0x54: {  	v44 =	vadd.s32 v22, v37;
	[tilespmem:v51+s20+$0x0] =	vst.idx.msk $0xffff, v50;
	v43 =	vld [tilespmem:s14+$0x50]  }
0x55: {  	[tilespmem:v45+s20+$0x0] =	vst.idx.msk $0xffff, v38;
	v38 =	vld [tilespmem:s14+$0x90];
	v45 =	vadd.s32 v26, v36  }
0x56: {  	v51 =	vadd.s32 v2, v33;
	v50 =	vld [tilespmem:s14+$0xFFFFFF10];
	[tilespmem:v49+s20+$0x0] =	vst.idx.msk $0xffff, v48  }
0x57: {  	v49 =	vadd.s32 v7, v47;
	v48 =	vld [tilespmem:s14+$0xFFFFFF60];
	[tilespmem:v40+s20+$0x0] =	vst.idx.msk $0xffff, v39  }
0x58: {  	[tilespmem:v46+s20+$0x0] =	vst.idx.msk $0xffff, v42;
	v39 =	vld [tilespmem:s14+$0xF0];
	v46 =	vadd.s32 v32, v41  }
0x59: {  	v56 =	vadd.s32 v11, v53;
	v55 =	vld [tilespmem:s14+$0xFFFFFFA0];
	[tilespmem:v44+s20+$0x0] =	vst.idx.msk $0xffff, v43  }
0x5a: {  	v58 =	vadd.s32 v15, v35;
	v57 =	vld [tilespmem:s14+$0xFFFFFFE0];
	[tilespmem:v45+s20+$0x0] =	vst.idx.msk $0xffff, v38  }
0x5b: {  	v60 =	vadd.s32 v19, v34;
	[tilespmem:v51+s20+$0x0] =	vst.idx.msk $0xffff, v50;
	v59 =	vld [tilespmem:s14+$0x20]  }
.Ltmp0:
0x5c: {  	s6 =	sadd.s32 $0x1, s15;
	v41 =	vadd.s32 v23, v37;
	v38 =	vmov s15;
	[tilespmem:v49+s20+$0x0] =	vst.idx.msk $0xffff, v48;
	v40 =	vld [tilespmem:s14+$0x60];
	(pc) =	sbr.rel @p0 .LBB2_3-.Ltmp0, $4  }
0x5d: {  	s9 =	sadd.s32 $0x3, s15;
	v52 =	vmov s6;
	s6 =	sadd.s32 $0x2, s15;
	v43 =	vadd.s32 v27, v36;
	v50 =	vshrl.u32 v38, $0x3;
	v42 =	vld [tilespmem:s14+$0xA0];
	[tilespmem:v46+s20+$0x0] =	vst.idx.msk $0xffff, v39  }
0x5e: {  	v54 =	vmov s6;
	s6 =	sadd.s32 $0x4, s15;
	v44 =	vmov s9;
	s9 =	sadd.s32 $0x5, s15;
	v48 =	vadd.s32 v3, v33;
	v45 =	vld [tilespmem:s14+$0xFFFFFF20];
	[tilespmem:v56+s20+$0x0] =	vst.idx.msk $0xffff, v55  }
0x5f: {  	v38 =	vmov s9;
	v51 =	vadd.s32 v8, v47;
	v46 =	vmov s6;
	s6 =	sadd.s32 $0x6, s15;
	v49 =	vld [tilespmem:s14+$0xFFFFFF70];
	[tilespmem:v58+s20+$0x0] =	vst.idx.msk $0xffff, v57  }
0x60: {  	s16 =	sadd.s32 $0x7, s15;
	v53 =	vadd.s32 v12, v53;
	v47 =	vshll.u32 v50, v1;
	s15 =	sadd.s32 $0x8, s15;
	v39 =	vmov s6;
	v50 =	vld [tilespmem:s14+$0xFFFFFFB0];
	[tilespmem:v60+s20+$0x0] =	vst.idx.msk $0xffff, v59  }
0x61: {  	_ =	sdelay $0x2  }
0x62: {  	v52 =	vshrl.u32 v52, $0x3  }
0x63: {  	v55 =	vmov s16;
	v56 =	vld [tilespmem:s14+$0xFFFFFFF0];
	v35 =	vadd.s32 v16, v35;
	[tilespmem:v41+s20+$0x0] =	vst.idx.msk $0xffff, v40;
	v57 =	vshrl.u32 v54, $0x3  }
0x64: {  	v59 =	vld [tilespmem:s14+$0x30];
	v34 =	vadd.s32 v20, v34;
	v60 =	vshrl.u32 v44, $0x3;
	v58 =	vshrl.u32 v55, $0x3;
	[tilespmem:v43+s20+$0x0] =	vst.idx.msk $0xffff, v42  }
0x65: {  	v37 =	vadd.s32 v24, v37;
	v62 =	vshrl.u32 v46, $0x3;
	v61 =	vld [tilespmem:s14+$0x70];
	v41 =	vshll.u32 v58, v1;
	[tilespmem:v48+s20+$0x0] =	vst.idx.msk $0xffff, v45  }
0x66: {  	v36 =	vadd.s32 v28, v36;
	v46 =	vbroadcast v47, $0x0;
	v63 =	vld [tilespmem:s14+$0xB0];
	v41 =	vbroadcast v41, $0x0;
	[tilespmem:v51+s20+$0x0] =	vst.idx.msk $0xffff, v49  }
0x67: {  	v33 =	vadd.s32 v4, v33;
	s6 =	sadd.s32 $0x200, s14;
	v38 =	vshrl.u32 v38, $0x3;
	v55 =	vshll.u32 v52, v1;
	v48 =	vld [tilespmem:s14+$0xFFFFFF30];
	[tilespmem:v53+s20+$0x0] =	vst.idx.msk $0xffff, v50  }
0x68: {  	v40 =	vshll.u32 v57, v1;
	v47 =	vbroadcast v55, $0x0;
	v49 =	vld [tilespmem:s6+$0xC0];
	v50 =	vadd.s32 v29, v41;
	[tilespmem:v35+s20+$0x0] =	vst.idx.msk $0xffff, v56  }
0x69: {  	v42 =	vshll.u32 v60, v1;
	v40 =	vbroadcast v40, $0x0;
	v35 =	vld [tilespmem:s6+$0xFFFFFF00];
	v56 =	vadd.s32 v0, v46;
	[tilespmem:v34+s20+$0x0] =	vst.idx.msk $0xffff, v59  }
0x6a: {  	v57 =	vld [tilespmem:s6+$0xFFFFFF40];
	v44 =	vshll.u32 v62, v1;
	v42 =	vbroadcast v42, $0x0;
	v58 =	vadd.s32 v5, v47;
	[tilespmem:v37+s20+$0x0] =	vst.idx.msk $0xffff, v61  }
0x6b: {  	v38 =	vshll.u32 v38, v1;
	v44 =	vbroadcast v44, $0x0;
	v60 =	vadd.s32 v9, v40;
	v59 =	vld [tilespmem:s6+$0xFFFFFF80];
	[tilespmem:v36+s20+$0x0] =	vst.idx.msk $0xffff, v63  }
0x6c: {  	v38 =	vbroadcast v38, $0x0;
	v62 =	vadd.s32 v13, v42;
	v61 =	vld [tilespmem:s6+$0xFFFFFFC0];
	[tilespmem:v33+s20+$0x0] =	vst.idx.msk $0xffff, v48  }
0x6d: {  	v39 =	vshrl.u32 v39, $0x3;
	v63 =	vadd.s32 v17, v44;
	v33 =	vld [tilespmem:s6+$0x0];
	[tilespmem:v50+s20+$0x0] =	vst.idx.msk $0xffff, v49  }
0x6e: {  	v39 =	vshll.u32 v39, v1;
	v34 =	vld [tilespmem:s6+$0x40];
	[tilespmem:v56+s20+$0x0] =	vst.idx.msk $0xffff, v35;
	v56 =	vadd.s32 v21, v38  }
0x6f: {  	[tilespmem:v58+s20+$0x0] =	vst.idx.msk $0xffff, v57;
	v35 =	vbroadcast v39, $0x0;
	v49 =	vadd.s32 v30, v41;
	v39 =	vld [tilespmem:s6+$0xD0]  }
0x70: {  	[tilespmem:v60+s20+$0x0] =	vst.idx.msk $0xffff, v59;
	v59 =	vld [tilespmem:s6+$0xFFFFFF50];
	v60 =	vadd.s32 v6, v47  }
0x71: {  	v57 =	vld [tilespmem:s6+$0x80];
	[tilespmem:v62+s20+$0x0] =	vst.idx.msk $0xffff, v61;
	v58 =	vadd.s32 v25, v35  }
0x72: {  	v61 =	vld [tilespmem:s6+$0xFFFFFF90];
	v62 =	vadd.s32 v10, v40;
	[tilespmem:v63+s20+$0x0] =	vst.idx.msk $0xffff, v33  }
0x73: {  	v33 =	vld [tilespmem:s6+$0xFFFFFFD0];
	v63 =	vadd.s32 v14, v42;
	[tilespmem:v56+s20+$0x0] =	vst.idx.msk $0xffff, v34  }
0x74: {  	v56 =	vadd.s32 v18, v44;
	[tilespmem:v49+s20+$0x0] =	vst.idx.msk $0xffff, v39;
	v49 =	vld [tilespmem:s6+$0x10]  }
0x75: {  	[tilespmem:v60+s20+$0x0] =	vst.idx.msk $0xffff, v59;
	v39 =	vadd.s32 v31, v41;
	v34 =	vld [tilespmem:s6+$0xE0]  }
0x76: {  	[tilespmem:v58+s20+$0x0] =	vst.idx.msk $0xffff, v57;
	v57 =	vld [tilespmem:s6+$0x50];
	v58 =	vadd.s32 v22, v38  }
0x77: {  	[tilespmem:v62+s20+$0x0] =	vst.idx.msk $0xffff, v61;
	v61 =	vld [tilespmem:s6+$0xFFFFFF10];
	v62 =	vadd.s32 v2, v46  }
0x78: {  	v60 =	vadd.s32 v26, v35;
	v59 =	vld [tilespmem:s6+$0x90];
	[tilespmem:v63+s20+$0x0] =	vst.idx.msk $0xffff, v33  }
0x79: {  	v55 =	vadd.s32 v11, v40;
	v54 =	vadd.s32 v32, v41;
	v41 =	vld [tilespmem:s6+$0xFFFFFFA0];
	[tilespmem:v56+s20+$0x0] =	vst.idx.msk $0xffff, v49  }
0x7a: {  	v53 =	vadd.s32 v7, v47;
	v63 =	vld [tilespmem:s6+$0xFFFFFF60];
	[tilespmem:v39+s20+$0x0] =	vst.idx.msk $0xffff, v34  }
0x7b: {  	v56 =	vld [tilespmem:s6+$0xFFFFFFE0];
	[tilespmem:v58+s20+$0x0] =	vst.idx.msk $0xffff, v57;
	v57 =	vadd.s32 v15, v42  }
0x7c: {  	[tilespmem:v62+s20+$0x0] =	vst.idx.msk $0xffff, v61;
	v34 =	vld [tilespmem:s6+$0xF0]  }
0x7d: {  	v58 =	vld [tilespmem:s6+$0x20];
	[tilespmem:v60+s20+$0x0] =	vst.idx.msk $0xffff, v59;
	v59 =	vadd.s32 v19, v44  }
0x7e: {  	v61 =	vadd.s32 v23, v38;
	[tilespmem:v55+s20+$0x0] =	vst.idx.msk $0xffff, v41;
	v60 =	vld [tilespmem:s6+$0x60]  }
0x7f: {  	[tilespmem:v53+s20+$0x0] =	vst.idx.msk $0xffff, v63;
	v63 =	vadd.s32 v27, v35;
	v62 =	vld [tilespmem:s6+$0xA0]  }
0x80: {  	v47 =	vadd.s32 v8, v47;
	v55 =	vld [tilespmem:s6+$0xFFFFFF70];
	[tilespmem:v57+s20+$0x0] =	vst.idx.msk $0xffff, v56  }
0x81: {  	v53 =	vld [tilespmem:s6+$0xFFFFFF20];
	[tilespmem:v54+s20+$0x0] =	vst.idx.msk $0xffff, v34;
	v54 =	vadd.s32 v3, v46  }
0x82: {  	v40 =	vadd.s32 v12, v40;
	v56 =	vld [tilespmem:s6+$0xFFFFFFB0];
	[tilespmem:v59+s20+$0x0] =	vst.idx.msk $0xffff, v58  }
0x83: {  	v42 =	vadd.s32 v16, v42;
	v57 =	vld [tilespmem:s6+$0xFFFFFFF0];
	[tilespmem:v61+s20+$0x0] =	vst.idx.msk $0xffff, v60  }
0x84: {  	v59 =	vadd.s32 v20, v44;
	v58 =	vld [tilespmem:s6+$0x30];
	[tilespmem:v63+s20+$0x0] =	vst.idx.msk $0xffff, v62  }
0x85: {  	v38 =	vadd.s32 v24, v38;
	v60 =	vld [tilespmem:s6+$0x70];
	[tilespmem:v47+s20+$0x0] =	vst.idx.msk $0xffff, v55  }
0x86: {  	v35 =	vadd.s32 v28, v35;
	v61 =	vld [tilespmem:s6+$0xB0];
	[tilespmem:v54+s20+$0x0] =	vst.idx.msk $0xffff, v53  }
0x87: {  	v63 =	vadd.s32 v4, v46;
	[tilespmem:v40+s20+$0x0] =	vst.idx.msk $0xffff, v56;
	v62 =	vld [tilespmem:s6+$0xFFFFFF30]  }
0x88: {  	[tilespmem:v42+s20+$0x0] =	vst.idx.msk $0xffff, v57  }
0x89: {  	[tilespmem:v59+s20+$0x0] =	vst.idx.msk $0xffff, v58;
	s6 =	sshll.u32 s2, $0x14  }
0x8a: {  	[tilespmem:v38+s20+$0x0] =	vst.idx.msk $0xffff, v60;
	s6 =	sor.u32 s4, s6  }
0x8b: {  	[tilespmem:v35+s20+$0x0] =	vst.idx.msk $0xffff, v61;
	s14 =	sshrl.u32 s6, $0x3  }
0x8c: {  	s9 =	simm.s32 $0xE400;
	s16 =	sadd.s32 s1, s14;
	[tilespmem:v63+s20+$0x0] =	vst.idx.msk $0xffff, v62  }
0x8d: {  	[hbm4b:s16+s3] =	stream.linear.scatter [tilespmem:s9], [sflag:$0x5], $0x80, $0x38;
	[tilespmem:$0x16C00] =	vst v63  }
0x8e: {  	s12 =	simm.s32 $0xE488;
	s9 =	sadd.s32 $0x10, s16  }
0x8f: {  	[hbm4b:s9+s3] =	stream.linear.scatter [tilespmem:s12], [sflag:$0x5], $0x80, $0x38;
	[tilespmem:$0x16C00] =	vst v63  }
0x90: {  	s15 =	simm.s32 $0xE510;
	s17 =	sadd.s32 $0x20, s16  }
0x91: {  	[hbm4b:s17+s3] =	stream.linear.scatter [tilespmem:s15], [sflag:$0x5], $0x80, $0x38;
	[tilespmem:$0x16C00] =	vst v63  }
0x92: {  	s9 =	simm.s32 $0xE598;
	s12 =	sadd.s32 $0x30, s16  }
0x93: {  	[hbm4b:s12+s3] =	stream.linear.scatter [tilespmem:s9], [sflag:$0x5], $0x80, $0x38;
	[tilespmem:$0x16C00] =	vst v63  }
0x94: {  	s15 =	simm.s32 $0xE620;
	s17 =	sadd.s32 $0x40, s16  }
0x95: {  	[hbm4b:s17+s3] =	stream.linear.scatter [tilespmem:s15], [sflag:$0x5], $0x80, $0x38;
	[tilespmem:$0x16C00] =	vst v63  }
0x96: {  	s6 =	simm.s32 $0xE7B8;
	s9 =	simm.s32 $0xE6A8;
	s12 =	sadd.s32 $0x50, s16  }
0x97: {  	[hbm4b:s12+s3] =	stream.linear.scatter [tilespmem:s9], [sflag:$0x5], $0x80, $0x38;
	[tilespmem:$0x16C00] =	vst v63  }
0x98: {  	s15 =	simm.s32 $0xE730;
	s17 =	sadd.s32 $0x60, s16;
	s9 =	sadd.s32 $0x70, s16  }
0x99: {  	[hbm4b:s17+s3] =	stream.linear.scatter [tilespmem:s15], [sflag:$0x5], $0x80, $0x38;
	[tilespmem:$0x16C00] =	vst v63  }
0x9a: {  	s16 =	sadd.s32 $0x1000, s16;
	s15 =	simm.s32 $0x440;
	s17 =	simm.s32 $0x2200  }
.LBB2_5:
0x9b: {  	[hbm4b:s9+s3] =	stream.linear.scatter [tilespmem:s6], [sflag:$0x5], $0x80, $0x38;
	[tilespmem:$0x16C00] =	vst v63  }
0x9c: {  	s6 =	smov.u32 s15;
	s9 =	smov.u32 s17  }
0x9d: {  	s12 =	sadd.s32 $0x1100, s17;
	s15 =	sshra.s32 s9, $0x2;
	s9 =	sadd.s32 $0xE400, s6  }
0x9e: {  	[hbm4b:s16+s3] =	stream.linear.scatter [tilespmem:s9], [sflag:$0x5], $0x80, $0x38;
	[tilespmem:$0x16C00] =	vst v63  }
0x9f: {  	p0 =	sne.s32 s17, $0x7700;
	s17 =	sadd.s32 $0x10, s16;
	s9 =	sadd.s32 $0xE488, s6  }
0xa0: {  	[hbm4b:s17+s3] =	stream.linear.scatter [tilespmem:s9], [sflag:$0x5], $0x80, $0x38;
	[tilespmem:$0x16C00] =	vst v63  }
0xa1: {  	s9 =	sadd.s32 $0xE510, s6;
	s17 =	sadd.s32 $0x20, s16  }
0xa2: {  	[hbm4b:s17+s3] =	stream.linear.scatter [tilespmem:s9], [sflag:$0x5], $0x80, $0x38;
	[tilespmem:$0x16C00] =	vst v63  }
0xa3: {  	s9 =	sadd.s32 $0xE598, s6;
	s17 =	sadd.s32 $0x30, s16  }
0xa4: {  	[hbm4b:s17+s3] =	stream.linear.scatter [tilespmem:s9], [sflag:$0x5], $0x80, $0x38;
	[tilespmem:$0x16C00] =	vst v63  }
0xa5: {  	s9 =	sadd.s32 $0xE620, s6;
	s17 =	sadd.s32 $0x40, s16  }
0xa6: {  	[hbm4b:s17+s3] =	stream.linear.scatter [tilespmem:s9], [sflag:$0x5], $0x80, $0x38;
	[tilespmem:$0x16C00] =	vst v63  }
.Ltmp1:
0xa7: {  	s9 =	sadd.s32 $0xE6A8, s6;
	s17 =	sadd.s32 $0x50, s16;
	(pc) =	sbr.rel @p0 .LBB2_5-.Ltmp1, $4  }
0xa8: {  	[hbm4b:s17+s3] =	stream.linear.scatter [tilespmem:s9], [sflag:$0x5], $0x80, $0x38;
	[tilespmem:$0x16C00] =	vst v63  }
0xa9: {  	s9 =	sadd.s32 $0xE730, s6;
	s17 =	sadd.s32 $0x60, s16;
	s6 =	sadd.s32 $0xE7B8, s6  }
0xaa: {  	[hbm4b:s17+s3] =	stream.linear.scatter [tilespmem:s9], [sflag:$0x5], $0x80, $0x38;
	[tilespmem:$0x16C00] =	vst v63  }
0xab: {  	s9 =	sadd.s32 $0x70, s16;
	s16 =	sadd.s32 $0x1000, s16;
	s17 =	smov.u32 s12  }
0xac: {  	[hbm4b:s9+s3] =	stream.linear.scatter [tilespmem:s6], [sflag:$0x5], $0x80, $0x38;
	[tilespmem:$0x16C00] =	vst v63  }
0xad: {  	s9 =	sadd.s32 $0xE400, s15;
	p0 =	seq.s32 s2, $0x31  }
0xae: {  	[hbm4b:s16+s3] =	stream.linear.scatter [tilespmem:s9], [sflag:$0x5], $0x80, $0x38;
	[tilespmem:$0x16C00] =	vst v63  }
0xaf: {  	s12 =	sadd.s32 $0xE488, s15;
	s17 =	sadd.s32 $0x10, s16;
	s6 =	sadd.s32 @!p0 $0x800, s11  }
0xb0: {  	[hbm4b:s17+s3] =	stream.linear.scatter [tilespmem:s12], [sflag:$0x5], $0x80, $0x38;
	[tilespmem:$0x16C00] =	vst v63  }
0xb1: {  	p1 =	seq.s32 @!p0 s2, $0x0;
	s12 =	sadd.s32 $0xE510, s15;
	s17 =	sadd.s32 $0x20, s16  }
0xb2: {  	[hbm4b:s17+s3] =	stream.linear.scatter [tilespmem:s12], [sflag:$0x5], $0x80, $0x38;
	[tilespmem:$0x16C00] =	vst v63  }
0xb3: {  	s9 =	sadd.s32 $0xE730, s15;
	s12 =	sadd.s32 $0xE598, s15;
	s17 =	sadd.s32 $0x30, s16  }
0xb4: {  	[hbm4b:s17+s3] =	stream.linear.scatter [tilespmem:s12], [sflag:$0x5], $0x80, $0x38;
	[tilespmem:$0x16C00] =	vst v63  }
0xb5: {  	s6 =	sand.u32 @!p0 $0x3F800, s6;
	s12 =	sadd.s32 $0xE620, s15;
	s17 =	sadd.s32 $0x40, s16  }
0xb6: {  	[hbm4b:s17+s3] =	stream.linear.scatter [tilespmem:s12], [sflag:$0x5], $0x80, $0x38;
	[tilespmem:$0x16C00] =	vst v63  }
0xb7: {  	p1 =	por p0, !p1;
	s12 =	sadd.s32 $0xE6A8, s15;
	s17 =	sadd.s32 $0x50, s16  }
0xb8: {  	[hbm4b:s17+s3] =	stream.linear.scatter [tilespmem:s12], [sflag:$0x5], $0x80, $0x38;
	[tilespmem:$0x16C00] =	vst v63  }
0xb9: {  	s12 =	sadd.s32 $0x60, s16;
	s17 =	sadd.s32 $0x70, s16;
	s16 =	simm.s32 $0x2  }
0xba: {  	[hbm4b:s12+s3] =	stream.linear.scatter [tilespmem:s9], [sflag:$0x5], $0x80, $0x38;
	[tilespmem:$0x16C00] =	vst v63  }
0xbb: {  	s6 =	sshrl.u32 @!p0 s6, $0x2;
	s15 =	sadd.s32 $0xE7B8, s15;
	v35 =	vmov s16;
	s16 =	simm.s32 $0x5  }
0xbc: {  	v35 =	vshrl.u32 v35, $0x3;
	[hbm4b:s17+s3] =	stream.linear.scatter [tilespmem:s15], [sflag:$0x5], $0x80, $0x38;
	[tilespmem:$0x16C00] =	vst v63  }
0xbd: {  	v39 =	vmov s16;
	v52 =	vshll.u32 v35, v1;
	s15 =	simm.s32 $0x1;
	s17 =	simm.s32 $0x3;
	_ =	swait.ge [sflag:s21], $0x2000  }
0xbe: {  	v55 =	vshrl.u32 v39, $0x3;
	v34 =	vmov s15;
	s15 =	simm.s32 $0x7;
	v36 =	vmov s17;
	s17 =	simm.s32 $0x6;
	[sflag:s21] =	ssyncset.done $0x0  }
0xbf: {  	s9 =	simm.s32 @!p0 $0x80;
	s12 =	simm.s32 @!p0 $0x6400;
	v52 =	vbroadcast v52, $0x0;
	v38 =	vmov s15;
	v40 =	vmov s17;
	[sflag:s21] =	ssyncadd.s32 $0xFFFFE000  }
0xc0: {  	v34 =	vshrl.u32 v34, $0x3;
	v36 =	vshrl.u32 v36, $0x3;
	v38 =	vshrl.u32 v38, $0x3;
	[tilespmem:s12], [sflag:$0x1] =	stream.indirect.gather @!p0 [hbm4b:s5+s9], $0x40, s6, s9, $0xb8;
	[tilespmem:$0x16C00] =	vst v63  }
0xc1: {  	v49 =	vadd.s32 v9, v52;
	v34 =	vshll.u32 v34, v1;
	v38 =	vshll.u32 v38, v1;
	_ =	swait.ge @p1 [sflag:s29], $0x2000  }
0xc2: {  	v53 =	vshll.u32 v36, v1;
	v36 =	vshll.u32 v55, v1;
	s12 =	simm.s32 $0x0;
	v38 =	vbroadcast v38, $0x0;
	[sflag:s29] =	ssyncset.done @p1 $0x0  }
0xc3: {  	s15 =	simm.s32 $0x85F0;
	v40 =	vshrl.u32 v40, $0x3;
	v45 =	vbroadcast v34, $0x0;
	v33 =	vmov s12;
	[sflag:s29] =	ssyncadd.s32 @p1 $0xFFFFE000  }
0xc4: {  	v35 =	vbroadcast v53, $0x0;
	s12 =	simm.s32 $0x4;
	v33 =	vshrl.u32 v33, $0x3;
	v42 =	vadd.s32 v29, v38;
	v41 =	vld [tilespmem:s15+$0xFFFFFFD0]  }
0xc5: {  	v37 =	vmov s12;
	v47 =	vadd.s32 v5, v45;
	v33 =	vshll.u32 v33, v1;
	v46 =	vld [tilespmem:s15+$0xFFFFFE50]  }
0xc6: {  	v56 =	vshll.u32 v40, v1;
	v37 =	vshrl.u32 v37, $0x3;
	v33 =	vbroadcast v33, $0x0;
	v48 =	vld [tilespmem:s15+$0xFFFFFE90]  }
0xc7: {  	v50 =	vadd.s32 v13, v35;
	v54 =	vshll.u32 v37, v1;
	v39 =	vld [tilespmem:s15+$0xFFFFFED0];
	v37 =	vbroadcast v36, $0x0  }
0xc8: {  	v43 =	vld [tilespmem:s15+$0xFFFFFE10];
	v36 =	vbroadcast v56, $0x0;
	v44 =	vadd.s32 v0, v33  }
0xc9: {  	v59 =	vld [tilespmem:s15+$0xFFFFFF50];
	v34 =	vbroadcast v54, $0x0;
	v60 =	vadd.s32 v21, v37;
	[tilespmem:v42+s22+$0x0] =	vst.idx.msk $0xffff, v41  }
0xca: {  	v61 =	vld [tilespmem:s15+$0xFFFFFF90];
	v62 =	vadd.s32 v25, v36;
	[tilespmem:v47+s22+$0x0] =	vst.idx.msk $0xffff, v46  }
0xcb: {  	v51 =	vld [tilespmem:s15+$0xFFFFFF10];
	v53 =	vadd.s32 v17, v34;
	[tilespmem:v49+s22+$0x0] =	vst.idx.msk $0xffff, v48  }
0xcc: {  	v58 =	vadd.s32 v30, v38;
	[tilespmem:v50+s22+$0x0] =	vst.idx.msk $0xffff, v39;
	v57 =	vld [tilespmem:s15+$0xFFFFFFE0]  }
0xcd: {  	v63 =	vadd.s32 v6, v45;
	v47 =	vld [tilespmem:s15+$0xFFFFFE60];
	[tilespmem:v44+s22+$0x0] =	vst.idx.msk $0xffff, v43  }
0xce: {  	v55 =	vadd.s32 v10, v52;
	v54 =	vld [tilespmem:s15+$0xFFFFFEA0];
	[tilespmem:v60+s22+$0x0] =	vst.idx.msk $0xffff, v59  }
0xcf: {  	v56 =	vadd.s32 v14, v35;
	v50 =	vld [tilespmem:s15+$0xFFFFFEE0];
	[tilespmem:v62+s22+$0x0] =	vst.idx.msk $0xffff, v61  }
0xd0: {  	v46 =	vadd.s32 v22, v37;
	[tilespmem:v53+s22+$0x0] =	vst.idx.msk $0xffff, v51;
	v44 =	vld [tilespmem:s15+$0xFFFFFF60]  }
0xd1: {  	v59 =	vadd.s32 v18, v34;
	[tilespmem:v58+s22+$0x0] =	vst.idx.msk $0xffff, v57;
	v58 =	vld [tilespmem:s15+$0xFFFFFF20]  }
0xd2: {  	v57 =	vadd.s32 v31, v38;
	[tilespmem:v63+s22+$0x0] =	vst.idx.msk $0xffff, v47;
	v40 =	vld [tilespmem:s15+$0xFFFFFFF0]  }
0xd3: {  	v62 =	vadd.s32 v2, v33;
	v61 =	vld [tilespmem:s15+$0xFFFFFE20];
	[tilespmem:v55+s22+$0x0] =	vst.idx.msk $0xffff, v54  }
0xd4: {  	v60 =	vadd.s32 v26, v36;
	v63 =	vld [tilespmem:s15+$0xFFFFFFA0];
	[tilespmem:v56+s22+$0x0] =	vst.idx.msk $0xffff, v50  }
0xd5: {  	v51 =	vadd.s32 v7, v45;
	v50 =	vld [tilespmem:s15+$0xFFFFFE70];
	[tilespmem:v46+s22+$0x0] =	vst.idx.msk $0xffff, v44  }
0xd6: {  	v56 =	vadd.s32 v11, v52;
	v55 =	vld [tilespmem:s15+$0xFFFFFEB0];
	[tilespmem:v59+s22+$0x0] =	vst.idx.msk $0xffff, v58  }
0xd7: {  	v58 =	vadd.s32 v15, v35;
	[tilespmem:v57+s22+$0x0] =	vst.idx.msk $0xffff, v40;
	v57 =	vld [tilespmem:s15+$0xFFFFFEF0]  }
0xd8: {  	v38 =	vadd.s32 v32, v38;
	[tilespmem:v62+s22+$0x0] =	vst.idx.msk $0xffff, v61;
	v54 =	vld [tilespmem:s15+$0x0]  }
0xd9: {  	s12 =	simm.s32 $0x9;
	[tilespmem:v60+s22+$0x0] =	vst.idx.msk $0xffff, v63;
	v60 =	vadd.s32 v19, v34;
	v59 =	vld [tilespmem:s15+$0xFFFFFF30]  }
0xda: {  	v41 =	vadd.s32 v23, v37;
	v53 =	vmov s12;
	s12 =	simm.s32 $0xC;
	[tilespmem:v51+s22+$0x0] =	vst.idx.msk $0xffff, v50;
	v40 =	vld [tilespmem:s15+$0xFFFFFF70]  }
0xdb: {  	s17 =	simm.s32 $0xB;
	s9 =	simm.s32 $0x8;
	v48 =	vadd.s32 v3, v33;
	v43 =	vadd.s32 v27, v36;
	v47 =	vmov s12;
	v42 =	vld [tilespmem:s15+$0xFFFFFFB0];
	[tilespmem:v56+s22+$0x0] =	vst.idx.msk $0xffff, v55  }
0xdc: {  	s16 =	simm.s32 $0xA;
	v52 =	vadd.s32 v12, v52;
	v44 =	vmov s17;
	v46 =	vld [tilespmem:s15+$0xFFFFFE30];
	v63 =	vmov s9;
	[tilespmem:v58+s22+$0x0] =	vst.idx.msk $0xffff, v57  }
0xdd: {  	s17 =	simm.s32 $0xE;
	v39 =	vshrl.u32 v63, $0x3;
	v51 =	vadd.s32 v8, v45;
	v49 =	vld [tilespmem:s15+$0xFFFFFE80];
	[tilespmem:v38+s22+$0x0] =	vst.idx.msk $0xffff, v54;
	v54 =	vmov s16;
	s16 =	simm.s32 $0xD  }
0xde: {  	v45 =	vshll.u32 v39, v1;
	v39 =	vmov s17;
	s17 =	simm.s32 $0xF;
	v50 =	vld [tilespmem:s15+$0xFFFFFEC0];
	[tilespmem:v60+s22+$0x0] =	vst.idx.msk $0xffff, v59;
	v38 =	vmov s16;
	s16 =	simm.s32 $0x10  }
.LBB2_7:
0xdf: {  	p2 =	slt.u32 s16, $0x78;
	v53 =	vshrl.u32 v53, $0x3;
	v55 =	vmov s17;
	v56 =	vld [tilespmem:s15+$0xFFFFFF00];
	v35 =	vadd.s32 v16, v35;
	[tilespmem:v41+s22+$0x0] =	vst.idx.msk $0xffff, v40  }
0xe0: {  	v40 =	vshrl.u32 v54, $0x3;
	v34 =	vadd.s32 v20, v34;
	v41 =	vshrl.u32 v55, $0x3;
	v54 =	vld [tilespmem:s15+$0xFFFFFF40];
	[tilespmem:v43+s22+$0x0] =	vst.idx.msk $0xffff, v42  }
0xe1: {  	v37 =	vadd.s32 v24, v37;
	v42 =	vshrl.u32 v44, $0x3;
	v41 =	vshll.u32 v41, v1;
	[tilespmem:v48+s22+$0x0] =	vst.idx.msk $0xffff, v46;
	v43 =	vld [tilespmem:s15+$0xFFFFFF80]  }
0xe2: {  	v36 =	vadd.s32 v28, v36;
	v44 =	vshrl.u32 v47, $0x3;
	v41 =	vbroadcast v41, $0x0;
	[tilespmem:v51+s22+$0x0] =	vst.idx.msk $0xffff, v49;
	v46 =	vld [tilespmem:s15+$0xFFFFFFC0]  }
0xe3: {  	v47 =	vshll.u32 v53, v1;
	v49 =	vadd.s32 v4, v33;
	v33 =	vbroadcast v45, $0x0;
	v48 =	vld [tilespmem:s15+$0xFFFFFE40];
	[tilespmem:v52+s22+$0x0] =	vst.idx.msk $0xffff, v50;
	s15 =	sadd.s32 $0x200, s15  }
0xe4: {  	v40 =	vshll.u32 v40, v1;
	v45 =	vbroadcast v47, $0x0;
	v47 =	vld [tilespmem:s15+$0xFFFFFFD0];
	v50 =	vadd.s32 v29, v41;
	[tilespmem:v35+s22+$0x0] =	vst.idx.msk $0xffff, v56  }
0xe5: {  	v55 =	vbroadcast v40, $0x0;
	v52 =	vadd.s32 v0, v33;
	v35 =	vshll.u32 v42, v1;
	v51 =	vld [tilespmem:s15+$0xFFFFFE10];
	[tilespmem:v34+s22+$0x0] =	vst.idx.msk $0xffff, v54  }
0xe6: {  	v42 =	vadd.s32 v5, v45;
	v35 =	vbroadcast v35, $0x0;
	v34 =	vshll.u32 v44, v1;
	v40 =	vld [tilespmem:s15+$0xFFFFFE50];
	[tilespmem:v37+s22+$0x0] =	vst.idx.msk $0xffff, v43  }
0xe7: {  	v44 =	vadd.s32 v9, v55;
	v34 =	vbroadcast v34, $0x0;
	v37 =	vshrl.u32 v38, $0x3;
	v43 =	vld [tilespmem:s15+$0xFFFFFE90];
	[tilespmem:v36+s22+$0x0] =	vst.idx.msk $0xffff, v46  }
0xe8: {  	v39 =	vshrl.u32 v39, $0x3;
	v46 =	vadd.s32 v13, v35;
	v36 =	vshll.u32 v37, v1;
	v38 =	vld [tilespmem:s15+$0xFFFFFED0];
	[tilespmem:v49+s22+$0x0] =	vst.idx.msk $0xffff, v48  }
0xe9: {  	v49 =	vadd.s32 v17, v34;
	v37 =	vbroadcast v36, $0x0;
	v36 =	vshll.u32 v39, v1;
	v48 =	vld [tilespmem:s15+$0xFFFFFF10];
	[tilespmem:v50+s22+$0x0] =	vst.idx.msk $0xffff, v47  }
0xea: {  	v36 =	vbroadcast v36, $0x0;
	v47 =	vadd.s32 v30, v41;
	[tilespmem:v52+s22+$0x0] =	vst.idx.msk $0xffff, v51;
	v39 =	vld [tilespmem:s15+$0xFFFFFFE0]  }
0xeb: {  	[tilespmem:v42+s22+$0x0] =	vst.idx.msk $0xffff, v40;
	v40 =	vld [tilespmem:s15+$0xFFFFFF50];
	v42 =	vadd.s32 v21, v37  }
0xec: {  	[tilespmem:v44+s22+$0x0] =	vst.idx.msk $0xffff, v43;
	v43 =	vld [tilespmem:s15+$0xFFFFFF90];
	v44 =	vadd.s32 v25, v36  }
0xed: {  	v51 =	vadd.s32 v6, v45;
	v50 =	vld [tilespmem:s15+$0xFFFFFE60];
	[tilespmem:v46+s22+$0x0] =	vst.idx.msk $0xffff, v38  }
0xee: {  	v46 =	vadd.s32 v10, v55;
	v38 =	vld [tilespmem:s15+$0xFFFFFEA0];
	[tilespmem:v49+s22+$0x0] =	vst.idx.msk $0xffff, v48  }
0xef: {  	v49 =	vadd.s32 v14, v35;
	v48 =	vld [tilespmem:s15+$0xFFFFFEE0];
	[tilespmem:v47+s22+$0x0] =	vst.idx.msk $0xffff, v39  }
0xf0: {  	[tilespmem:v42+s22+$0x0] =	vst.idx.msk $0xffff, v40;
	v39 =	vld [tilespmem:s15+$0xFFFFFFF0];
	v40 =	vadd.s32 v31, v41  }
0xf1: {  	v47 =	vadd.s32 v18, v34;
	v42 =	vld [tilespmem:s15+$0xFFFFFF20];
	[tilespmem:v44+s22+$0x0] =	vst.idx.msk $0xffff, v43  }
0xf2: {  	v44 =	vadd.s32 v22, v37;
	[tilespmem:v51+s22+$0x0] =	vst.idx.msk $0xffff, v50;
	v43 =	vld [tilespmem:s15+$0xFFFFFF60]  }
0xf3: {  	[tilespmem:v46+s22+$0x0] =	vst.idx.msk $0xffff, v38;
	v38 =	vld [tilespmem:s15+$0xFFFFFFA0];
	v46 =	vadd.s32 v26, v36  }
0xf4: {  	v51 =	vadd.s32 v2, v33;
	v50 =	vld [tilespmem:s15+$0xFFFFFE20];
	[tilespmem:v49+s22+$0x0] =	vst.idx.msk $0xffff, v48  }
0xf5: {  	v49 =	vadd.s32 v7, v45;
	v48 =	vld [tilespmem:s15+$0xFFFFFE70];
	[tilespmem:v40+s22+$0x0] =	vst.idx.msk $0xffff, v39  }
0xf6: {  	[tilespmem:v47+s22+$0x0] =	vst.idx.msk $0xffff, v42;
	v39 =	vld [tilespmem:s15+$0x0];
	v47 =	vadd.s32 v32, v41  }
0xf7: {  	v56 =	vadd.s32 v11, v55;
	v52 =	vld [tilespmem:s15+$0xFFFFFEB0];
	[tilespmem:v44+s22+$0x0] =	vst.idx.msk $0xffff, v43  }
0xf8: {  	v58 =	vadd.s32 v15, v35;
	v57 =	vld [tilespmem:s15+$0xFFFFFEF0];
	[tilespmem:v46+s22+$0x0] =	vst.idx.msk $0xffff, v38  }
0xf9: {  	v60 =	vadd.s32 v19, v34;
	[tilespmem:v51+s22+$0x0] =	vst.idx.msk $0xffff, v50;
	v59 =	vld [tilespmem:s15+$0xFFFFFF30]  }
.Ltmp2:
0xfa: {  	s6 =	sadd.s32 $0x1, s16;
	v41 =	vadd.s32 v23, v37;
	v38 =	vmov s16;
	[tilespmem:v49+s22+$0x0] =	vst.idx.msk $0xffff, v48;
	v40 =	vld [tilespmem:s15+$0xFFFFFF70];
	(pc) =	sbr.rel @p2 .LBB2_7-.Ltmp2, $4  }
0xfb: {  	s9 =	sadd.s32 $0x3, s16;
	v53 =	vmov s6;
	s6 =	sadd.s32 $0x2, s16;
	v43 =	vadd.s32 v27, v36;
	v50 =	vshrl.u32 v38, $0x3;
	v42 =	vld [tilespmem:s15+$0xFFFFFFB0];
	[tilespmem:v47+s22+$0x0] =	vst.idx.msk $0xffff, v39  }
0xfc: {  	v54 =	vmov s6;
	s6 =	sadd.s32 $0x4, s16;
	v44 =	vmov s9;
	s9 =	sadd.s32 $0x5, s16;
	v48 =	vadd.s32 v3, v33;
	v46 =	vld [tilespmem:s15+$0xFFFFFE30];
	[tilespmem:v56+s22+$0x0] =	vst.idx.msk $0xffff, v52  }
0xfd: {  	v38 =	vmov s9;
	v51 =	vadd.s32 v8, v45;
	v47 =	vmov s6;
	s6 =	sadd.s32 $0x6, s16;
	v49 =	vld [tilespmem:s15+$0xFFFFFE80];
	[tilespmem:v58+s22+$0x0] =	vst.idx.msk $0xffff, v57  }
0xfe: {  	s17 =	sadd.s32 $0x7, s16;
	v45 =	vshll.u32 v50, v1;
	s16 =	sadd.s32 $0x8, s16;
	v39 =	vmov s6;
	v52 =	vadd.s32 v12, v55;
	v50 =	vld [tilespmem:s15+$0xFFFFFEC0];
	[tilespmem:v60+s22+$0x0] =	vst.idx.msk $0xffff, v59  }
0xff: {  	_ =	sdelay $0x2  }
0x100: {  	v53 =	vshrl.u32 v53, $0x3  }
0x101: {  	v55 =	vmov s17;
	v56 =	vld [tilespmem:s15+$0xFFFFFF00];
	v35 =	vadd.s32 v16, v35;
	[tilespmem:v41+s22+$0x0] =	vst.idx.msk $0xffff, v40;
	v57 =	vshrl.u32 v54, $0x3  }
0x102: {  	v59 =	vld [tilespmem:s15+$0xFFFFFF40];
	v34 =	vadd.s32 v20, v34;
	v60 =	vshrl.u32 v44, $0x3;
	v58 =	vshrl.u32 v55, $0x3;
	[tilespmem:v43+s22+$0x0] =	vst.idx.msk $0xffff, v42  }
0x103: {  	v37 =	vadd.s32 v24, v37;
	v62 =	vshrl.u32 v47, $0x3;
	v61 =	vld [tilespmem:s15+$0xFFFFFF80];
	v41 =	vshll.u32 v58, v1;
	[tilespmem:v48+s22+$0x0] =	vst.idx.msk $0xffff, v46  }
0x104: {  	v36 =	vadd.s32 v28, v36;
	v45 =	vbroadcast v45, $0x0;
	v63 =	vld [tilespmem:s15+$0xFFFFFFC0];
	v41 =	vbroadcast v41, $0x0;
	[tilespmem:v51+s22+$0x0] =	vst.idx.msk $0xffff, v49  }
0x105: {  	v33 =	vadd.s32 v4, v33;
	s12 =	sadd.s32 $0x200, s15;
	v38 =	vshrl.u32 v38, $0x3;
	v55 =	vshll.u32 v53, v1;
	v48 =	vld [tilespmem:s15+$0xFFFFFE40];
	[tilespmem:v52+s22+$0x0] =	vst.idx.msk $0xffff, v50  }
0x106: {  	v40 =	vshll.u32 v57, v1;
	v47 =	vbroadcast v55, $0x0;
	v49 =	vld [tilespmem:s12+$0xFFFFFFD0];
	v50 =	vadd.s32 v29, v41;
	[tilespmem:v35+s22+$0x0] =	vst.idx.msk $0xffff, v56  }
0x107: {  	v42 =	vshll.u32 v60, v1;
	v40 =	vbroadcast v40, $0x0;
	v35 =	vld [tilespmem:s12+$0xFFFFFE10];
	v56 =	vadd.s32 v0, v45;
	[tilespmem:v34+s22+$0x0] =	vst.idx.msk $0xffff, v59  }
0x108: {  	v57 =	vld [tilespmem:s12+$0xFFFFFE50];
	v44 =	vshll.u32 v62, v1;
	v42 =	vbroadcast v42, $0x0;
	v58 =	vadd.s32 v5, v47;
	[tilespmem:v37+s22+$0x0] =	vst.idx.msk $0xffff, v61  }
0x109: {  	v38 =	vshll.u32 v38, v1;
	v44 =	vbroadcast v44, $0x0;
	v60 =	vadd.s32 v9, v40;
	v59 =	vld [tilespmem:s12+$0xFFFFFE90];
	[tilespmem:v36+s22+$0x0] =	vst.idx.msk $0xffff, v63  }
0x10a: {  	v38 =	vbroadcast v38, $0x0;
	v62 =	vadd.s32 v13, v42;
	v61 =	vld [tilespmem:s12+$0xFFFFFED0];
	[tilespmem:v33+s22+$0x0] =	vst.idx.msk $0xffff, v48  }
0x10b: {  	v39 =	vshrl.u32 v39, $0x3;
	v63 =	vadd.s32 v17, v44;
	v33 =	vld [tilespmem:s12+$0xFFFFFF10];
	[tilespmem:v50+s22+$0x0] =	vst.idx.msk $0xffff, v49  }
0x10c: {  	v39 =	vshll.u32 v39, v1;
	v34 =	vld [tilespmem:s12+$0xFFFFFF50];
	[tilespmem:v56+s22+$0x0] =	vst.idx.msk $0xffff, v35;
	v56 =	vadd.s32 v21, v38  }
0x10d: {  	[tilespmem:v58+s22+$0x0] =	vst.idx.msk $0xffff, v57;
	v35 =	vbroadcast v39, $0x0;
	v49 =	vadd.s32 v30, v41;
	v39 =	vld [tilespmem:s12+$0xFFFFFFE0]  }
0x10e: {  	[tilespmem:v60+s22+$0x0] =	vst.idx.msk $0xffff, v59;
	v59 =	vld [tilespmem:s12+$0xFFFFFE60];
	v60 =	vadd.s32 v6, v47  }
0x10f: {  	v57 =	vld [tilespmem:s12+$0xFFFFFF90];
	[tilespmem:v62+s22+$0x0] =	vst.idx.msk $0xffff, v61;
	v58 =	vadd.s32 v25, v35  }
0x110: {  	v61 =	vld [tilespmem:s12+$0xFFFFFEA0];
	v62 =	vadd.s32 v10, v40;
	[tilespmem:v63+s22+$0x0] =	vst.idx.msk $0xffff, v33  }
0x111: {  	v33 =	vld [tilespmem:s12+$0xFFFFFEE0];
	v63 =	vadd.s32 v14, v42;
	[tilespmem:v56+s22+$0x0] =	vst.idx.msk $0xffff, v34  }
0x112: {  	v56 =	vadd.s32 v18, v44;
	[tilespmem:v49+s22+$0x0] =	vst.idx.msk $0xffff, v39;
	v49 =	vld [tilespmem:s12+$0xFFFFFF20]  }
0x113: {  	[tilespmem:v60+s22+$0x0] =	vst.idx.msk $0xffff, v59;
	v39 =	vadd.s32 v31, v41;
	v34 =	vld [tilespmem:s12+$0xFFFFFFF0]  }
0x114: {  	[tilespmem:v58+s22+$0x0] =	vst.idx.msk $0xffff, v57;
	v57 =	vld [tilespmem:s12+$0xFFFFFF60];
	v58 =	vadd.s32 v22, v38  }
0x115: {  	[tilespmem:v62+s22+$0x0] =	vst.idx.msk $0xffff, v61;
	v61 =	vld [tilespmem:s12+$0xFFFFFE20];
	v62 =	vadd.s32 v2, v45  }
0x116: {  	v60 =	vadd.s32 v26, v35;
	v59 =	vld [tilespmem:s12+$0xFFFFFFA0];
	[tilespmem:v63+s22+$0x0] =	vst.idx.msk $0xffff, v33  }
0x117: {  	v55 =	vadd.s32 v11, v40;
	v54 =	vadd.s32 v32, v41;
	v41 =	vld [tilespmem:s12+$0xFFFFFEB0];
	[tilespmem:v56+s22+$0x0] =	vst.idx.msk $0xffff, v49  }
0x118: {  	v53 =	vadd.s32 v7, v47;
	v63 =	vld [tilespmem:s12+$0xFFFFFE70];
	[tilespmem:v39+s22+$0x0] =	vst.idx.msk $0xffff, v34  }
0x119: {  	v56 =	vld [tilespmem:s12+$0xFFFFFEF0];
	[tilespmem:v58+s22+$0x0] =	vst.idx.msk $0xffff, v57;
	v57 =	vadd.s32 v15, v42  }
0x11a: {  	[tilespmem:v62+s22+$0x0] =	vst.idx.msk $0xffff, v61;
	v34 =	vld [tilespmem:s12+$0x0]  }
0x11b: {  	v58 =	vld [tilespmem:s12+$0xFFFFFF30];
	[tilespmem:v60+s22+$0x0] =	vst.idx.msk $0xffff, v59;
	v59 =	vadd.s32 v19, v44  }
0x11c: {  	v61 =	vadd.s32 v23, v38;
	[tilespmem:v55+s22+$0x0] =	vst.idx.msk $0xffff, v41;
	v60 =	vld [tilespmem:s12+$0xFFFFFF70]  }
0x11d: {  	[tilespmem:v53+s22+$0x0] =	vst.idx.msk $0xffff, v63;
	v63 =	vadd.s32 v27, v35;
	v62 =	vld [tilespmem:s12+$0xFFFFFFB0]  }
0x11e: {  	v47 =	vadd.s32 v8, v47;
	v55 =	vld [tilespmem:s12+$0xFFFFFE80];
	[tilespmem:v57+s22+$0x0] =	vst.idx.msk $0xffff, v56  }
0x11f: {  	v53 =	vld [tilespmem:s12+$0xFFFFFE30];
	[tilespmem:v54+s22+$0x0] =	vst.idx.msk $0xffff, v34;
	v54 =	vadd.s32 v3, v45  }
0x120: {  	v40 =	vadd.s32 v12, v40;
	v56 =	vld [tilespmem:s12+$0xFFFFFEC0];
	[tilespmem:v59+s22+$0x0] =	vst.idx.msk $0xffff, v58  }
0x121: {  	v42 =	vadd.s32 v16, v42;
	v57 =	vld [tilespmem:s12+$0xFFFFFF00];
	[tilespmem:v61+s22+$0x0] =	vst.idx.msk $0xffff, v60  }
0x122: {  	v59 =	vadd.s32 v20, v44;
	v58 =	vld [tilespmem:s12+$0xFFFFFF40];
	[tilespmem:v63+s22+$0x0] =	vst.idx.msk $0xffff, v62  }
0x123: {  	v38 =	vadd.s32 v24, v38;
	v60 =	vld [tilespmem:s12+$0xFFFFFF80];
	[tilespmem:v47+s22+$0x0] =	vst.idx.msk $0xffff, v55  }
0x124: {  	v35 =	vadd.s32 v28, v35;
	v61 =	vld [tilespmem:s12+$0xFFFFFFC0];
	[tilespmem:v54+s22+$0x0] =	vst.idx.msk $0xffff, v53  }
0x125: {  	v63 =	vadd.s32 v4, v45;
	[tilespmem:v40+s22+$0x0] =	vst.idx.msk $0xffff, v56;
	v62 =	vld [tilespmem:s12+$0xFFFFFE40]  }
0x126: {  	[tilespmem:v42+s22+$0x0] =	vst.idx.msk $0xffff, v57  }
0x127: {  	[tilespmem:v59+s22+$0x0] =	vst.idx.msk $0xffff, v58  }
0x128: {  	[tilespmem:v38+s22+$0x0] =	vst.idx.msk $0xffff, v60  }
0x129: {  	[tilespmem:v35+s22+$0x0] =	vst.idx.msk $0xffff, v61  }
0x12a: {  	s6 =	simm.s32 $0x10600;
	s12 =	sadd.s32 s14, s7;
	[tilespmem:v63+s22+$0x0] =	vst.idx.msk $0xffff, v62  }
0x12b: {  	[hbm4b:s12+s3] =	stream.linear.scatter [tilespmem:s6], [sflag:$0x6], $0x80, $0x38;
	[tilespmem:$0x16C00] =	vst v63  }
0x12c: {  	s15 =	simm.s32 $0x10688;
	s9 =	sadd.s32 $0x10, s12  }
0x12d: {  	[hbm4b:s9+s3] =	stream.linear.scatter [tilespmem:s15], [sflag:$0x6], $0x80, $0x38;
	[tilespmem:$0x16C00] =	vst v63  }
0x12e: {  	s16 =	simm.s32 $0x10710;
	s17 =	sadd.s32 $0x20, s12  }
0x12f: {  	[hbm4b:s17+s3] =	stream.linear.scatter [tilespmem:s16], [sflag:$0x6], $0x80, $0x38;
	[tilespmem:$0x16C00] =	vst v63  }
0x130: {  	s9 =	simm.s32 $0x10798;
	s15 =	sadd.s32 $0x30, s12  }
0x131: {  	[hbm4b:s15+s3] =	stream.linear.scatter [tilespmem:s9], [sflag:$0x6], $0x80, $0x38;
	[tilespmem:$0x16C00] =	vst v63  }
0x132: {  	s16 =	simm.s32 $0x10820;
	s17 =	sadd.s32 $0x40, s12  }
0x133: {  	[hbm4b:s17+s3] =	stream.linear.scatter [tilespmem:s16], [sflag:$0x6], $0x80, $0x38;
	[tilespmem:$0x16C00] =	vst v63  }
0x134: {  	s6 =	simm.s32 $0x109B8;
	s9 =	simm.s32 $0x108A8;
	s15 =	sadd.s32 $0x50, s12  }
0x135: {  	[hbm4b:s15+s3] =	stream.linear.scatter [tilespmem:s9], [sflag:$0x6], $0x80, $0x38;
	[tilespmem:$0x16C00] =	vst v63  }
0x136: {  	s16 =	simm.s32 $0x10930;
	s17 =	sadd.s32 $0x60, s12;
	s15 =	simm.s32 $0x440  }
0x137: {  	[hbm4b:s17+s3] =	stream.linear.scatter [tilespmem:s16], [sflag:$0x6], $0x80, $0x38;
	[tilespmem:$0x16C00] =	vst v63  }
0x138: {  	s9 =	sadd.s32 $0x70, s12;
	s17 =	simm.s32 $0x2200;
	s16 =	sadd.s32 $0x1000, s12  }
.LBB2_9:
0x139: {  	[hbm4b:s9+s3] =	stream.linear.scatter [tilespmem:s6], [sflag:$0x6], $0x80, $0x38;
	[tilespmem:$0x16C00] =	vst v63  }
0x13a: {  	s6 =	smov.u32 s15;
	s9 =	smov.u32 s17  }
0x13b: {  	s12 =	sadd.s32 $0x1100, s17;
	s15 =	sshra.s32 s9, $0x2;
	s9 =	sadd.s32 $0x10600, s6  }
0x13c: {  	[hbm4b:s16+s3] =	stream.linear.scatter [tilespmem:s9], [sflag:$0x6], $0x80, $0x38;
	[tilespmem:$0x16C00] =	vst v63  }
0x13d: {  	p2 =	sne.s32 s17, $0x7700;
	s17 =	sadd.s32 $0x10, s16;
	s9 =	sadd.s32 $0x10688, s6  }
0x13e: {  	[hbm4b:s17+s3] =	stream.linear.scatter [tilespmem:s9], [sflag:$0x6], $0x80, $0x38;
	[tilespmem:$0x16C00] =	vst v63  }
0x13f: {  	s9 =	sadd.s32 $0x10710, s6;
	s17 =	sadd.s32 $0x20, s16  }
0x140: {  	[hbm4b:s17+s3] =	stream.linear.scatter [tilespmem:s9], [sflag:$0x6], $0x80, $0x38;
	[tilespmem:$0x16C00] =	vst v63  }
0x141: {  	s9 =	sadd.s32 $0x10798, s6;
	s17 =	sadd.s32 $0x30, s16  }
0x142: {  	[hbm4b:s17+s3] =	stream.linear.scatter [tilespmem:s9], [sflag:$0x6], $0x80, $0x38;
	[tilespmem:$0x16C00] =	vst v63  }
0x143: {  	s9 =	sadd.s32 $0x10820, s6;
	s17 =	sadd.s32 $0x40, s16  }
0x144: {  	[hbm4b:s17+s3] =	stream.linear.scatter [tilespmem:s9], [sflag:$0x6], $0x80, $0x38;
	[tilespmem:$0x16C00] =	vst v63  }
.Ltmp3:
0x145: {  	s9 =	sadd.s32 $0x108A8, s6;
	s17 =	sadd.s32 $0x50, s16;
	(pc) =	sbr.rel @p2 .LBB2_9-.Ltmp3, $4  }
0x146: {  	[hbm4b:s17+s3] =	stream.linear.scatter [tilespmem:s9], [sflag:$0x6], $0x80, $0x38;
	[tilespmem:$0x16C00] =	vst v63  }
0x147: {  	s9 =	sadd.s32 $0x10930, s6;
	s17 =	sadd.s32 $0x60, s16;
	s6 =	sadd.s32 $0x109B8, s6  }
0x148: {  	[hbm4b:s17+s3] =	stream.linear.scatter [tilespmem:s9], [sflag:$0x6], $0x80, $0x38;
	[tilespmem:$0x16C00] =	vst v63  }
0x149: {  	s9 =	sadd.s32 $0x70, s16;
	s16 =	sadd.s32 $0x1000, s16;
	s17 =	smov.u32 s12  }
0x14a: {  	[hbm4b:s9+s3] =	stream.linear.scatter [tilespmem:s6], [sflag:$0x6], $0x80, $0x38;
	[tilespmem:$0x16C00] =	vst v63  }
0x14b: {  	s9 =	sadd.s32 $0x10600, s15  }
0x14c: {  	[hbm4b:s16+s3] =	stream.linear.scatter [tilespmem:s9], [sflag:$0x6], $0x80, $0x38;
	[tilespmem:$0x16C00] =	vst v63  }
0x14d: {  	s12 =	sadd.s32 $0x10688, s15;
	s17 =	sadd.s32 $0x10, s16  }
0x14e: {  	[hbm4b:s17+s3] =	stream.linear.scatter [tilespmem:s12], [sflag:$0x6], $0x80, $0x38;
	[tilespmem:$0x16C00] =	vst v63  }
0x14f: {  	s12 =	sadd.s32 $0x10710, s15;
	s17 =	sadd.s32 $0x20, s16  }
0x150: {  	[hbm4b:s17+s3] =	stream.linear.scatter [tilespmem:s12], [sflag:$0x6], $0x80, $0x38;
	[tilespmem:$0x16C00] =	vst v63  }
0x151: {  	s6 =	sadd.s32 @!p0 $0xA00, s11;
	s12 =	sadd.s32 $0x10798, s15;
	s17 =	sadd.s32 $0x30, s16  }
0x152: {  	[hbm4b:s17+s3] =	stream.linear.scatter [tilespmem:s12], [sflag:$0x6], $0x80, $0x38;
	[tilespmem:$0x16C00] =	vst v63  }
0x153: {  	s6 =	sand.u32 @!p0 $0x3FA00, s6;
	s12 =	sadd.s32 $0x10820, s15;
	s17 =	sadd.s32 $0x40, s16  }
0x154: {  	[hbm4b:s17+s3] =	stream.linear.scatter [tilespmem:s12], [sflag:$0x6], $0x80, $0x38;
	[tilespmem:$0x16C00] =	vst v63  }
0x155: {  	s9 =	sadd.s32 $0x10930, s15;
	s12 =	sadd.s32 $0x108A8, s15;
	s17 =	sadd.s32 $0x50, s16  }
0x156: {  	[hbm4b:s17+s3] =	stream.linear.scatter [tilespmem:s12], [sflag:$0x6], $0x80, $0x38;
	[tilespmem:$0x16C00] =	vst v63  }
0x157: {  	s12 =	sadd.s32 $0x60, s16;
	s17 =	sadd.s32 $0x70, s16;
	s16 =	simm.s32 $0x2  }
0x158: {  	[hbm4b:s12+s3] =	stream.linear.scatter [tilespmem:s9], [sflag:$0x6], $0x80, $0x38;
	[tilespmem:$0x16C00] =	vst v63  }
0x159: {  	s6 =	sshrl.u32 @!p0 s6, $0x2;
	s15 =	sadd.s32 $0x109B8, s15;
	v35 =	vmov s16;
	s16 =	simm.s32 $0x5  }
0x15a: {  	v35 =	vshrl.u32 v35, $0x3;
	[hbm4b:s17+s3] =	stream.linear.scatter [tilespmem:s15], [sflag:$0x6], $0x80, $0x38;
	[tilespmem:$0x16C00] =	vst v63  }
0x15b: {  	v39 =	vmov s16;
	v52 =	vshll.u32 v35, v1;
	s15 =	simm.s32 $0x1;
	s17 =	simm.s32 $0x3;
	_ =	swait.ge [sflag:s23], $0x2000  }
0x15c: {  	v55 =	vshrl.u32 v39, $0x3;
	v34 =	vmov s15;
	s15 =	simm.s32 $0x7;
	v36 =	vmov s17;
	s17 =	simm.s32 $0x6;
	[sflag:s23] =	ssyncset.done $0x0  }
0x15d: {  	s9 =	simm.s32 @!p0 $0x80;
	s12 =	simm.s32 @!p0 $0x8400;
	v52 =	vbroadcast v52, $0x0;
	v38 =	vmov s15;
	v40 =	vmov s17;
	[sflag:s23] =	ssyncadd.s32 $0xFFFFE000  }
0x15e: {  	v34 =	vshrl.u32 v34, $0x3;
	v36 =	vshrl.u32 v36, $0x3;
	v38 =	vshrl.u32 v38, $0x3;
	[tilespmem:s12], [sflag:$0x2] =	stream.indirect.gather @!p0 [hbm4b:s5+s9], $0x40, s6, s9, $0xb8;
	[tilespmem:$0x16C00] =	vst v63  }
0x15f: {  	v49 =	vadd.s32 v9, v52;
	v34 =	vshll.u32 v34, v1;
	v38 =	vshll.u32 v38, v1;
	_ =	swait.ge @p1 [sflag:s30], $0x2000  }
0x160: {  	v53 =	vshll.u32 v36, v1;
	v36 =	vshll.u32 v55, v1;
	s12 =	simm.s32 $0x0;
	v38 =	vbroadcast v38, $0x0;
	[sflag:s30] =	ssyncset.done @p1 $0x0  }
0x161: {  	s15 =	simm.s32 $0xA5F0;
	v40 =	vshrl.u32 v40, $0x3;
	v45 =	vbroadcast v34, $0x0;
	v33 =	vmov s12;
	[sflag:s30] =	ssyncadd.s32 @p1 $0xFFFFE000  }
0x162: {  	v35 =	vbroadcast v53, $0x0;
	s12 =	simm.s32 $0x4;
	v33 =	vshrl.u32 v33, $0x3;
	v42 =	vadd.s32 v29, v38;
	v41 =	vld [tilespmem:s15+$0xFFFFFFD0]  }
0x163: {  	v37 =	vmov s12;
	v47 =	vadd.s32 v5, v45;
	v33 =	vshll.u32 v33, v1;
	v46 =	vld [tilespmem:s15+$0xFFFFFE50]  }
0x164: {  	v56 =	vshll.u32 v40, v1;
	v37 =	vshrl.u32 v37, $0x3;
	v33 =	vbroadcast v33, $0x0;
	v48 =	vld [tilespmem:s15+$0xFFFFFE90]  }
0x165: {  	v50 =	vadd.s32 v13, v35;
	v54 =	vshll.u32 v37, v1;
	v39 =	vld [tilespmem:s15+$0xFFFFFED0];
	v37 =	vbroadcast v36, $0x0  }
0x166: {  	v43 =	vld [tilespmem:s15+$0xFFFFFE10];
	v36 =	vbroadcast v56, $0x0;
	v44 =	vadd.s32 v0, v33  }
0x167: {  	v59 =	vld [tilespmem:s15+$0xFFFFFF50];
	v34 =	vbroadcast v54, $0x0;
	v60 =	vadd.s32 v21, v37;
	[tilespmem:v42+s24+$0x0] =	vst.idx.msk $0xffff, v41  }
0x168: {  	v61 =	vld [tilespmem:s15+$0xFFFFFF90];
	v62 =	vadd.s32 v25, v36;
	[tilespmem:v47+s24+$0x0] =	vst.idx.msk $0xffff, v46  }
0x169: {  	v51 =	vld [tilespmem:s15+$0xFFFFFF10];
	v53 =	vadd.s32 v17, v34;
	[tilespmem:v49+s24+$0x0] =	vst.idx.msk $0xffff, v48  }
0x16a: {  	v58 =	vadd.s32 v30, v38;
	[tilespmem:v50+s24+$0x0] =	vst.idx.msk $0xffff, v39;
	v57 =	vld [tilespmem:s15+$0xFFFFFFE0]  }
0x16b: {  	v63 =	vadd.s32 v6, v45;
	v47 =	vld [tilespmem:s15+$0xFFFFFE60];
	[tilespmem:v44+s24+$0x0] =	vst.idx.msk $0xffff, v43  }
0x16c: {  	v55 =	vadd.s32 v10, v52;
	v54 =	vld [tilespmem:s15+$0xFFFFFEA0];
	[tilespmem:v60+s24+$0x0] =	vst.idx.msk $0xffff, v59  }
0x16d: {  	v56 =	vadd.s32 v14, v35;
	v50 =	vld [tilespmem:s15+$0xFFFFFEE0];
	[tilespmem:v62+s24+$0x0] =	vst.idx.msk $0xffff, v61  }
0x16e: {  	v46 =	vadd.s32 v22, v37;
	[tilespmem:v53+s24+$0x0] =	vst.idx.msk $0xffff, v51;
	v44 =	vld [tilespmem:s15+$0xFFFFFF60]  }
0x16f: {  	v59 =	vadd.s32 v18, v34;
	[tilespmem:v58+s24+$0x0] =	vst.idx.msk $0xffff, v57;
	v58 =	vld [tilespmem:s15+$0xFFFFFF20]  }
0x170: {  	v57 =	vadd.s32 v31, v38;
	[tilespmem:v63+s24+$0x0] =	vst.idx.msk $0xffff, v47;
	v40 =	vld [tilespmem:s15+$0xFFFFFFF0]  }
0x171: {  	v62 =	vadd.s32 v2, v33;
	v61 =	vld [tilespmem:s15+$0xFFFFFE20];
	[tilespmem:v55+s24+$0x0] =	vst.idx.msk $0xffff, v54  }
0x172: {  	v60 =	vadd.s32 v26, v36;
	v63 =	vld [tilespmem:s15+$0xFFFFFFA0];
	[tilespmem:v56+s24+$0x0] =	vst.idx.msk $0xffff, v50  }
0x173: {  	v51 =	vadd.s32 v7, v45;
	v50 =	vld [tilespmem:s15+$0xFFFFFE70];
	[tilespmem:v46+s24+$0x0] =	vst.idx.msk $0xffff, v44  }
0x174: {  	v56 =	vadd.s32 v11, v52;
	v55 =	vld [tilespmem:s15+$0xFFFFFEB0];
	[tilespmem:v59+s24+$0x0] =	vst.idx.msk $0xffff, v58  }
0x175: {  	v58 =	vadd.s32 v15, v35;
	[tilespmem:v57+s24+$0x0] =	vst.idx.msk $0xffff, v40;
	v57 =	vld [tilespmem:s15+$0xFFFFFEF0]  }
0x176: {  	v38 =	vadd.s32 v32, v38;
	[tilespmem:v62+s24+$0x0] =	vst.idx.msk $0xffff, v61;
	v54 =	vld [tilespmem:s15+$0x0]  }
0x177: {  	s12 =	simm.s32 $0x9;
	[tilespmem:v60+s24+$0x0] =	vst.idx.msk $0xffff, v63;
	v60 =	vadd.s32 v19, v34;
	v59 =	vld [tilespmem:s15+$0xFFFFFF30]  }
0x178: {  	v41 =	vadd.s32 v23, v37;
	v53 =	vmov s12;
	s12 =	simm.s32 $0xC;
	[tilespmem:v51+s24+$0x0] =	vst.idx.msk $0xffff, v50;
	v40 =	vld [tilespmem:s15+$0xFFFFFF70]  }
0x179: {  	s17 =	simm.s32 $0xB;
	s9 =	simm.s32 $0x8;
	v48 =	vadd.s32 v3, v33;
	v43 =	vadd.s32 v27, v36;
	v47 =	vmov s12;
	v42 =	vld [tilespmem:s15+$0xFFFFFFB0];
	[tilespmem:v56+s24+$0x0] =	vst.idx.msk $0xffff, v55  }
0x17a: {  	s16 =	simm.s32 $0xA;
	v52 =	vadd.s32 v12, v52;
	v44 =	vmov s17;
	v46 =	vld [tilespmem:s15+$0xFFFFFE30];
	v63 =	vmov s9;
	[tilespmem:v58+s24+$0x0] =	vst.idx.msk $0xffff, v57  }
0x17b: {  	s17 =	simm.s32 $0xE;
	v39 =	vshrl.u32 v63, $0x3;
	v51 =	vadd.s32 v8, v45;
	v49 =	vld [tilespmem:s15+$0xFFFFFE80];
	[tilespmem:v38+s24+$0x0] =	vst.idx.msk $0xffff, v54;
	v54 =	vmov s16;
	s16 =	simm.s32 $0xD  }
0x17c: {  	v45 =	vshll.u32 v39, v1;
	v39 =	vmov s17;
	s17 =	simm.s32 $0xF;
	v50 =	vld [tilespmem:s15+$0xFFFFFEC0];
	[tilespmem:v60+s24+$0x0] =	vst.idx.msk $0xffff, v59;
	v38 =	vmov s16;
	s16 =	simm.s32 $0x10  }
.LBB2_11:
0x17d: {  	p2 =	slt.u32 s16, $0x78;
	v53 =	vshrl.u32 v53, $0x3;
	v55 =	vmov s17;
	v56 =	vld [tilespmem:s15+$0xFFFFFF00];
	v35 =	vadd.s32 v16, v35;
	[tilespmem:v41+s24+$0x0] =	vst.idx.msk $0xffff, v40  }
0x17e: {  	v40 =	vshrl.u32 v54, $0x3;
	v34 =	vadd.s32 v20, v34;
	v41 =	vshrl.u32 v55, $0x3;
	v54 =	vld [tilespmem:s15+$0xFFFFFF40];
	[tilespmem:v43+s24+$0x0] =	vst.idx.msk $0xffff, v42  }
0x17f: {  	v37 =	vadd.s32 v24, v37;
	v42 =	vshrl.u32 v44, $0x3;
	v41 =	vshll.u32 v41, v1;
	[tilespmem:v48+s24+$0x0] =	vst.idx.msk $0xffff, v46;
	v43 =	vld [tilespmem:s15+$0xFFFFFF80]  }
0x180: {  	v36 =	vadd.s32 v28, v36;
	v44 =	vshrl.u32 v47, $0x3;
	v41 =	vbroadcast v41, $0x0;
	[tilespmem:v51+s24+$0x0] =	vst.idx.msk $0xffff, v49;
	v46 =	vld [tilespmem:s15+$0xFFFFFFC0]  }
0x181: {  	v47 =	vshll.u32 v53, v1;
	v49 =	vadd.s32 v4, v33;
	v33 =	vbroadcast v45, $0x0;
	v48 =	vld [tilespmem:s15+$0xFFFFFE40];
	[tilespmem:v52+s24+$0x0] =	vst.idx.msk $0xffff, v50;
	s15 =	sadd.s32 $0x200, s15  }
0x182: {  	v40 =	vshll.u32 v40, v1;
	v45 =	vbroadcast v47, $0x0;
	v47 =	vld [tilespmem:s15+$0xFFFFFFD0];
	v50 =	vadd.s32 v29, v41;
	[tilespmem:v35+s24+$0x0] =	vst.idx.msk $0xffff, v56  }
0x183: {  	v55 =	vbroadcast v40, $0x0;
	v52 =	vadd.s32 v0, v33;
	v35 =	vshll.u32 v42, v1;
	v51 =	vld [tilespmem:s15+$0xFFFFFE10];
	[tilespmem:v34+s24+$0x0] =	vst.idx.msk $0xffff, v54  }
0x184: {  	v42 =	vadd.s32 v5, v45;
	v35 =	vbroadcast v35, $0x0;
	v34 =	vshll.u32 v44, v1;
	v40 =	vld [tilespmem:s15+$0xFFFFFE50];
	[tilespmem:v37+s24+$0x0] =	vst.idx.msk $0xffff, v43  }
0x185: {  	v44 =	vadd.s32 v9, v55;
	v34 =	vbroadcast v34, $0x0;
	v37 =	vshrl.u32 v38, $0x3;
	v43 =	vld [tilespmem:s15+$0xFFFFFE90];
	[tilespmem:v36+s24+$0x0] =	vst.idx.msk $0xffff, v46  }
0x186: {  	v39 =	vshrl.u32 v39, $0x3;
	v46 =	vadd.s32 v13, v35;
	v36 =	vshll.u32 v37, v1;
	v38 =	vld [tilespmem:s15+$0xFFFFFED0];
	[tilespmem:v49+s24+$0x0] =	vst.idx.msk $0xffff, v48  }
0x187: {  	v49 =	vadd.s32 v17, v34;
	v37 =	vbroadcast v36, $0x0;
	v36 =	vshll.u32 v39, v1;
	v48 =	vld [tilespmem:s15+$0xFFFFFF10];
	[tilespmem:v50+s24+$0x0] =	vst.idx.msk $0xffff, v47  }
0x188: {  	v36 =	vbroadcast v36, $0x0;
	v47 =	vadd.s32 v30, v41;
	[tilespmem:v52+s24+$0x0] =	vst.idx.msk $0xffff, v51;
	v39 =	vld [tilespmem:s15+$0xFFFFFFE0]  }
0x189: {  	[tilespmem:v42+s24+$0x0] =	vst.idx.msk $0xffff, v40;
	v40 =	vld [tilespmem:s15+$0xFFFFFF50];
	v42 =	vadd.s32 v21, v37  }
0x18a: {  	[tilespmem:v44+s24+$0x0] =	vst.idx.msk $0xffff, v43;
	v43 =	vld [tilespmem:s15+$0xFFFFFF90];
	v44 =	vadd.s32 v25, v36  }
0x18b: {  	v51 =	vadd.s32 v6, v45;
	v50 =	vld [tilespmem:s15+$0xFFFFFE60];
	[tilespmem:v46+s24+$0x0] =	vst.idx.msk $0xffff, v38  }
0x18c: {  	v46 =	vadd.s32 v10, v55;
	v38 =	vld [tilespmem:s15+$0xFFFFFEA0];
	[tilespmem:v49+s24+$0x0] =	vst.idx.msk $0xffff, v48  }
0x18d: {  	v49 =	vadd.s32 v14, v35;
	v48 =	vld [tilespmem:s15+$0xFFFFFEE0];
	[tilespmem:v47+s24+$0x0] =	vst.idx.msk $0xffff, v39  }
0x18e: {  	[tilespmem:v42+s24+$0x0] =	vst.idx.msk $0xffff, v40;
	v39 =	vld [tilespmem:s15+$0xFFFFFFF0];
	v40 =	vadd.s32 v31, v41  }
0x18f: {  	v47 =	vadd.s32 v18, v34;
	v42 =	vld [tilespmem:s15+$0xFFFFFF20];
	[tilespmem:v44+s24+$0x0] =	vst.idx.msk $0xffff, v43  }
0x190: {  	v44 =	vadd.s32 v22, v37;
	[tilespmem:v51+s24+$0x0] =	vst.idx.msk $0xffff, v50;
	v43 =	vld [tilespmem:s15+$0xFFFFFF60]  }
0x191: {  	[tilespmem:v46+s24+$0x0] =	vst.idx.msk $0xffff, v38;
	v38 =	vld [tilespmem:s15+$0xFFFFFFA0];
	v46 =	vadd.s32 v26, v36  }
0x192: {  	v51 =	vadd.s32 v2, v33;
	v50 =	vld [tilespmem:s15+$0xFFFFFE20];
	[tilespmem:v49+s24+$0x0] =	vst.idx.msk $0xffff, v48  }
0x193: {  	v49 =	vadd.s32 v7, v45;
	v48 =	vld [tilespmem:s15+$0xFFFFFE70];
	[tilespmem:v40+s24+$0x0] =	vst.idx.msk $0xffff, v39  }
0x194: {  	[tilespmem:v47+s24+$0x0] =	vst.idx.msk $0xffff, v42;
	v39 =	vld [tilespmem:s15+$0x0];
	v47 =	vadd.s32 v32, v41  }
0x195: {  	v56 =	vadd.s32 v11, v55;
	v52 =	vld [tilespmem:s15+$0xFFFFFEB0];
	[tilespmem:v44+s24+$0x0] =	vst.idx.msk $0xffff, v43  }
0x196: {  	v58 =	vadd.s32 v15, v35;
	v57 =	vld [tilespmem:s15+$0xFFFFFEF0];
	[tilespmem:v46+s24+$0x0] =	vst.idx.msk $0xffff, v38  }
0x197: {  	v60 =	vadd.s32 v19, v34;
	[tilespmem:v51+s24+$0x0] =	vst.idx.msk $0xffff, v50;
	v59 =	vld [tilespmem:s15+$0xFFFFFF30]  }
.Ltmp4:
0x198: {  	s6 =	sadd.s32 $0x1, s16;
	v41 =	vadd.s32 v23, v37;
	v38 =	vmov s16;
	[tilespmem:v49+s24+$0x0] =	vst.idx.msk $0xffff, v48;
	v40 =	vld [tilespmem:s15+$0xFFFFFF70];
	(pc) =	sbr.rel @p2 .LBB2_11-.Ltmp4, $4  }
0x199: {  	s9 =	sadd.s32 $0x3, s16;
	v53 =	vmov s6;
	s6 =	sadd.s32 $0x2, s16;
	v43 =	vadd.s32 v27, v36;
	v50 =	vshrl.u32 v38, $0x3;
	v42 =	vld [tilespmem:s15+$0xFFFFFFB0];
	[tilespmem:v47+s24+$0x0] =	vst.idx.msk $0xffff, v39  }
0x19a: {  	v54 =	vmov s6;
	s6 =	sadd.s32 $0x4, s16;
	v44 =	vmov s9;
	s9 =	sadd.s32 $0x5, s16;
	v48 =	vadd.s32 v3, v33;
	v46 =	vld [tilespmem:s15+$0xFFFFFE30];
	[tilespmem:v56+s24+$0x0] =	vst.idx.msk $0xffff, v52  }
0x19b: {  	v38 =	vmov s9;
	v51 =	vadd.s32 v8, v45;
	v47 =	vmov s6;
	s6 =	sadd.s32 $0x6, s16;
	v49 =	vld [tilespmem:s15+$0xFFFFFE80];
	[tilespmem:v58+s24+$0x0] =	vst.idx.msk $0xffff, v57  }
0x19c: {  	s17 =	sadd.s32 $0x7, s16;
	v45 =	vshll.u32 v50, v1;
	s16 =	sadd.s32 $0x8, s16;
	v39 =	vmov s6;
	v52 =	vadd.s32 v12, v55;
	v50 =	vld [tilespmem:s15+$0xFFFFFEC0];
	[tilespmem:v60+s24+$0x0] =	vst.idx.msk $0xffff, v59  }
0x19d: {  	_ =	sdelay $0x2  }
0x19e: {  	v53 =	vshrl.u32 v53, $0x3  }
0x19f: {  	v55 =	vmov s17;
	v56 =	vld [tilespmem:s15+$0xFFFFFF00];
	v35 =	vadd.s32 v16, v35;
	[tilespmem:v41+s24+$0x0] =	vst.idx.msk $0xffff, v40;
	v57 =	vshrl.u32 v54, $0x3  }
0x1a0: {  	v59 =	vld [tilespmem:s15+$0xFFFFFF40];
	v34 =	vadd.s32 v20, v34;
	v60 =	vshrl.u32 v44, $0x3;
	v58 =	vshrl.u32 v55, $0x3;
	[tilespmem:v43+s24+$0x0] =	vst.idx.msk $0xffff, v42  }
0x1a1: {  	v37 =	vadd.s32 v24, v37;
	v62 =	vshrl.u32 v47, $0x3;
	v61 =	vld [tilespmem:s15+$0xFFFFFF80];
	v41 =	vshll.u32 v58, v1;
	[tilespmem:v48+s24+$0x0] =	vst.idx.msk $0xffff, v46  }
0x1a2: {  	v36 =	vadd.s32 v28, v36;
	v45 =	vbroadcast v45, $0x0;
	v63 =	vld [tilespmem:s15+$0xFFFFFFC0];
	v41 =	vbroadcast v41, $0x0;
	[tilespmem:v51+s24+$0x0] =	vst.idx.msk $0xffff, v49  }
0x1a3: {  	v33 =	vadd.s32 v4, v33;
	s12 =	sadd.s32 $0x200, s15;
	v38 =	vshrl.u32 v38, $0x3;
	v55 =	vshll.u32 v53, v1;
	v48 =	vld [tilespmem:s15+$0xFFFFFE40];
	[tilespmem:v52+s24+$0x0] =	vst.idx.msk $0xffff, v50  }
0x1a4: {  	v40 =	vshll.u32 v57, v1;
	v47 =	vbroadcast v55, $0x0;
	v49 =	vld [tilespmem:s12+$0xFFFFFFD0];
	v50 =	vadd.s32 v29, v41;
	[tilespmem:v35+s24+$0x0] =	vst.idx.msk $0xffff, v56  }
0x1a5: {  	v42 =	vshll.u32 v60, v1;
	v40 =	vbroadcast v40, $0x0;
	v35 =	vld [tilespmem:s12+$0xFFFFFE10];
	v56 =	vadd.s32 v0, v45;
	[tilespmem:v34+s24+$0x0] =	vst.idx.msk $0xffff, v59  }
0x1a6: {  	v57 =	vld [tilespmem:s12+$0xFFFFFE50];
	v44 =	vshll.u32 v62, v1;
	v42 =	vbroadcast v42, $0x0;
	v58 =	vadd.s32 v5, v47;
	[tilespmem:v37+s24+$0x0] =	vst.idx.msk $0xffff, v61  }
0x1a7: {  	v38 =	vshll.u32 v38, v1;
	v44 =	vbroadcast v44, $0x0;
	v60 =	vadd.s32 v9, v40;
	v59 =	vld [tilespmem:s12+$0xFFFFFE90];
	[tilespmem:v36+s24+$0x0] =	vst.idx.msk $0xffff, v63  }
0x1a8: {  	v38 =	vbroadcast v38, $0x0;
	v62 =	vadd.s32 v13, v42;
	v61 =	vld [tilespmem:s12+$0xFFFFFED0];
	[tilespmem:v33+s24+$0x0] =	vst.idx.msk $0xffff, v48  }
0x1a9: {  	v39 =	vshrl.u32 v39, $0x3;
	v63 =	vadd.s32 v17, v44;
	v33 =	vld [tilespmem:s12+$0xFFFFFF10];
	[tilespmem:v50+s24+$0x0] =	vst.idx.msk $0xffff, v49  }
0x1aa: {  	v39 =	vshll.u32 v39, v1;
	v34 =	vld [tilespmem:s12+$0xFFFFFF50];
	[tilespmem:v56+s24+$0x0] =	vst.idx.msk $0xffff, v35;
	v56 =	vadd.s32 v21, v38  }
0x1ab: {  	[tilespmem:v58+s24+$0x0] =	vst.idx.msk $0xffff, v57;
	v35 =	vbroadcast v39, $0x0;
	v49 =	vadd.s32 v30, v41;
	v39 =	vld [tilespmem:s12+$0xFFFFFFE0]  }
0x1ac: {  	[tilespmem:v60+s24+$0x0] =	vst.idx.msk $0xffff, v59;
	v59 =	vld [tilespmem:s12+$0xFFFFFE60];
	v60 =	vadd.s32 v6, v47  }
0x1ad: {  	v57 =	vld [tilespmem:s12+$0xFFFFFF90];
	[tilespmem:v62+s24+$0x0] =	vst.idx.msk $0xffff, v61;
	v58 =	vadd.s32 v25, v35  }
0x1ae: {  	v61 =	vld [tilespmem:s12+$0xFFFFFEA0];
	v62 =	vadd.s32 v10, v40;
	[tilespmem:v63+s24+$0x0] =	vst.idx.msk $0xffff, v33  }
0x1af: {  	v33 =	vld [tilespmem:s12+$0xFFFFFEE0];
	v63 =	vadd.s32 v14, v42;
	[tilespmem:v56+s24+$0x0] =	vst.idx.msk $0xffff, v34  }
0x1b0: {  	v56 =	vadd.s32 v18, v44;
	[tilespmem:v49+s24+$0x0] =	vst.idx.msk $0xffff, v39;
	v49 =	vld [tilespmem:s12+$0xFFFFFF20]  }
0x1b1: {  	[tilespmem:v60+s24+$0x0] =	vst.idx.msk $0xffff, v59;
	v39 =	vadd.s32 v31, v41;
	v34 =	vld [tilespmem:s12+$0xFFFFFFF0]  }
0x1b2: {  	[tilespmem:v58+s24+$0x0] =	vst.idx.msk $0xffff, v57;
	v57 =	vld [tilespmem:s12+$0xFFFFFF60];
	v58 =	vadd.s32 v22, v38  }
0x1b3: {  	[tilespmem:v62+s24+$0x0] =	vst.idx.msk $0xffff, v61;
	v61 =	vld [tilespmem:s12+$0xFFFFFE20];
	v62 =	vadd.s32 v2, v45  }
0x1b4: {  	v60 =	vadd.s32 v26, v35;
	v59 =	vld [tilespmem:s12+$0xFFFFFFA0];
	[tilespmem:v63+s24+$0x0] =	vst.idx.msk $0xffff, v33  }
0x1b5: {  	v55 =	vadd.s32 v11, v40;
	v54 =	vadd.s32 v32, v41;
	v41 =	vld [tilespmem:s12+$0xFFFFFEB0];
	[tilespmem:v56+s24+$0x0] =	vst.idx.msk $0xffff, v49  }
0x1b6: {  	v53 =	vadd.s32 v7, v47;
	v63 =	vld [tilespmem:s12+$0xFFFFFE70];
	[tilespmem:v39+s24+$0x0] =	vst.idx.msk $0xffff, v34  }
0x1b7: {  	v56 =	vld [tilespmem:s12+$0xFFFFFEF0];
	[tilespmem:v58+s24+$0x0] =	vst.idx.msk $0xffff, v57;
	v57 =	vadd.s32 v15, v42  }
0x1b8: {  	[tilespmem:v62+s24+$0x0] =	vst.idx.msk $0xffff, v61;
	v34 =	vld [tilespmem:s12+$0x0]  }
0x1b9: {  	v58 =	vld [tilespmem:s12+$0xFFFFFF30];
	[tilespmem:v60+s24+$0x0] =	vst.idx.msk $0xffff, v59;
	v59 =	vadd.s32 v19, v44  }
0x1ba: {  	v61 =	vadd.s32 v23, v38;
	[tilespmem:v55+s24+$0x0] =	vst.idx.msk $0xffff, v41;
	v60 =	vld [tilespmem:s12+$0xFFFFFF70]  }
0x1bb: {  	[tilespmem:v53+s24+$0x0] =	vst.idx.msk $0xffff, v63;
	v63 =	vadd.s32 v27, v35;
	v62 =	vld [tilespmem:s12+$0xFFFFFFB0]  }
0x1bc: {  	v47 =	vadd.s32 v8, v47;
	v55 =	vld [tilespmem:s12+$0xFFFFFE80];
	[tilespmem:v57+s24+$0x0] =	vst.idx.msk $0xffff, v56  }
0x1bd: {  	v53 =	vld [tilespmem:s12+$0xFFFFFE30];
	[tilespmem:v54+s24+$0x0] =	vst.idx.msk $0xffff, v34;
	v54 =	vadd.s32 v3, v45  }
0x1be: {  	v40 =	vadd.s32 v12, v40;
	v56 =	vld [tilespmem:s12+$0xFFFFFEC0];
	[tilespmem:v59+s24+$0x0] =	vst.idx.msk $0xffff, v58  }
0x1bf: {  	v42 =	vadd.s32 v16, v42;
	v57 =	vld [tilespmem:s12+$0xFFFFFF00];
	[tilespmem:v61+s24+$0x0] =	vst.idx.msk $0xffff, v60  }
0x1c0: {  	v59 =	vadd.s32 v20, v44;
	v58 =	vld [tilespmem:s12+$0xFFFFFF40];
	[tilespmem:v63+s24+$0x0] =	vst.idx.msk $0xffff, v62  }
0x1c1: {  	v38 =	vadd.s32 v24, v38;
	v60 =	vld [tilespmem:s12+$0xFFFFFF80];
	[tilespmem:v47+s24+$0x0] =	vst.idx.msk $0xffff, v55  }
0x1c2: {  	v35 =	vadd.s32 v28, v35;
	v61 =	vld [tilespmem:s12+$0xFFFFFFC0];
	[tilespmem:v54+s24+$0x0] =	vst.idx.msk $0xffff, v53  }
0x1c3: {  	v63 =	vadd.s32 v4, v45;
	[tilespmem:v40+s24+$0x0] =	vst.idx.msk $0xffff, v56;
	v62 =	vld [tilespmem:s12+$0xFFFFFE40]  }
0x1c4: {  	[tilespmem:v42+s24+$0x0] =	vst.idx.msk $0xffff, v57  }
0x1c5: {  	[tilespmem:v59+s24+$0x0] =	vst.idx.msk $0xffff, v58  }
0x1c6: {  	[tilespmem:v38+s24+$0x0] =	vst.idx.msk $0xffff, v60  }
0x1c7: {  	[tilespmem:v35+s24+$0x0] =	vst.idx.msk $0xffff, v61  }
0x1c8: {  	s6 =	simm.s32 $0x12800;
	s12 =	sadd.s32 s14, s8;
	[tilespmem:v63+s24+$0x0] =	vst.idx.msk $0xffff, v62  }
0x1c9: {  	[hbm4b:s12+s3] =	stream.linear.scatter [tilespmem:s6], [sflag:$0x7], $0x80, $0x38;
	[tilespmem:$0x16C00] =	vst v63  }
0x1ca: {  	s15 =	simm.s32 $0x12888;
	s9 =	sadd.s32 $0x10, s12  }
0x1cb: {  	[hbm4b:s9+s3] =	stream.linear.scatter [tilespmem:s15], [sflag:$0x7], $0x80, $0x38;
	[tilespmem:$0x16C00] =	vst v63  }
0x1cc: {  	s16 =	simm.s32 $0x12910;
	s17 =	sadd.s32 $0x20, s12  }
0x1cd: {  	[hbm4b:s17+s3] =	stream.linear.scatter [tilespmem:s16], [sflag:$0x7], $0x80, $0x38;
	[tilespmem:$0x16C00] =	vst v63  }
0x1ce: {  	s14 =	simm.s32 $0x12998;
	s15 =	sadd.s32 $0x30, s12  }
0x1cf: {  	[hbm4b:s15+s3] =	stream.linear.scatter [tilespmem:s14], [sflag:$0x7], $0x80, $0x38;
	[tilespmem:$0x16C00] =	vst v63  }
0x1d0: {  	s16 =	simm.s32 $0x12A20;
	s17 =	sadd.s32 $0x40, s12  }
0x1d1: {  	[hbm4b:s17+s3] =	stream.linear.scatter [tilespmem:s16], [sflag:$0x7], $0x80, $0x38;
	[tilespmem:$0x16C00] =	vst v63  }
0x1d2: {  	s6 =	simm.s32 $0x12BB8;
	s14 =	simm.s32 $0x12AA8;
	s15 =	sadd.s32 $0x50, s12  }
0x1d3: {  	[hbm4b:s15+s3] =	stream.linear.scatter [tilespmem:s14], [sflag:$0x7], $0x80, $0x38;
	[tilespmem:$0x16C00] =	vst v63  }
0x1d4: {  	s9 =	sadd.s32 $0x70, s12;
	s16 =	simm.s32 $0x12B30;
	s17 =	sadd.s32 $0x60, s12  }
0x1d5: {  	[hbm4b:s17+s3] =	stream.linear.scatter [tilespmem:s16], [sflag:$0x7], $0x80, $0x38;
	[tilespmem:$0x16C00] =	vst v63  }
0x1d6: {  	s14 =	simm.s32 $0x440;
	s15 =	sadd.s32 $0x1000, s12;
	s16 =	simm.s32 $0x2200  }
.LBB2_13:
0x1d7: {  	[hbm4b:s9+s3] =	stream.linear.scatter [tilespmem:s6], [sflag:$0x7], $0x80, $0x38;
	[tilespmem:$0x16C00] =	vst v63  }
0x1d8: {  	s6 =	smov.u32 s14;
	s9 =	smov.u32 s16  }
0x1d9: {  	s12 =	sadd.s32 $0x1100, s16;
	s14 =	sshra.s32 s9, $0x2;
	s9 =	sadd.s32 $0x12800, s6  }
0x1da: {  	[hbm4b:s15+s3] =	stream.linear.scatter [tilespmem:s9], [sflag:$0x7], $0x80, $0x38;
	[tilespmem:$0x16C00] =	vst v63  }
0x1db: {  	p2 =	sne.s32 s16, $0x7700;
	s16 =	sadd.s32 $0x10, s15;
	s9 =	sadd.s32 $0x12888, s6  }
0x1dc: {  	[hbm4b:s16+s3] =	stream.linear.scatter [tilespmem:s9], [sflag:$0x7], $0x80, $0x38;
	[tilespmem:$0x16C00] =	vst v63  }
0x1dd: {  	s9 =	sadd.s32 $0x12910, s6;
	s16 =	sadd.s32 $0x20, s15  }
0x1de: {  	[hbm4b:s16+s3] =	stream.linear.scatter [tilespmem:s9], [sflag:$0x7], $0x80, $0x38;
	[tilespmem:$0x16C00] =	vst v63  }
0x1df: {  	s9 =	sadd.s32 $0x12998, s6;
	s16 =	sadd.s32 $0x30, s15  }
0x1e0: {  	[hbm4b:s16+s3] =	stream.linear.scatter [tilespmem:s9], [sflag:$0x7], $0x80, $0x38;
	[tilespmem:$0x16C00] =	vst v63  }
0x1e1: {  	s9 =	sadd.s32 $0x12A20, s6;
	s16 =	sadd.s32 $0x40, s15  }
0x1e2: {  	[hbm4b:s16+s3] =	stream.linear.scatter [tilespmem:s9], [sflag:$0x7], $0x80, $0x38;
	[tilespmem:$0x16C00] =	vst v63  }
.Ltmp5:
0x1e3: {  	s9 =	sadd.s32 $0x12AA8, s6;
	s16 =	sadd.s32 $0x50, s15;
	(pc) =	sbr.rel @p2 .LBB2_13-.Ltmp5, $4  }
0x1e4: {  	[hbm4b:s16+s3] =	stream.linear.scatter [tilespmem:s9], [sflag:$0x7], $0x80, $0x38;
	[tilespmem:$0x16C00] =	vst v63  }
0x1e5: {  	s9 =	sadd.s32 $0x12B30, s6;
	s16 =	sadd.s32 $0x60, s15;
	s6 =	sadd.s32 $0x12BB8, s6  }
0x1e6: {  	[hbm4b:s16+s3] =	stream.linear.scatter [tilespmem:s9], [sflag:$0x7], $0x80, $0x38;
	[tilespmem:$0x16C00] =	vst v63  }
0x1e7: {  	s9 =	sadd.s32 $0x70, s15;
	s15 =	sadd.s32 $0x1000, s15;
	s16 =	smov.u32 s12  }
0x1e8: {  	[hbm4b:s9+s3] =	stream.linear.scatter [tilespmem:s6], [sflag:$0x7], $0x80, $0x38;
	[tilespmem:$0x16C00] =	vst v63  }
0x1e9: {  	s17 =	sadd.s32 $0x12800, s14  }
0x1ea: {  	[hbm4b:s15+s3] =	stream.linear.scatter [tilespmem:s17], [sflag:$0x7], $0x80, $0x38;
	[tilespmem:$0x16C00] =	vst v63  }
0x1eb: {  	s9 =	sadd.s32 $0x12888, s14;
	s12 =	sadd.s32 $0x10, s15  }
0x1ec: {  	[hbm4b:s12+s3] =	stream.linear.scatter [tilespmem:s9], [sflag:$0x7], $0x80, $0x38;
	[tilespmem:$0x16C00] =	vst v63  }
0x1ed: {  	s16 =	sadd.s32 $0x12910, s14;
	s6 =	sadd.s32 @!p0 $0xC00, s11;
	s17 =	sadd.s32 $0x20, s15  }
0x1ee: {  	[hbm4b:s17+s3] =	stream.linear.scatter [tilespmem:s16], [sflag:$0x7], $0x80, $0x38;
	[tilespmem:$0x16C00] =	vst v63  }
0x1ef: {  	s11 =	simm.s32 @!p0 $0xA400;
	s9 =	sadd.s32 $0x12998, s14;
	s12 =	sadd.s32 $0x30, s15  }
0x1f0: {  	[hbm4b:s12+s3] =	stream.linear.scatter [tilespmem:s9], [sflag:$0x7], $0x80, $0x38;
	[tilespmem:$0x16C00] =	vst v63  }
0x1f1: {  	s16 =	sadd.s32 $0x12A20, s14;
	s17 =	sadd.s32 $0x40, s15;
	s9 =	sadd.s32 $0x12AA8, s14  }
0x1f2: {  	[hbm4b:s17+s3] =	stream.linear.scatter [tilespmem:s16], [sflag:$0x7], $0x80, $0x38;
	[tilespmem:$0x16C00] =	vst v63  }
0x1f3: {  	s12 =	sadd.s32 $0x50, s15;
	s16 =	sadd.s32 $0x12B30, s14;
	s17 =	sadd.s32 $0x60, s15  }
0x1f4: {  	[hbm4b:s12+s3] =	stream.linear.scatter [tilespmem:s9], [sflag:$0x7], $0x80, $0x38;
	[tilespmem:$0x16C00] =	vst v63  }
0x1f5: {  	s12 =	sadd.s32 $0x12BB8, s14;
	s14 =	sadd.s32 $0x70, s15;
	s15 =	simm.s32 $0x0  }
0x1f6: {  	[hbm4b:s17+s3] =	stream.linear.scatter [tilespmem:s16], [sflag:$0x7], $0x80, $0x38;
	[tilespmem:$0x16C00] =	vst v63  }
0x1f7: {  	s6 =	sand.u32 @!p0 $0x3FC00, s6;
	v33 =	vmov s15;
	s15 =	simm.s32 $0x5;
	s16 =	simm.s32 $0x1  }
0x1f8: {  	[hbm4b:s14+s3] =	stream.linear.scatter [tilespmem:s12], [sflag:$0x7], $0x80, $0x38;
	[tilespmem:$0x16C00] =	vst v63  }
0x1f9: {  	s6 =	sshrl.u32 @!p0 s6, $0x2;
	s17 =	simm.s32 $0x2;
	v33 =	vshrl.u32 v33, $0x3;
	v39 =	vmov s15;
	v34 =	vmov s16;
	_ =	swait.ge [sflag:s25], $0x2000  }
0x1fa: {  	v35 =	vmov s17;
	s16 =	simm.s32 $0x6;
	v33 =	vshll.u32 v33, v1;
	v55 =	vshrl.u32 v39, $0x3;
	s14 =	simm.s32 $0x7;
	[sflag:s25] =	ssyncset.done $0x0  }
0x1fb: {  	s9 =	simm.s32 @!p0 $0x80;
	s12 =	simm.s32 $0x4;
	v40 =	vmov s16;
	v34 =	vshrl.u32 v34, $0x3;
	v38 =	vmov s14;
	[sflag:s25] =	ssyncadd.s32 $0xFFFFE000  }
0x1fc: {  	v35 =	vshrl.u32 v35, $0x3;
	v33 =	vbroadcast v33, $0x0;
	v38 =	vshrl.u32 v38, $0x3;
	[tilespmem:s11], [sflag:$0x3] =	stream.indirect.gather @!p0 [hbm4b:s5+s9], $0x40, s6, s9, $0xb8;
	[tilespmem:$0x16C00] =	vst v63  }
0x1fd: {  	v37 =	vmov s12;
	v34 =	vshll.u32 v34, v1;
	v38 =	vshll.u32 v38, v1;
	_ =	swait.ge @p1 [sflag:s31], $0x2000  }
0x1fe: {  	v52 =	vshll.u32 v35, v1;
	v40 =	vshrl.u32 v40, $0x3;
	s11 =	simm.s32 $0x3;
	v38 =	vbroadcast v38, $0x0;
	[sflag:s31] =	ssyncset.done @p1 $0x0  }
0x1ff: {  	v37 =	vshrl.u32 v37, $0x3;
	v45 =	vbroadcast v34, $0x0;
	v36 =	vmov s11;
	s11 =	simm.s32 $0xC5F0;
	[sflag:s31] =	ssyncadd.s32 @p1 $0xFFFFE000  }
0x200: {  	v44 =	vadd.s32 v0, v33;
	v52 =	vbroadcast v52, $0x0;
	v42 =	vadd.s32 v29, v38;
	v41 =	vld [tilespmem:s11+$0xFFFFFFD0]  }
0x201: {  	v56 =	vshll.u32 v40, v1;
	v54 =	vshll.u32 v37, v1;
	v36 =	vshrl.u32 v36, $0x3;
	v43 =	vld [tilespmem:s11+$0xFFFFFE10]  }
0x202: {  	v47 =	vadd.s32 v5, v45;
	v34 =	vbroadcast v54, $0x0;
	v53 =	vshll.u32 v36, v1;
	v46 =	vld [tilespmem:s11+$0xFFFFFE50]  }
0x203: {  	v49 =	vadd.s32 v9, v52;
	v36 =	vshll.u32 v55, v1;
	v35 =	vbroadcast v53, $0x0;
	v48 =	vld [tilespmem:s11+$0xFFFFFE90]  }
0x204: {  	v51 =	vld [tilespmem:s11+$0xFFFFFF10];
	v53 =	vadd.s32 v17, v34;
	v37 =	vbroadcast v36, $0x0;
	v36 =	vbroadcast v56, $0x0  }
0x205: {  	v39 =	vld [tilespmem:s11+$0xFFFFFED0];
	v50 =	vadd.s32 v13, v35;
	[tilespmem:v42+s26+$0x0] =	vst.idx.msk $0xffff, v41  }
0x206: {  	v61 =	vld [tilespmem:s11+$0xFFFFFF90];
	v62 =	vadd.s32 v25, v36;
	[tilespmem:v44+s26+$0x0] =	vst.idx.msk $0xffff, v43  }
0x207: {  	v59 =	vld [tilespmem:s11+$0xFFFFFF50];
	v60 =	vadd.s32 v21, v37;
	[tilespmem:v47+s26+$0x0] =	vst.idx.msk $0xffff, v46  }
0x208: {  	v58 =	vadd.s32 v30, v38;
	[tilespmem:v49+s26+$0x0] =	vst.idx.msk $0xffff, v48;
	v57 =	vld [tilespmem:s11+$0xFFFFFFE0]  }
0x209: {  	v63 =	vadd.s32 v6, v45;
	[tilespmem:v53+s26+$0x0] =	vst.idx.msk $0xffff, v51;
	v47 =	vld [tilespmem:s11+$0xFFFFFE60]  }
0x20a: {  	v55 =	vadd.s32 v10, v52;
	v54 =	vld [tilespmem:s11+$0xFFFFFEA0];
	[tilespmem:v50+s26+$0x0] =	vst.idx.msk $0xffff, v39  }
0x20b: {  	[tilespmem:v62+s26+$0x0] =	vst.idx.msk $0xffff, v61;
	v61 =	vld [tilespmem:s11+$0xFFFFFE20];
	v62 =	vadd.s32 v2, v33  }
0x20c: {  	v56 =	vadd.s32 v14, v35;
	[tilespmem:v60+s26+$0x0] =	vst.idx.msk $0xffff, v59;
	v50 =	vld [tilespmem:s11+$0xFFFFFEE0]  }
0x20d: {  	v59 =	vadd.s32 v18, v34;
	[tilespmem:v58+s26+$0x0] =	vst.idx.msk $0xffff, v57;
	v58 =	vld [tilespmem:s11+$0xFFFFFF20]  }
0x20e: {  	v57 =	vadd.s32 v31, v38;
	[tilespmem:v63+s26+$0x0] =	vst.idx.msk $0xffff, v47;
	v40 =	vld [tilespmem:s11+$0xFFFFFFF0]  }
0x20f: {  	v60 =	vadd.s32 v26, v36;
	[tilespmem:v55+s26+$0x0] =	vst.idx.msk $0xffff, v54;
	v63 =	vld [tilespmem:s11+$0xFFFFFFA0]  }
0x210: {  	v46 =	vadd.s32 v22, v37;
	v44 =	vld [tilespmem:s11+$0xFFFFFF60];
	[tilespmem:v62+s26+$0x0] =	vst.idx.msk $0xffff, v61  }
0x211: {  	v51 =	vadd.s32 v7, v45;
	[tilespmem:v56+s26+$0x0] =	vst.idx.msk $0xffff, v50;
	v50 =	vld [tilespmem:s11+$0xFFFFFE70]  }
0x212: {  	v55 =	vld [tilespmem:s11+$0xFFFFFEB0];
	v56 =	vadd.s32 v11, v52;
	[tilespmem:v59+s26+$0x0] =	vst.idx.msk $0xffff, v58  }
0x213: {  	v58 =	vadd.s32 v15, v35;
	[tilespmem:v57+s26+$0x0] =	vst.idx.msk $0xffff, v40;
	v57 =	vld [tilespmem:s11+$0xFFFFFEF0]  }
0x214: {  	[tilespmem:v60+s26+$0x0] =	vst.idx.msk $0xffff, v63;
	v60 =	vadd.s32 v19, v34;
	v59 =	vld [tilespmem:s11+$0xFFFFFF30]  }
0x215: {  	s9 =	simm.s32 $0x9;
	v38 =	vadd.s32 v32, v38;
	[tilespmem:v46+s26+$0x0] =	vst.idx.msk $0xffff, v44;
	v54 =	vld [tilespmem:s11+$0x0]  }
0x216: {  	s17 =	simm.s32 $0x8;
	v41 =	vadd.s32 v23, v37;
	v53 =	vmov s9;
	v40 =	vld [tilespmem:s11+$0xFFFFFF70];
	[tilespmem:v51+s26+$0x0] =	vst.idx.msk $0xffff, v50  }
0x217: {  	s15 =	simm.s32 $0xC;
	s14 =	simm.s32 $0xB;
	v43 =	vadd.s32 v27, v36;
	v48 =	vadd.s32 v3, v33;
	v63 =	vmov s17;
	v42 =	vld [tilespmem:s11+$0xFFFFFFB0];
	[tilespmem:v56+s26+$0x0] =	vst.idx.msk $0xffff, v55  }
0x218: {  	v47 =	vmov s15;
	v44 =	vmov s14;
	v46 =	vld [tilespmem:s11+$0xFFFFFE30];
	s17 =	simm.s32 $0xE;
	v39 =	vshrl.u32 v63, $0x3;
	[tilespmem:v58+s26+$0x0] =	vst.idx.msk $0xffff, v57  }
0x219: {  	s16 =	simm.s32 $0xD;
	s12 =	simm.s32 $0xA;
	v51 =	vadd.s32 v8, v45;
	v45 =	vshll.u32 v39, v1;
	v39 =	vmov s17;
	v49 =	vld [tilespmem:s11+$0xFFFFFE80];
	[tilespmem:v60+s26+$0x0] =	vst.idx.msk $0xffff, v59  }
0x21a: {  	s15 =	simm.s32 $0xF;
	s14 =	simm.s32 $0x10;
	v52 =	vadd.s32 v12, v52;
	v50 =	vld [tilespmem:s11+$0xFFFFFEC0];
	[tilespmem:v38+s26+$0x0] =	vst.idx.msk $0xffff, v54;
	v54 =	vmov s12;
	v38 =	vmov s16  }
.LBB2_15:
0x21b: {  	p0 =	slt.u32 s14, $0x78;
	v53 =	vshrl.u32 v53, $0x3;
	v55 =	vmov s15;
	v56 =	vld [tilespmem:s11+$0xFFFFFF00];
	v35 =	vadd.s32 v16, v35;
	[tilespmem:v41+s26+$0x0] =	vst.idx.msk $0xffff, v40  }
0x21c: {  	v40 =	vshrl.u32 v54, $0x3;
	v34 =	vadd.s32 v20, v34;
	v41 =	vshrl.u32 v55, $0x3;
	v54 =	vld [tilespmem:s11+$0xFFFFFF40];
	[tilespmem:v43+s26+$0x0] =	vst.idx.msk $0xffff, v42  }
0x21d: {  	v37 =	vadd.s32 v24, v37;
	v42 =	vshrl.u32 v44, $0x3;
	v41 =	vshll.u32 v41, v1;
	[tilespmem:v48+s26+$0x0] =	vst.idx.msk $0xffff, v46;
	v43 =	vld [tilespmem:s11+$0xFFFFFF80]  }
0x21e: {  	v36 =	vadd.s32 v28, v36;
	v44 =	vshrl.u32 v47, $0x3;
	v41 =	vbroadcast v41, $0x0;
	[tilespmem:v51+s26+$0x0] =	vst.idx.msk $0xffff, v49;
	v46 =	vld [tilespmem:s11+$0xFFFFFFC0]  }
0x21f: {  	v47 =	vshll.u32 v53, v1;
	v49 =	vadd.s32 v4, v33;
	v33 =	vbroadcast v45, $0x0;
	v48 =	vld [tilespmem:s11+$0xFFFFFE40];
	[tilespmem:v52+s26+$0x0] =	vst.idx.msk $0xffff, v50;
	s11 =	sadd.s32 $0x200, s11  }
0x220: {  	v40 =	vshll.u32 v40, v1;
	v45 =	vbroadcast v47, $0x0;
	v47 =	vld [tilespmem:s11+$0xFFFFFFD0];
	v50 =	vadd.s32 v29, v41;
	[tilespmem:v35+s26+$0x0] =	vst.idx.msk $0xffff, v56  }
0x221: {  	v55 =	vbroadcast v40, $0x0;
	v52 =	vadd.s32 v0, v33;
	v35 =	vshll.u32 v42, v1;
	v51 =	vld [tilespmem:s11+$0xFFFFFE10];
	[tilespmem:v34+s26+$0x0] =	vst.idx.msk $0xffff, v54  }
0x222: {  	v42 =	vadd.s32 v5, v45;
	v35 =	vbroadcast v35, $0x0;
	v34 =	vshll.u32 v44, v1;
	v40 =	vld [tilespmem:s11+$0xFFFFFE50];
	[tilespmem:v37+s26+$0x0] =	vst.idx.msk $0xffff, v43  }
0x223: {  	v44 =	vadd.s32 v9, v55;
	v34 =	vbroadcast v34, $0x0;
	v37 =	vshrl.u32 v38, $0x3;
	v43 =	vld [tilespmem:s11+$0xFFFFFE90];
	[tilespmem:v36+s26+$0x0] =	vst.idx.msk $0xffff, v46  }
0x224: {  	v39 =	vshrl.u32 v39, $0x3;
	v46 =	vadd.s32 v13, v35;
	v36 =	vshll.u32 v37, v1;
	v38 =	vld [tilespmem:s11+$0xFFFFFED0];
	[tilespmem:v49+s26+$0x0] =	vst.idx.msk $0xffff, v48  }
0x225: {  	v49 =	vadd.s32 v17, v34;
	v37 =	vbroadcast v36, $0x0;
	v36 =	vshll.u32 v39, v1;
	v48 =	vld [tilespmem:s11+$0xFFFFFF10];
	[tilespmem:v50+s26+$0x0] =	vst.idx.msk $0xffff, v47  }
0x226: {  	v36 =	vbroadcast v36, $0x0;
	v47 =	vadd.s32 v30, v41;
	[tilespmem:v52+s26+$0x0] =	vst.idx.msk $0xffff, v51;
	v39 =	vld [tilespmem:s11+$0xFFFFFFE0]  }
0x227: {  	[tilespmem:v42+s26+$0x0] =	vst.idx.msk $0xffff, v40;
	v40 =	vld [tilespmem:s11+$0xFFFFFF50];
	v42 =	vadd.s32 v21, v37  }
0x228: {  	[tilespmem:v44+s26+$0x0] =	vst.idx.msk $0xffff, v43;
	v43 =	vld [tilespmem:s11+$0xFFFFFF90];
	v44 =	vadd.s32 v25, v36  }
0x229: {  	v51 =	vadd.s32 v6, v45;
	v50 =	vld [tilespmem:s11+$0xFFFFFE60];
	[tilespmem:v46+s26+$0x0] =	vst.idx.msk $0xffff, v38  }
0x22a: {  	v46 =	vadd.s32 v10, v55;
	v38 =	vld [tilespmem:s11+$0xFFFFFEA0];
	[tilespmem:v49+s26+$0x0] =	vst.idx.msk $0xffff, v48  }
0x22b: {  	v49 =	vadd.s32 v14, v35;
	v48 =	vld [tilespmem:s11+$0xFFFFFEE0];
	[tilespmem:v47+s26+$0x0] =	vst.idx.msk $0xffff, v39  }
0x22c: {  	[tilespmem:v42+s26+$0x0] =	vst.idx.msk $0xffff, v40;
	v39 =	vld [tilespmem:s11+$0xFFFFFFF0];
	v40 =	vadd.s32 v31, v41  }
0x22d: {  	v47 =	vadd.s32 v18, v34;
	v42 =	vld [tilespmem:s11+$0xFFFFFF20];
	[tilespmem:v44+s26+$0x0] =	vst.idx.msk $0xffff, v43  }
0x22e: {  	v44 =	vadd.s32 v22, v37;
	[tilespmem:v51+s26+$0x0] =	vst.idx.msk $0xffff, v50;
	v43 =	vld [tilespmem:s11+$0xFFFFFF60]  }
0x22f: {  	[tilespmem:v46+s26+$0x0] =	vst.idx.msk $0xffff, v38;
	v38 =	vld [tilespmem:s11+$0xFFFFFFA0];
	v46 =	vadd.s32 v26, v36  }
0x230: {  	v51 =	vadd.s32 v2, v33;
	v50 =	vld [tilespmem:s11+$0xFFFFFE20];
	[tilespmem:v49+s26+$0x0] =	vst.idx.msk $0xffff, v48  }
0x231: {  	v49 =	vadd.s32 v7, v45;
	v48 =	vld [tilespmem:s11+$0xFFFFFE70];
	[tilespmem:v40+s26+$0x0] =	vst.idx.msk $0xffff, v39  }
0x232: {  	[tilespmem:v47+s26+$0x0] =	vst.idx.msk $0xffff, v42;
	v39 =	vld [tilespmem:s11+$0x0];
	v47 =	vadd.s32 v32, v41  }
0x233: {  	v56 =	vadd.s32 v11, v55;
	v52 =	vld [tilespmem:s11+$0xFFFFFEB0];
	[tilespmem:v44+s26+$0x0] =	vst.idx.msk $0xffff, v43  }
0x234: {  	v58 =	vadd.s32 v15, v35;
	v57 =	vld [tilespmem:s11+$0xFFFFFEF0];
	[tilespmem:v46+s26+$0x0] =	vst.idx.msk $0xffff, v38  }
0x235: {  	v60 =	vadd.s32 v19, v34;
	[tilespmem:v51+s26+$0x0] =	vst.idx.msk $0xffff, v50;
	v59 =	vld [tilespmem:s11+$0xFFFFFF30]  }
.Ltmp6:
0x236: {  	s6 =	sadd.s32 $0x1, s14;
	v41 =	vadd.s32 v23, v37;
	v38 =	vmov s14;
	[tilespmem:v49+s26+$0x0] =	vst.idx.msk $0xffff, v48;
	v40 =	vld [tilespmem:s11+$0xFFFFFF70];
	(pc) =	sbr.rel @p0 .LBB2_15-.Ltmp6, $4  }
0x237: {  	s9 =	sadd.s32 $0x3, s14;
	v53 =	vmov s6;
	s6 =	sadd.s32 $0x2, s14;
	v43 =	vadd.s32 v27, v36;
	v50 =	vshrl.u32 v38, $0x3;
	v42 =	vld [tilespmem:s11+$0xFFFFFFB0];
	[tilespmem:v47+s26+$0x0] =	vst.idx.msk $0xffff, v39  }
0x238: {  	v54 =	vmov s6;
	s6 =	sadd.s32 $0x4, s14;
	v44 =	vmov s9;
	s9 =	sadd.s32 $0x5, s14;
	v48 =	vadd.s32 v3, v33;
	v46 =	vld [tilespmem:s11+$0xFFFFFE30];
	[tilespmem:v56+s26+$0x0] =	vst.idx.msk $0xffff, v52  }
0x239: {  	v38 =	vmov s9;
	v51 =	vadd.s32 v8, v45;
	v47 =	vmov s6;
	s6 =	sadd.s32 $0x6, s14;
	v49 =	vld [tilespmem:s11+$0xFFFFFE80];
	[tilespmem:v58+s26+$0x0] =	vst.idx.msk $0xffff, v57  }
0x23a: {  	s15 =	sadd.s32 $0x7, s14;
	v45 =	vshll.u32 v50, v1;
	s14 =	sadd.s32 $0x8, s14;
	v39 =	vmov s6;
	v52 =	vadd.s32 v12, v55;
	v50 =	vld [tilespmem:s11+$0xFFFFFEC0];
	[tilespmem:v60+s26+$0x0] =	vst.idx.msk $0xffff, v59  }
0x23b: {  	_ =	sdelay $0x2  }
0x23c: {  	v53 =	vshrl.u32 v53, $0x3  }
0x23d: {  	v55 =	vmov s15;
	v56 =	vld [tilespmem:s11+$0xFFFFFF00];
	v35 =	vadd.s32 v16, v35;
	[tilespmem:v41+s26+$0x0] =	vst.idx.msk $0xffff, v40;
	v57 =	vshrl.u32 v54, $0x3  }
0x23e: {  	v59 =	vld [tilespmem:s11+$0xFFFFFF40];
	v34 =	vadd.s32 v20, v34;
	v60 =	vshrl.u32 v44, $0x3;
	v58 =	vshrl.u32 v55, $0x3;
	[tilespmem:v43+s26+$0x0] =	vst.idx.msk $0xffff, v42  }
0x23f: {  	v37 =	vadd.s32 v24, v37;
	v62 =	vshrl.u32 v47, $0x3;
	v61 =	vld [tilespmem:s11+$0xFFFFFF80];
	v41 =	vshll.u32 v58, v1;
	[tilespmem:v48+s26+$0x0] =	vst.idx.msk $0xffff, v46  }
0x240: {  	v36 =	vadd.s32 v28, v36;
	v45 =	vbroadcast v45, $0x0;
	v63 =	vld [tilespmem:s11+$0xFFFFFFC0];
	v41 =	vbroadcast v41, $0x0;
	[tilespmem:v51+s26+$0x0] =	vst.idx.msk $0xffff, v49  }
0x241: {  	v33 =	vadd.s32 v4, v33;
	s9 =	sadd.s32 $0x200, s11;
	v38 =	vshrl.u32 v38, $0x3;
	v55 =	vshll.u32 v53, v1;
	v48 =	vld [tilespmem:s11+$0xFFFFFE40];
	[tilespmem:v52+s26+$0x0] =	vst.idx.msk $0xffff, v50  }
0x242: {  	v40 =	vshll.u32 v57, v1;
	v47 =	vbroadcast v55, $0x0;
	v49 =	vld [tilespmem:s9+$0xFFFFFFD0];
	v50 =	vadd.s32 v29, v41;
	[tilespmem:v35+s26+$0x0] =	vst.idx.msk $0xffff, v56  }
0x243: {  	v42 =	vshll.u32 v60, v1;
	v40 =	vbroadcast v40, $0x0;
	v35 =	vld [tilespmem:s9+$0xFFFFFE10];
	v56 =	vadd.s32 v0, v45;
	[tilespmem:v34+s26+$0x0] =	vst.idx.msk $0xffff, v59  }
0x244: {  	v57 =	vld [tilespmem:s9+$0xFFFFFE50];
	v44 =	vshll.u32 v62, v1;
	v42 =	vbroadcast v42, $0x0;
	v58 =	vadd.s32 v5, v47;
	[tilespmem:v37+s26+$0x0] =	vst.idx.msk $0xffff, v61  }
0x245: {  	v38 =	vshll.u32 v38, v1;
	v44 =	vbroadcast v44, $0x0;
	v60 =	vadd.s32 v9, v40;
	v59 =	vld [tilespmem:s9+$0xFFFFFE90];
	[tilespmem:v36+s26+$0x0] =	vst.idx.msk $0xffff, v63  }
0x246: {  	v38 =	vbroadcast v38, $0x0;
	v62 =	vadd.s32 v13, v42;
	v61 =	vld [tilespmem:s9+$0xFFFFFED0];
	[tilespmem:v33+s26+$0x0] =	vst.idx.msk $0xffff, v48  }
0x247: {  	v39 =	vshrl.u32 v39, $0x3;
	v63 =	vadd.s32 v17, v44;
	v33 =	vld [tilespmem:s9+$0xFFFFFF10];
	[tilespmem:v50+s26+$0x0] =	vst.idx.msk $0xffff, v49  }
0x248: {  	v39 =	vshll.u32 v39, v1;
	v34 =	vld [tilespmem:s9+$0xFFFFFF50];
	[tilespmem:v56+s26+$0x0] =	vst.idx.msk $0xffff, v35;
	v56 =	vadd.s32 v21, v38  }
0x249: {  	[tilespmem:v58+s26+$0x0] =	vst.idx.msk $0xffff, v57;
	v35 =	vbroadcast v39, $0x0;
	v49 =	vadd.s32 v30, v41;
	v39 =	vld [tilespmem:s9+$0xFFFFFFE0]  }
0x24a: {  	[tilespmem:v60+s26+$0x0] =	vst.idx.msk $0xffff, v59;
	v59 =	vld [tilespmem:s9+$0xFFFFFE60];
	v60 =	vadd.s32 v6, v47  }
0x24b: {  	v57 =	vld [tilespmem:s9+$0xFFFFFF90];
	[tilespmem:v62+s26+$0x0] =	vst.idx.msk $0xffff, v61;
	v58 =	vadd.s32 v25, v35  }
0x24c: {  	v61 =	vld [tilespmem:s9+$0xFFFFFEA0];
	v62 =	vadd.s32 v10, v40;
	[tilespmem:v63+s26+$0x0] =	vst.idx.msk $0xffff, v33  }
0x24d: {  	v33 =	vld [tilespmem:s9+$0xFFFFFEE0];
	v63 =	vadd.s32 v14, v42;
	[tilespmem:v56+s26+$0x0] =	vst.idx.msk $0xffff, v34  }
0x24e: {  	v56 =	vadd.s32 v18, v44;
	[tilespmem:v49+s26+$0x0] =	vst.idx.msk $0xffff, v39;
	v49 =	vld [tilespmem:s9+$0xFFFFFF20]  }
0x24f: {  	[tilespmem:v60+s26+$0x0] =	vst.idx.msk $0xffff, v59;
	v39 =	vadd.s32 v31, v41;
	v34 =	vld [tilespmem:s9+$0xFFFFFFF0]  }
0x250: {  	[tilespmem:v58+s26+$0x0] =	vst.idx.msk $0xffff, v57;
	v57 =	vld [tilespmem:s9+$0xFFFFFF60];
	v58 =	vadd.s32 v22, v38  }
0x251: {  	[tilespmem:v62+s26+$0x0] =	vst.idx.msk $0xffff, v61;
	v61 =	vld [tilespmem:s9+$0xFFFFFE20];
	v62 =	vadd.s32 v2, v45  }
0x252: {  	v60 =	vadd.s32 v26, v35;
	v59 =	vld [tilespmem:s9+$0xFFFFFFA0];
	[tilespmem:v63+s26+$0x0] =	vst.idx.msk $0xffff, v33  }
0x253: {  	v55 =	vadd.s32 v11, v40;
	v54 =	vadd.s32 v32, v41;
	v41 =	vld [tilespmem:s9+$0xFFFFFEB0];
	[tilespmem:v56+s26+$0x0] =	vst.idx.msk $0xffff, v49  }
0x254: {  	v53 =	vadd.s32 v7, v47;
	v63 =	vld [tilespmem:s9+$0xFFFFFE70];
	[tilespmem:v39+s26+$0x0] =	vst.idx.msk $0xffff, v34  }
0x255: {  	v56 =	vld [tilespmem:s9+$0xFFFFFEF0];
	[tilespmem:v58+s26+$0x0] =	vst.idx.msk $0xffff, v57;
	v57 =	vadd.s32 v15, v42  }
0x256: {  	[tilespmem:v62+s26+$0x0] =	vst.idx.msk $0xffff, v61;
	v34 =	vld [tilespmem:s9+$0x0]  }
0x257: {  	v58 =	vld [tilespmem:s9+$0xFFFFFF30];
	[tilespmem:v60+s26+$0x0] =	vst.idx.msk $0xffff, v59;
	v59 =	vadd.s32 v19, v44  }
0x258: {  	v61 =	vadd.s32 v23, v38;
	[tilespmem:v55+s26+$0x0] =	vst.idx.msk $0xffff, v41;
	v60 =	vld [tilespmem:s9+$0xFFFFFF70]  }
0x259: {  	[tilespmem:v53+s26+$0x0] =	vst.idx.msk $0xffff, v63;
	v63 =	vadd.s32 v27, v35;
	v62 =	vld [tilespmem:s9+$0xFFFFFFB0]  }
0x25a: {  	v47 =	vadd.s32 v8, v47;
	v55 =	vld [tilespmem:s9+$0xFFFFFE80];
	[tilespmem:v57+s26+$0x0] =	vst.idx.msk $0xffff, v56  }
0x25b: {  	v53 =	vld [tilespmem:s9+$0xFFFFFE30];
	[tilespmem:v54+s26+$0x0] =	vst.idx.msk $0xffff, v34;
	v54 =	vadd.s32 v3, v45  }
0x25c: {  	v40 =	vadd.s32 v12, v40;
	v56 =	vld [tilespmem:s9+$0xFFFFFEC0];
	[tilespmem:v59+s26+$0x0] =	vst.idx.msk $0xffff, v58  }
0x25d: {  	v42 =	vadd.s32 v16, v42;
	v57 =	vld [tilespmem:s9+$0xFFFFFF00];
	[tilespmem:v61+s26+$0x0] =	vst.idx.msk $0xffff, v60  }
0x25e: {  	v59 =	vadd.s32 v20, v44;
	v58 =	vld [tilespmem:s9+$0xFFFFFF40];
	[tilespmem:v63+s26+$0x0] =	vst.idx.msk $0xffff, v62  }
0x25f: {  	v38 =	vadd.s32 v24, v38;
	v60 =	vld [tilespmem:s9+$0xFFFFFF80];
	[tilespmem:v47+s26+$0x0] =	vst.idx.msk $0xffff, v55  }
0x260: {  	v35 =	vadd.s32 v28, v35;
	v61 =	vld [tilespmem:s9+$0xFFFFFFC0];
	[tilespmem:v54+s26+$0x0] =	vst.idx.msk $0xffff, v53  }
0x261: {  	v63 =	vadd.s32 v4, v45;
	[tilespmem:v40+s26+$0x0] =	vst.idx.msk $0xffff, v56;
	v62 =	vld [tilespmem:s9+$0xFFFFFE40]  }
0x262: {  	[tilespmem:v42+s26+$0x0] =	vst.idx.msk $0xffff, v57  }
0x263: {  	s6 =	sshll.u32 s10, $0x12;
	[tilespmem:v59+s26+$0x0] =	vst.idx.msk $0xffff, v58  }
0x264: {  	s6 =	sor.u32 s4, s6;
	[tilespmem:v38+s26+$0x0] =	vst.idx.msk $0xffff, v60  }
0x265: {  	s6 =	sshrl.u32 s6, $0x3;
	[tilespmem:v35+s26+$0x0] =	vst.idx.msk $0xffff, v61  }
0x266: {  	s10 =	simm.s32 $0x14A00;
	s11 =	sadd.s32 s1, s6;
	[tilespmem:v63+s26+$0x0] =	vst.idx.msk $0xffff, v62  }
0x267: {  	[hbm4b:s11+s3] =	stream.linear.scatter [tilespmem:s10], [sflag:$0x8], $0x80, $0x38;
	[tilespmem:$0x16C00] =	vst v63  }
0x268: {  	s12 =	simm.s32 $0x14A88;
	s9 =	sadd.s32 $0x10, s11  }
0x269: {  	[hbm4b:s9+s3] =	stream.linear.scatter [tilespmem:s12], [sflag:$0x8], $0x80, $0x38;
	[tilespmem:$0x16C00] =	vst v63  }
0x26a: {  	s14 =	simm.s32 $0x14B10;
	s16 =	simm.s32 $0x14B98;
	s15 =	sadd.s32 $0x20, s11  }
0x26b: {  	[hbm4b:s15+s3] =	stream.linear.scatter [tilespmem:s14], [sflag:$0x8], $0x80, $0x38;
	[tilespmem:$0x16C00] =	vst v63  }
0x26c: {  	s6 =	simm.s32 $0x14DB8;
	s17 =	sadd.s32 $0x30, s11;
	s10 =	simm.s32 $0x14C20  }
0x26d: {  	[hbm4b:s17+s3] =	stream.linear.scatter [tilespmem:s16], [sflag:$0x8], $0x80, $0x38;
	[tilespmem:$0x16C00] =	vst v63  }
0x26e: {  	s12 =	sadd.s32 $0x40, s11;
	s9 =	sadd.s32 $0x70, s11;
	s14 =	simm.s32 $0x14CA8  }
0x26f: {  	[hbm4b:s12+s3] =	stream.linear.scatter [tilespmem:s10], [sflag:$0x8], $0x80, $0x38;
	[tilespmem:$0x16C00] =	vst v63  }
0x270: {  	s15 =	sadd.s32 $0x50, s11;
	s16 =	simm.s32 $0x14D30;
	s17 =	sadd.s32 $0x60, s11  }
0x271: {  	[hbm4b:s15+s3] =	stream.linear.scatter [tilespmem:s14], [sflag:$0x8], $0x80, $0x38;
	[tilespmem:$0x16C00] =	vst v63  }
0x272: {  	s11 =	sadd.s32 $0x1000, s11;
	s10 =	simm.s32 $0x440;
	s14 =	simm.s32 $0x2200  }
0x273: {  	[hbm4b:s17+s3] =	stream.linear.scatter [tilespmem:s16], [sflag:$0x8], $0x80, $0x38;
	[tilespmem:$0x16C00] =	vst v63  }
.LBB2_17:
0x274: {  	[hbm4b:s9+s3] =	stream.linear.scatter [tilespmem:s6], [sflag:$0x8], $0x80, $0x38;
	[tilespmem:$0x16C00] =	vst v63  }
0x275: {  	s6 =	smov.u32 s10;
	s9 =	smov.u32 s14  }
0x276: {  	s12 =	sadd.s32 $0x1100, s14;
	s10 =	sshra.s32 s9, $0x2;
	s9 =	sadd.s32 $0x14A00, s6  }
0x277: {  	[hbm4b:s11+s3] =	stream.linear.scatter [tilespmem:s9], [sflag:$0x8], $0x80, $0x38;
	[tilespmem:$0x16C00] =	vst v63  }
0x278: {  	p0 =	sne.s32 s14, $0x7700;
	s14 =	sadd.s32 $0x10, s11;
	s9 =	sadd.s32 $0x14A88, s6  }
0x279: {  	[hbm4b:s14+s3] =	stream.linear.scatter [tilespmem:s9], [sflag:$0x8], $0x80, $0x38;
	[tilespmem:$0x16C00] =	vst v63  }
0x27a: {  	s9 =	sadd.s32 $0x14B10, s6;
	s14 =	sadd.s32 $0x20, s11  }
0x27b: {  	[hbm4b:s14+s3] =	stream.linear.scatter [tilespmem:s9], [sflag:$0x8], $0x80, $0x38;
	[tilespmem:$0x16C00] =	vst v63  }
0x27c: {  	s9 =	sadd.s32 $0x14B98, s6;
	s14 =	sadd.s32 $0x30, s11  }
0x27d: {  	[hbm4b:s14+s3] =	stream.linear.scatter [tilespmem:s9], [sflag:$0x8], $0x80, $0x38;
	[tilespmem:$0x16C00] =	vst v63  }
0x27e: {  	s9 =	sadd.s32 $0x14C20, s6;
	s14 =	sadd.s32 $0x40, s11  }
0x27f: {  	[hbm4b:s14+s3] =	stream.linear.scatter [tilespmem:s9], [sflag:$0x8], $0x80, $0x38;
	[tilespmem:$0x16C00] =	vst v63  }
.Ltmp7:
0x280: {  	s9 =	sadd.s32 $0x14CA8, s6;
	s14 =	sadd.s32 $0x50, s11;
	(pc) =	sbr.rel @p0 .LBB2_17-.Ltmp7, $4  }
0x281: {  	[hbm4b:s14+s3] =	stream.linear.scatter [tilespmem:s9], [sflag:$0x8], $0x80, $0x38;
	[tilespmem:$0x16C00] =	vst v63  }
0x282: {  	s9 =	sadd.s32 $0x14D30, s6;
	s14 =	sadd.s32 $0x60, s11;
	s6 =	sadd.s32 $0x14DB8, s6  }
0x283: {  	[hbm4b:s14+s3] =	stream.linear.scatter [tilespmem:s9], [sflag:$0x8], $0x80, $0x38;
	[tilespmem:$0x16C00] =	vst v63  }
0x284: {  	s9 =	sadd.s32 $0x70, s11;
	s11 =	sadd.s32 $0x1000, s11;
	s14 =	smov.u32 s12  }
0x285: {  	[hbm4b:s9+s3] =	stream.linear.scatter [tilespmem:s6], [sflag:$0x8], $0x80, $0x38;
	[tilespmem:$0x16C00] =	vst v63  }
0x286: {  	s15 =	sadd.s32 $0x14A00, s10  }
0x287: {  	[hbm4b:s11+s3] =	stream.linear.scatter [tilespmem:s15], [sflag:$0x8], $0x80, $0x38;
	[tilespmem:$0x16C00] =	vst v63  }
0x288: {  	s16 =	sadd.s32 $0x14A88, s10;
	s17 =	sadd.s32 $0x10, s11  }
0x289: {  	[hbm4b:s17+s3] =	stream.linear.scatter [tilespmem:s16], [sflag:$0x8], $0x80, $0x38;
	[tilespmem:$0x16C00] =	vst v63  }
0x28a: {  	s9 =	sadd.s32 $0x14B10, s10;
	s12 =	sadd.s32 $0x20, s11  }
0x28b: {  	[hbm4b:s12+s3] =	stream.linear.scatter [tilespmem:s9], [sflag:$0x8], $0x80, $0x38;
	[tilespmem:$0x16C00] =	vst v63  }
0x28c: {  	s14 =	sadd.s32 $0x14B98, s10;
	s15 =	sadd.s32 $0x30, s11  }
0x28d: {  	[hbm4b:s15+s3] =	stream.linear.scatter [tilespmem:s14], [sflag:$0x8], $0x80, $0x38;
	[tilespmem:$0x16C00] =	vst v63  }
0x28e: {  	s2 =	sadd.s32 $0x1, s2;
	s16 =	sadd.s32 $0x14C20, s10;
	s17 =	sadd.s32 $0x40, s11  }
0x28f: {  	[hbm4b:s17+s3] =	stream.linear.scatter [tilespmem:s16], [sflag:$0x8], $0x80, $0x38;
	[tilespmem:$0x16C00] =	vst v63  }
0x290: {  	p0 =	sne.s32 s2, $0x32;
	s9 =	sadd.s32 $0x14CA8, s10;
	s12 =	sadd.s32 $0x50, s11  }
0x291: {  	[hbm4b:s12+s3] =	stream.linear.scatter [tilespmem:s9], [sflag:$0x8], $0x80, $0x38;
	[tilespmem:$0x16C00] =	vst v63  }
.Ltmp8:
0x292: {  	_ = 	snop;
	(pc) =	sbr.rel @p0 .LBB2_2-.Ltmp8, $4  }
0x293: {  	s14 =	sadd.s32 $0x14D30, s10;
	s15 =	sadd.s32 $0x60, s11  }
0x294: {  	[hbm4b:s15+s3] =	stream.linear.scatter [tilespmem:s14], [sflag:$0x8], $0x80, $0x38;
	[tilespmem:$0x16C00] =	vst v63  }
0x295: {  	s16 =	sadd.s32 $0x14DB8, s10;
	s17 =	sadd.s32 $0x70, s11  }
0x296: {  	[hbm4b:s17+s3] =	stream.linear.scatter [tilespmem:s16], [sflag:$0x8], $0x80, $0x38;
	[tilespmem:$0x16C00] =	vst v63  }
0x297: {  	_ =	swait.ge [sflag:s28], $0x2000  }
0x298: {  	[sflag:s28] =	ssyncset.done $0x0  }
0x299: {  	[sflag:s28] =	ssyncadd.s32 $0xFFFFE000  }
0x29a: {  	_ =	swait.ge [sflag:s29], $0x2000  }
0x29b: {  	[sflag:s29] =	ssyncset.done $0x0  }
0x29c: {  	[sflag:s29] =	ssyncadd.s32 $0xFFFFE000  }
0x29d: {  	_ =	swait.ge [sflag:s30], $0x2000  }
0x29e: {  	[sflag:s30] =	ssyncset.done $0x0  }
0x29f: {  	[sflag:s30] =	ssyncadd.s32 $0xFFFFE000  }
0x2a0: {  	_ =	swait.ge [sflag:s31], $0x2000  }
0x2a1: {  	s0 =	sadd.s32 $0x1, s0;
	s2 =	rddreg [dreg:$0x5]  }
0x2a2: {  	p0 =	sne.s32 s0, s2  }
.Ltmp9:
0x2a3: {  	_ = 	snop;
	(pc) =	sbr.rel @p0 .LBB2_1-.Ltmp9, $3  }
0x2a4: {  	_ =	sdelay $0x1  }
0x2a5: {  	[sflag:s31] =	ssyncset.done $0x0  }
0x2a6: {  	[sflag:s31] =	ssyncadd.s32 $0xFFFFE000  }
0x2a7: {  	_ =	sfence.sel $0x180000  }
0x2a8: {  	[bflag:$0x0] =	sbarrier.arrive $0xFFFF  }
0x2a9: {  	_ =	strace $0x90000047  }
0x2aa: {  	s0 =	stileid.u32;
	[bflag:$0x2] =	sbarrier.arrive $0xFFFF  }
0x2ab: {  	p0 =	sne.s32 s0, $0x0;
	s0 =	rddreg [dreg:$0x3]  }
0x2ac: {  	s0 =	sadd.s32 @!p0 $0x100000, s0  }
0x2ad: {  	[sflag:s0] =	ssyncadd.tile.s32 @!p0 $0x1;
	_ =	shalt  }
.Lfunc_end2:
_tile_overlayer_lowered:
.L_overlay_start_2:
0x2ae: {  	(tag) =	ssettag $0x2  }
0x2af: {  	s0 =	rddreg [dreg:$0x0];
	s2 =	stileid.u32  }
0x2b0: {  	s1 =	rddreg [dreg:$0x1];
	p0 =	sne.s32 s2, $0x0  }
0x2b1: {  	s3 =	rddreg [dreg:$0x2];
	[bflag:$0x3] =	sbarrier.arrive $0xFFFF;
	s2 =	simm.s32 @!p0 $0x1C09  }
0x2b2: {  	[timem:s3], [sflag:s2] =	dma.local @!p0 [hbm:s0], s1  }
0x2b3: {  	s0 =	simm.s32 @!p0 $0x9  }
0x2b4: {  	_ =	swait.ge @!p0 [sflag:s0], s1  }
0x2b5: {  	s1 =	ssub.s32 @!p0 $0x0, s1;
	[sflag:s0] =	ssyncset.done @!p0 $0x0  }
0x2b6: {  	[sflag:s0] =	ssyncadd.s32 @!p0 s1  }
0x2b7: {  	[bflag:$0x3] =	sbarrier.arrive $0xFFFF  }
0x2b8: {  	_ =	shalt  }

</sc_bundles>
